<compile_context>
chip_gen: v7x
topology: tpu7x:2x2x1
jax: 0.10.2.dev20260603
libtpu: 0.0.44.dev20260713+nightly
codegen_flags: <defaults>
</compile_context>

<pallas_src>
import functools

import jax
import jax.numpy as jnp
from jax import lax
from jax.experimental import pallas as pl
from jax.experimental.pallas import tpu as pltpu
from jax.experimental.pallas import tpu_sc as plsc

N_NODES = 10000
N_EDGES = 320000
D_IN = 128
NHID = 16
H1 = 8
H2 = 1
N_CLASSES = 40

NP = 10160
E_TOT = N_EDGES + N_NODES
NW = 32
EB = 128
BPW = -(-E_TOT // (NW * EB))
E_PAD = NW * EB * BPW

ROW1 = 144
ROW2 = 48

RB = 1016

_mesh = plsc.VectorSubcoreMesh(core_axis_name="c", subcore_axis_name="s")


def _tc1_body(x_ref, w1_ref, aa_ref, ab_ref, h1_ref, ta_ref, tb_ref):
    h = jnp.dot(x_ref[...], w1_ref[...], preferred_element_type=jnp.float32)
    h1_ref[...] = h
    ta_ref[...] = jnp.dot(h, aa_ref[...], preferred_element_type=jnp.float32)
    tb_ref[...] = jnp.dot(h, ab_ref[...], preferred_element_type=jnp.float32)


def _tc1(x_pad, W1, AsdA, AsdB):
    return pl.pallas_call(
        _tc1_body,
        grid=(NP // RB,),
        in_specs=[
            pl.BlockSpec((RB, D_IN), lambda i: (i, 0)),
            pl.BlockSpec((D_IN, 128), lambda i: (0, 0)),
            pl.BlockSpec((128, 16), lambda i: (0, 0)),
            pl.BlockSpec((128, 16), lambda i: (0, 0)),
        ],
        out_specs=[
            pl.BlockSpec((RB, 128), lambda i: (i, 0)),
            pl.BlockSpec((RB, 16), lambda i: (i, 0)),
            pl.BlockSpec((RB, 16), lambda i: (i, 0)),
        ],
        out_shape=[
            jax.ShapeDtypeStruct((NP, 128), jnp.float32),
            jax.ShapeDtypeStruct((NP, 16), jnp.float32),
            jax.ShapeDtypeStruct((NP, 16), jnp.float32),
        ],
    )(x_pad, W1, AsdA, AsdB)


def _tc2_body(a0_ref, a1_ref, b1_ref, w2_ref, a2_ref, h2_ref, t2_ref):
    top = a0_ref[...] + a1_ref[...]
    den = top[:, 128:136]
    acc = jnp.zeros((RB, ROW2), jnp.float32)
    for h in range(H1):
        part = top[:, 16 * h:16 * h + 16] / (den[:, h:h + 1] + 1e-16)
        part = part + b1_ref[0:1, 16 * h:16 * h + 16]
        part = jnp.where(part > 0, part, jnp.exp(jnp.minimum(part, 0.0)) - 1.0)
        acc = acc + jnp.dot(part, w2_ref[16 * h:16 * h + 16, :],
                            preferred_element_type=jnp.float32)
    h2_ref[...] = acc
    t2_ref[...] = jnp.dot(acc, a2_ref[...], preferred_element_type=jnp.float32)


def _tc2(acc1a, acc1b, b1r, W2pad, a2sd):
    return pl.pallas_call(
        _tc2_body,
        grid=(NP // RB,),
        in_specs=[
            pl.BlockSpec((RB, ROW1), lambda i: (i, 0)),
            pl.BlockSpec((RB, ROW1), lambda i: (i, 0)),
            pl.BlockSpec((1, 128), lambda i: (0, 0)),
            pl.BlockSpec((128, ROW2), lambda i: (0, 0)),
            pl.BlockSpec((ROW2, 16), lambda i: (0, 0)),
        ],
        out_specs=[
            pl.BlockSpec((RB, ROW2), lambda i: (i, 0)),
            pl.BlockSpec((RB, 16), lambda i: (i, 0)),
        ],
        out_shape=[
            jax.ShapeDtypeStruct((NP, ROW2), jnp.float32),
            jax.ShapeDtypeStruct((NP, 16), jnp.float32),
        ],
    )(acc1a, acc1b, b1r, W2pad, a2sd)


def _tc3_body(a0_ref, a1_ref, b2_ref, o_ref):
    top = a0_ref[...] + a1_ref[...]
    den = top[:, 40:41]
    logits = top / (den + 1e-16) + b2_ref[0:1, :]
    col = lax.broadcasted_iota(jnp.int32, (RB, ROW2), 1)
    valid = col < N_CLASSES
    l = jnp.where(valid, logits, -1e30)
    m = jnp.max(l, axis=1, keepdims=True)
    z = jnp.where(valid, jnp.exp(l - m), 0.0)
    s = jnp.sum(z, axis=1, keepdims=True)
    o_ref[...] = l - m - jnp.log(s)


def _tc3(acc2a, acc2b, b2r):
    return pl.pallas_call(
        _tc3_body,
        grid=(NP // RB,),
        in_specs=[
            pl.BlockSpec((RB, ROW2), lambda i: (i, 0)),
            pl.BlockSpec((RB, ROW2), lambda i: (i, 0)),
            pl.BlockSpec((1, ROW2), lambda i: (0, 0)),
        ],
        out_specs=pl.BlockSpec((RB, ROW2), lambda i: (i, 0)),
        out_shape=jax.ShapeDtypeStruct((NP, ROW2), jnp.float32),
    )(acc2a, acc2b, b2r)


@functools.partial(
    pl.kernel,
    out_type=jax.ShapeDtypeStruct((2, NP, ROW1), jnp.float32),
    mesh=_mesh,
    compiler_params=pltpu.CompilerParams(use_tc_tiling_on_sc=False),
    scratch_types=[
        pltpu.VMEM((EB,), jnp.int32),
        pltpu.VMEM((EB,), jnp.int32),
        pltpu.VMEM((EB, 16), jnp.float32),
        pltpu.VMEM((EB, 16), jnp.float32),
        pltpu.VMEM((EB, 128), jnp.float32),
        pltpu.VMEM((EB, ROW1), jnp.float32),
        pltpu.VMEM_SHARED((NP, ROW1), jnp.float32),
    ],
)
def _sc1(src_h, dst_h, ta_h, tb_h, h1_h, out_h,
         src_v, dst_v, ga_v, gb_v, gh_v, m_v, acc_s):
    c = lax.axis_index("c")
    s = lax.axis_index("s")

    zer = jnp.zeros((16,), jnp.float32)

    @pl.loop(0, EB)
    def _(r):
        for j in range(ROW1 // 16):
            m_v[r, 16 * j:16 * j + 16] = zer

    @pl.loop(0, 5)
    def _(j):
        pltpu.sync_copy(m_v.at[pl.ds(0, 127)],
                        acc_s.at[pl.ds((s * 5 + j) * 127, 127)])

    plsc.subcore_barrier()

    w = c * 16 + s

    @pl.loop(0, BPW)
    def _(i):
        base = (w * BPW + i) * EB
        pltpu.sync_copy(src_h.at[pl.ds(base, EB)], src_v)
        pltpu.sync_copy(dst_h.at[pl.ds(base, EB)], dst_v)
        pltpu.sync_copy(ta_h.at[src_v], ga_v)
        pltpu.sync_copy(tb_h.at[dst_v], gb_v)
        pltpu.sync_copy(h1_h.at[src_v], gh_v)

        @pl.loop(0, EB)
        def _(e):
            ev = ga_v[e, :] + gb_v[e, :]
            eh = jnp.exp(jnp.maximum(ev, 0.2 * ev))
            m_v[e, 128:144] = eh
            for h in range(H1):
                sc = eh[h]
                m_v[e, 16 * h:16 * h + 16] = gh_v[e, 16 * h:16 * h + 16] * sc

        pltpu.sync_copy(m_v, acc_s.at[dst_v], add=True)

    plsc.subcore_barrier()

    @pl.loop(0, 5)
    def _(j):
        r0 = (s * 5 + j) * 127
        pltpu.sync_copy(acc_s.at[pl.ds(r0, 127)], out_h.at[c, pl.ds(r0, 127)])


@functools.partial(
    pl.kernel,
    out_type=jax.ShapeDtypeStruct((2, NP, ROW2), jnp.float32),
    mesh=_mesh,
    compiler_params=pltpu.CompilerParams(use_tc_tiling_on_sc=False,
                                         needs_layout_passes=False),
    scratch_types=[
        pltpu.VMEM((NP,), jnp.float32),
        pltpu.VMEM((NP,), jnp.float32),
        pltpu.VMEM((EB,), jnp.int32),
        pltpu.VMEM((EB,), jnp.int32),
        pltpu.VMEM((EB, ROW2), jnp.float32),
        pltpu.VMEM((EB, ROW2), jnp.float32),
        pltpu.VMEM_SHARED((NP, ROW2), jnp.float32),
    ],
)
def _sc2(src_h, dst_h, as2_h, ad2_h, h2_h, out_h,
         as_v, ad_v, src_v, dst_v, gh_v, m_v, acc_s):
    c = lax.axis_index("c")
    s = lax.axis_index("s")

    pltpu.sync_copy(as2_h, as_v)
    pltpu.sync_copy(ad2_h, ad_v)

    zer = jnp.zeros((16,), jnp.float32)

    @pl.loop(0, EB)
    def _(r):
        for j in range(ROW2 // 16):
            m_v[r, 16 * j:16 * j + 16] = zer

    @pl.loop(0, 5)
    def _(j):
        pltpu.sync_copy(m_v.at[pl.ds(0, 127)],
                        acc_s.at[pl.ds((s * 5 + j) * 127, 127)])

    plsc.subcore_barrier()

    w = c * 16 + s
    iota = lax.iota(jnp.int32, 16)
    onehot = jnp.where(iota == 8, 1.0, 0.0).astype(jnp.float32)

    @pl.loop(0, BPW)
    def _(i):
        base = (w * BPW + i) * EB
        pltpu.sync_copy(src_h.at[pl.ds(base, EB)], src_v)
        pltpu.sync_copy(dst_h.at[pl.ds(base, EB)], dst_v)
        pltpu.sync_copy(h2_h.at[src_v], gh_v)

        @pl.loop(0, EB // 16)
        def _(g):
            sv = src_v[pl.ds(g * 16, 16)]
            dv = dst_v[pl.ds(g * 16, 16)]
            a16 = plsc.load_gather(as_v, [sv])
            d16 = plsc.load_gather(ad_v, [dv])
            ev = a16 + d16
            eh = jnp.exp(jnp.maximum(ev, 0.2 * ev))
            for j in range(16):
                e = g * 16 + j
                sc = eh[j]
                m_v[e, 0:16] = gh_v[e, 0:16] * sc
                m_v[e, 16:32] = gh_v[e, 16:32] * sc
                m_v[e, 32:48] = (gh_v[e, 32:48] + onehot) * sc

        pltpu.sync_copy(m_v, acc_s.at[dst_v], add=True)

    plsc.subcore_barrier()

    @pl.loop(0, 5)
    def _(j):
        r0 = (s * 5 + j) * 127
        pltpu.sync_copy(acc_s.at[pl.ds(r0, 127)], out_h.at[c, pl.ds(r0, 127)])


def _block_diag(a):
    heads = a.shape[0]
    eye = jnp.eye(heads, dtype=jnp.float32)
    return (a[:, :, None] * eye[:, None, :]).reshape(a.shape[0] * a.shape[1],
                                                     heads)


@jax.jit
def kernel(x, edge_index, W1, a_src1, a_dst1, b1, W2, a_src2, a_dst2, b2):
    loop = jnp.arange(N_NODES, dtype=jnp.int32)
    src = jnp.concatenate([edge_index[0].astype(jnp.int32), loop])
    dst = jnp.concatenate([edge_index[1].astype(jnp.int32), loop])
    npad = E_PAD - E_TOT
    pad_src = jnp.arange(npad, dtype=jnp.int32) % N_NODES
    pad_dst = N_NODES + (jnp.arange(npad, dtype=jnp.int32) % (NP - N_NODES))
    src = jnp.concatenate([src, pad_src])
    dst = jnp.concatenate([dst, pad_dst])

    x_pad = jnp.zeros((NP, D_IN), jnp.float32).at[:N_NODES].set(x)

    A_s = _block_diag(a_src1)
    A_d = _block_diag(a_dst1)
    AsdA = jnp.concatenate([A_s, A_d], axis=1)
    AsdB = jnp.concatenate([A_d, A_s], axis=1)

    h1, tableA, tableB = _tc1(x_pad, W1, AsdA, AsdB)

    acc1 = _sc1(src, dst, tableA, tableB, h1)
    acc1a, acc1b = acc1[0], acc1[1]

    b1r = b1.reshape(1, 128)
    W2pad = jnp.zeros((128, ROW2), jnp.float32).at[:, :N_CLASSES].set(W2)
    a2sd = jnp.zeros((ROW2, 16), jnp.float32)
    a2sd = a2sd.at[:N_CLASSES, 0].set(a_src2[0])
    a2sd = a2sd.at[:N_CLASSES, 1].set(a_dst2[0])

    h2pad, t2 = _tc2(acc1a, acc1b, b1r, W2pad, a2sd)
    as2 = t2[:, 0]
    ad2 = t2[:, 1]

    acc2 = _sc2(src, dst, as2, ad2, h2pad)
    acc2a, acc2b = acc2[0], acc2[1]

    b2r = jnp.zeros((1, ROW2), jnp.float32).at[0, :N_CLASSES].set(b2)
    out = _tc3(acc2a, acc2b, b2r)
    return out[:N_NODES, :N_CLASSES]

# --- scband reference (transcript-rebuilt; emitter-appended) ---
"""Pipeline reference for scband-gat-width-69277822484764 (READ-ONLY COPY).

The authoritative reference and input builder live on the scoring server;
editing this copy changes nothing except your own understanding.
"""

import jax, jax.numpy as jnp
import numpy as np

N_NODES = 10000
N_EDGES = 320000
D_IN = 128
NHID = 16
H1 = 8
H2 = 1
N_CLASSES = 40


def setup_inputs(seed: int = 0) -> dict:
    key = jax.random.key(seed)
    ks = jax.random.split(key, 12)
    x = jax.random.normal(ks[0], (N_NODES, D_IN), dtype=jnp.float32)
    edge_index = jax.random.randint(ks[1], (2, N_EDGES), 0, N_NODES, dtype=jnp.int64)
    s1 = 1.0 / np.sqrt(D_IN)
    W1 = jax.random.uniform(ks[2], (D_IN, H1 * NHID), dtype=jnp.float32, minval=-s1, maxval=s1)
    a_src1 = jax.random.uniform(ks[3], (H1, NHID), dtype=jnp.float32, minval=-s1, maxval=s1)
    a_dst1 = jax.random.uniform(ks[4], (H1, NHID), dtype=jnp.float32, minval=-s1, maxval=s1)
    b1 = jnp.zeros((H1 * NHID,), dtype=jnp.float32)
    d2 = H1 * NHID
    s2 = 1.0 / np.sqrt(d2)
    W2 = jax.random.uniform(ks[5], (d2, H2 * N_CLASSES), dtype=jnp.float32, minval=-s2, maxval=s2)
    a_src2 = jax.random.uniform(ks[6], (H2, N_CLASSES), dtype=jnp.float32, minval=-s2, maxval=s2)
    a_dst2 = jax.random.uniform(ks[7], (H2, N_CLASSES), dtype=jnp.float32, minval=-s2, maxval=s2)
    b2 = jnp.zeros((N_CLASSES,), dtype=jnp.float32)
    return {"x": x, "edge_index": edge_index, "W1": W1, "a_src1": a_src1, "a_dst1": a_dst1, "b1": b1, "W2": W2, "a_src2": a_src2, "a_dst2": a_dst2, "b2": b2}


def _gat_conv(x, src, dst, W, a_src, a_dst, b, heads, out_ch, concat):
    N = x.shape[0]
    h = (x @ W).reshape(N, heads, out_ch)
    alpha_s = jnp.sum(h * a_src[None, :, :], axis=-1)
    alpha_d = jnp.sum(h * a_dst[None, :, :], axis=-1)
    e = alpha_s[src] + alpha_d[dst]
    e = jax.nn.leaky_relu(e, negative_slope=0.2)
    emax = jax.ops.segment_max(e, dst, num_segments=N)
    e = jnp.exp(e - emax[dst])
    denom = jax.ops.segment_sum(e, dst, num_segments=N)
    alpha = e / (denom[dst] + 1e-16)
    msg = h[src] * alpha[:, :, None]
    out = jax.ops.segment_sum(msg, dst, num_segments=N)
    if concat:
        out = out.reshape(N, heads * out_ch)
    else:
        out = out.mean(axis=1)
    return out + b


def reference(x, edge_index, W1, a_src1, a_dst1, b1, W2, a_src2, a_dst2, b2):
    N = x.shape[0]
    loop = jnp.arange(N, dtype=edge_index.dtype)
    src = jnp.concatenate([edge_index[0], loop])
    dst = jnp.concatenate([edge_index[1], loop])
    h = _gat_conv(x, src, dst, W1, a_src1, a_dst1, b1, H1, NHID, True)
    h = jax.nn.elu(h)
    h = _gat_conv(h, src, dst, W2, a_src2, a_dst2, b2, H2, N_CLASSES, False)
    return jax.nn.log_softmax(h, axis=1)

if __name__ == "__main__":
    import jax
    _d = setup_inputs()
    print(jax.jit(kernel)(*tuple(_d.values())))

</pallas_src>

<mosaic_0001>
#map = affine_map<(d0, d1) -> (0)>
#map1 = affine_map<(d0, d1) -> (0, 0)>
#map2 = affine_map<(d0, d1) -> (0, 0, 0)>
module attributes {stable_mosaic.version = 14 : i64} {
  func.func @_sc1(%arg0: i32, %arg1: i32, %arg2: memref<331776xi32, #tpu.memory_space<hbm>>, %arg3: memref<331776xi32, #tpu.memory_space<hbm>>, %arg4: memref<10160x16xf32, #tpu.memory_space<hbm>>, %arg5: memref<10160x16xf32, #tpu.memory_space<hbm>>, %arg6: memref<10160x128xf32, #tpu.memory_space<hbm>>, %arg7: memref<2x10160x144xf32, #tpu.memory_space<hbm>>, %arg8: memref<128xi32, #tpu.memory_space<vmem>>, %arg9: memref<128xi32, #tpu.memory_space<vmem>>, %arg10: memref<128x16xf32, #tpu.memory_space<vmem>>, %arg11: memref<128x16xf32, #tpu.memory_space<vmem>>, %arg12: memref<128x128xf32, #tpu.memory_space<vmem>>, %arg13: memref<128x144xf32, #tpu.memory_space<vmem>>, %arg14: memref<10160x144xf32, #tpu.memory_space<vmem_shared>>) attributes {dimension_semantics = [#tpu.dimension_semantics<core_parallel>, #tpu.dimension_semantics<subcore_parallel>], iteration_bounds = array<i64: 2, 16>, scalar_prefetch = 0 : i64, scratch_operands = 7 : i64, tpu.core_type = #tpu.core_type<sc_vector_subcore>, window_params = [{transform_indices = #map}, {transform_indices = #map}, {transform_indices = #map1}, {transform_indices = #map1}, {transform_indices = #map1}, {transform_indices = #map2}]} {
    %broadcast_in_dim3A = arith.constant 0.000000e+00 : f32
    %broadcast_in_dim3A_0 = vector.broadcast %broadcast_in_dim3A : f32 to vector<16xf32>
    %scan3A = arith.constant 0 : i32
    %scan3A_1 = arith.constant 128 : i32
    %scan3A_2 = arith.addi %scan3A, %scan3A_1 : i32
    %scan3A_3 = arith.constant 1 : i32
    scf.for %scan3A_22 = %scan3A to %scan3A_2 step %scan3A_3  : i32 {
      %mul3A_23 = arith.constant 1 : i32
      %mul3A_24 = arith.muli %scan3A_22, %mul3A_23 : i32
      %add3A_25 = arith.constant 0 : i32
      %add3A_26 = arith.addi %add3A_25, %mul3A_24 : i32
      %swap3A = arith.index_cast %add3A_26 : i32 to index
      %swap3A_27 = arith.constant 0 : index
      %swap3A_28 = tpu.vector_load %arg13[%swap3A, %swap3A_27] {strides = array<i32>} : memref<128x144xf32, #tpu.memory_space<vmem>>, vector<1x16xf32>,
      %swap3A_29 = vector.shape_cast %swap3A_28 : vector<1x16xf32> to vector<16xf32>
      %swap3A_30 = vector.shape_cast %broadcast_in_dim3A_0 : vector<16xf32> to vector<1x16xf32>
      tpu.vector_store %arg13[%swap3A, %swap3A_27], %swap3A_30 {strides = array<i32>} : memref<128x144xf32, #tpu.memory_space<vmem>>, vector<1x16xf32>,
      %swap3A_31 = arith.index_cast %add3A_26 : i32 to index
      %swap3A_32 = arith.constant 16 : index
      %swap3A_33 = tpu.vector_load %arg13[%swap3A_31, %swap3A_32] {strides = array<i32>} : memref<128x144xf32, #tpu.memory_space<vmem>>, vector<1x16xf32>,
      %swap3A_34 = vector.shape_cast %swap3A_33 : vector<1x16xf32> to vector<16xf32>
      %swap3A_35 = vector.shape_cast %broadcast_in_dim3A_0 : vector<16xf32> to vector<1x16xf32>
      tpu.vector_store %arg13[%swap3A_31, %swap3A_32], %swap3A_35 {strides = array<i32>} : memref<128x144xf32, #tpu.memory_space<vmem>>, vector<1x16xf32>,
      %swap3A_36 = arith.index_cast %add3A_26 : i32 to index
      %swap3A_37 = arith.constant 32 : index
      %swap3A_38 = tpu.vector_load %arg13[%swap3A_36, %swap3A_37] {strides = array<i32>} : memref<128x144xf32, #tpu.memory_space<vmem>>, vector<1x16xf32>,
      %swap3A_39 = vector.shape_cast %swap3A_38 : vector<1x16xf32> to vector<16xf32>
      %swap3A_40 = vector.shape_cast %broadcast_in_dim3A_0 : vector<16xf32> to vector<1x16xf32>
      tpu.vector_store %arg13[%swap3A_36, %swap3A_37], %swap3A_40 {strides = array<i32>} : memref<128x144xf32, #tpu.memory_space<vmem>>, vector<1x16xf32>,
      %swap3A_41 = arith.index_cast %add3A_26 : i32 to index
      %swap3A_42 = arith.constant 48 : index
      %swap3A_43 = tpu.vector_load %arg13[%swap3A_41, %swap3A_42] {strides = array<i32>} : memref<128x144xf32, #tpu.memory_space<vmem>>, vector<1x16xf32>,
      %swap3A_44 = vector.shape_cast %swap3A_43 : vector<1x16xf32> to vector<16xf32>
      %swap3A_45 = vector.shape_cast %broadcast_in_dim3A_0 : vector<16xf32> to vector<1x16xf32>
      tpu.vector_store %arg13[%swap3A_41, %swap3A_42], %swap3A_45 {strides = array<i32>} : memref<128x144xf32, #tpu.memory_space<vmem>>, vector<1x16xf32>,
      %swap3A_46 = arith.index_cast %add3A_26 : i32 to index
      %swap3A_47 = arith.constant 64 : index
      %swap3A_48 = tpu.vector_load %arg13[%swap3A_46, %swap3A_47] {strides = array<i32>} : memref<128x144xf32, #tpu.memory_space<vmem>>, vector<1x16xf32>,
      %swap3A_49 = vector.shape_cast %swap3A_48 : vector<1x16xf32> to vector<16xf32>
      %swap3A_50 = vector.shape_cast %broadcast_in_dim3A_0 : vector<16xf32> to vector<1x16xf32>
      tpu.vector_store %arg13[%swap3A_46, %swap3A_47], %swap3A_50 {strides = array<i32>} : memref<128x144xf32, #tpu.memory_space<vmem>>, vector<1x16xf32>,
      %swap3A_51 = arith.index_cast %add3A_26 : i32 to index
      %swap3A_52 = arith.constant 80 : index
      %swap3A_53 = tpu.vector_load %arg13[%swap3A_51, %swap3A_52] {strides = array<i32>} : memref<128x144xf32, #tpu.memory_space<vmem>>, vector<1x16xf32>,
      %swap3A_54 = vector.shape_cast %swap3A_53 : vector<1x16xf32> to vector<16xf32>
      %swap3A_55 = vector.shape_cast %broadcast_in_dim3A_0 : vector<16xf32> to vector<1x16xf32>
      tpu.vector_store %arg13[%swap3A_51, %swap3A_52], %swap3A_55 {strides = array<i32>} : memref<128x144xf32, #tpu.memory_space<vmem>>, vector<1x16xf32>,
      %swap3A_56 = arith.index_cast %add3A_26 : i32 to index
      %swap3A_57 = arith.constant 96 : index
      %swap3A_58 = tpu.vector_load %arg13[%swap3A_56, %swap3A_57] {strides = array<i32>} : memref<128x144xf32, #tpu.memory_space<vmem>>, vector<1x16xf32>,
      %swap3A_59 = vector.shape_cast %swap3A_58 : vector<1x16xf32> to vector<16xf32>
      %swap3A_60 = vector.shape_cast %broadcast_in_dim3A_0 : vector<16xf32> to vector<1x16xf32>
      tpu.vector_store %arg13[%swap3A_56, %swap3A_57], %swap3A_60 {strides = array<i32>} : memref<128x144xf32, #tpu.memory_space<vmem>>, vector<1x16xf32>,
      %swap3A_61 = arith.index_cast %add3A_26 : i32 to index
      %swap3A_62 = arith.constant 112 : index
      %swap3A_63 = tpu.vector_load %arg13[%swap3A_61, %swap3A_62] {strides = array<i32>} : memref<128x144xf32, #tpu.memory_space<vmem>>, vector<1x16xf32>,
      %swap3A_64 = vector.shape_cast %swap3A_63 : vector<1x16xf32> to vector<16xf32>
      %swap3A_65 = vector.shape_cast %broadcast_in_dim3A_0 : vector<16xf32> to vector<1x16xf32>
      tpu.vector_store %arg13[%swap3A_61, %swap3A_62], %swap3A_65 {strides = array<i32>} : memref<128x144xf32, #tpu.memory_space<vmem>>, vector<1x16xf32>,
      %swap3A_66 = arith.index_cast %add3A_26 : i32 to index
      %swap3A_67 = arith.constant 128 : index
      %swap3A_68 = tpu.vector_load %arg13[%swap3A_66, %swap3A_67] {strides = array<i32>} : memref<128x144xf32, #tpu.memory_space<vmem>>, vector<1x16xf32>,
      %swap3A_69 = vector.shape_cast %swap3A_68 : vector<1x16xf32> to vector<16xf32>
      %swap3A_70 = vector.shape_cast %broadcast_in_dim3A_0 : vector<16xf32> to vector<1x16xf32>
      tpu.vector_store %arg13[%swap3A_66, %swap3A_67], %swap3A_70 {strides = array<i32>} : memref<128x144xf32, #tpu.memory_space<vmem>>, vector<1x16xf32>,
    }
    %scan3A_4 = arith.constant 128 : i32
    %scan3A_5 = arith.constant 0 : i32
    %scan3A_6 = arith.constant 5 : i32
    %scan3A_7 = arith.addi %scan3A_5, %scan3A_6 : i32
    %scan3A_8 = arith.constant 1 : i32
    scf.for %scan3A_22 = %scan3A_5 to %scan3A_7 step %scan3A_8  : i32 {
      %mul3A_23 = arith.constant 1 : i32
      %mul3A_24 = arith.muli %scan3A_22, %mul3A_23 : i32
      %add3A_25 = arith.constant 0 : i32
      %add3A_26 = arith.addi %add3A_25, %mul3A_24 : i32
      %mul3A_27 = arith.constant 5 : i32
      %mul3A_28 = arith.muli %arg1, %mul3A_27 : i32
      %add3A_29 = arith.addi %mul3A_28, %add3A_26 : i32
      %mul3A_30 = arith.constant 127 : i32
      %mul3A_31 = arith.muli %add3A_29, %mul3A_30 : i32
      "tpu.region"() ({
        %run_scoped3A = tpu.sem_alloc : memref<!tpu.dma_semaphore, #tpu.memory_space<semaphore_mem>>
        %dma_start3A = arith.constant 0 : i32
        %dma_start3A_32 = arith.constant 0 : i32
        %dma_start3A_33 = tpu.memref_slice %arg13[%dma_start3A, %dma_start3A_32] : memref<128x144xf32, #tpu.memory_space<vmem>> -> memref<127x144xf32, #tpu.memory_space<vmem>>
        %dma_start3A_34 = arith.constant 0 : i32
        %dma_start3A_35 = tpu.memref_slice %arg14[%mul3A_31, %dma_start3A_34] : memref<10160x144xf32, #tpu.memory_space<vmem_shared>> -> memref<127x144xf32, #tpu.memory_space<vmem_shared>>
        %dma_start3A_36 = arith.constant 0 : i32
        %dma_start3A_37 = tpu.memref_slice %arg14[%mul3A_31, %dma_start3A_36] : memref<10160x144xf32, #tpu.memory_space<vmem_shared>> -> memref<127x144xf32, #tpu.memory_space<vmem_shared>>
        %dma_start3A_38 = arith.constant 0 : i32
        %dma_start3A_39 = arith.constant 0 : i32
        %dma_start3A_40 = tpu.memref_slice %arg13[%dma_start3A_38, %dma_start3A_39] : memref<128x144xf32, #tpu.memory_space<vmem>> -> memref<127x144xf32, #tpu.memory_space<vmem>>
        tpu.enqueue_dma source(%dma_start3A_40 : memref<127x144xf32, #tpu.memory_space<vmem>>) target(%dma_start3A_37 : memref<127x144xf32, #tpu.memory_space<vmem_shared>>) target_semaphore(%run_scoped3A : memref<!tpu.dma_semaphore, #tpu.memory_space<semaphore_mem>>)
        %dma_wait3A = arith.constant 0 : i32
        %dma_wait3A_41 = arith.constant 0 : i32
        %dma_wait3A_42 = tpu.memref_slice %arg13[%dma_wait3A, %dma_wait3A_41] : memref<128x144xf32, #tpu.memory_space<vmem>> -> memref<127x144xf32, #tpu.memory_space<vmem>>
        %dma_wait3A_43 = arith.constant 0 : i32
        %dma_wait3A_44 = tpu.memref_slice %arg14[%mul3A_31, %dma_wait3A_43] : memref<10160x144xf32, #tpu.memory_space<vmem_shared>> -> memref<127x144xf32, #tpu.memory_space<vmem_shared>>
        %dma_wait3A_45 = arith.constant 0 : i32
        %dma_wait3A_46 = tpu.memref_slice %arg14[%mul3A_31, %dma_wait3A_45] : memref<10160x144xf32, #tpu.memory_space<vmem_shared>> -> memref<127x144xf32, #tpu.memory_space<vmem_shared>>
        %dma_wait3A_47 = arith.constant 0 : i32
        %dma_wait3A_48 = arith.constant 0 : i32
        %dma_wait3A_49 = tpu.memref_slice %arg13[%dma_wait3A_47, %dma_wait3A_48] : memref<128x144xf32, #tpu.memory_space<vmem>> -> memref<127x144xf32, #tpu.memory_space<vmem>>
        tpu.wait_dma2 semaphore(%run_scoped3A : memref<!tpu.dma_semaphore, #tpu.memory_space<semaphore_mem>>) src(%dma_wait3A_49 : memref<127x144xf32, #tpu.memory_space<vmem>>) dst(%dma_wait3A_46 : memref<127x144xf32, #tpu.memory_space<vmem_shared>>)
        tpu.yield
      }) : () -> ()
    }
    %scan3A_9 = arith.constant 5 : i32
    %barrier3A = arith.constant 0 : index
    tpu.barrier barrier_id(%barrier3A)
    %mul3A = arith.constant 16 : i32
    %mul3A_10 = arith.muli %arg0, %mul3A : i32
    %add3A = arith.addi %mul3A_10, %arg1 : i32
    %scan3A_11 = arith.constant 0 : i32
    %scan3A_12 = arith.constant 81 : i32
    %scan3A_13 = arith.addi %scan3A_11, %scan3A_12 : i32
    %scan3A_14 = arith.constant 1 : i32
    scf.for %scan3A_22 = %scan3A_11 to %scan3A_13 step %scan3A_14  : i32 {
      %mul3A_23 = arith.constant 1 : i32
      %mul3A_24 = arith.muli %scan3A_22, %mul3A_23 : i32
      %add3A_25 = arith.constant 0 : i32
      %add3A_26 = arith.addi %add3A_25, %mul3A_24 : i32
      %mul3A_27 = arith.constant 81 : i32
      %mul3A_28 = arith.muli %add3A, %mul3A_27 : i32
      %add3A_29 = arith.addi %mul3A_28, %add3A_26 : i32
      %mul3A_30 = arith.constant 128 : i32
      %mul3A_31 = arith.muli %add3A_29, %mul3A_30 : i32
      "tpu.region"() ({
        %run_scoped3A = tpu.sem_alloc : memref<!tpu.dma_semaphore, #tpu.memory_space<semaphore_mem>>
        %dma_start3A = tpu.memref_slice %arg2[%mul3A_31] : memref<331776xi32, #tpu.memory_space<hbm>> -> memref<128xi32, #tpu.memory_space<hbm>>
        %dma_start3A_37 = tpu.memref_slice %arg2[%mul3A_31] : memref<331776xi32, #tpu.memory_space<hbm>> -> memref<128xi32, #tpu.memory_space<hbm>>
        tpu.enqueue_dma source(%dma_start3A_37 : memref<128xi32, #tpu.memory_space<hbm>>) target(%arg8 : memref<128xi32, #tpu.memory_space<vmem>>) target_semaphore(%run_scoped3A : memref<!tpu.dma_semaphore, #tpu.memory_space<semaphore_mem>>)
        %dma_wait3A = tpu.memref_slice %arg2[%mul3A_31] : memref<331776xi32, #tpu.memory_space<hbm>> -> memref<128xi32, #tpu.memory_space<hbm>>
        %dma_wait3A_38 = tpu.memref_slice %arg2[%mul3A_31] : memref<331776xi32, #tpu.memory_space<hbm>> -> memref<128xi32, #tpu.memory_space<hbm>>
        tpu.wait_dma2 semaphore(%run_scoped3A : memref<!tpu.dma_semaphore, #tpu.memory_space<semaphore_mem>>) src(%dma_wait3A_38 : memref<128xi32, #tpu.memory_space<hbm>>) dst(%arg8 : memref<128xi32, #tpu.memory_space<vmem>>)
        tpu.yield
      }) : () -> ()
      "tpu.region"() ({
        %run_scoped3A = tpu.sem_alloc : memref<!tpu.dma_semaphore, #tpu.memory_space<semaphore_mem>>
        %dma_start3A = tpu.memref_slice %arg3[%mul3A_31] : memref<331776xi32, #tpu.memory_space<hbm>> -> memref<128xi32, #tpu.memory_space<hbm>>
        %dma_start3A_37 = tpu.memref_slice %arg3[%mul3A_31] : memref<331776xi32, #tpu.memory_space<hbm>> -> memref<128xi32, #tpu.memory_space<hbm>>
        tpu.enqueue_dma source(%dma_start3A_37 : memref<128xi32, #tpu.memory_space<hbm>>) target(%arg9 : memref<128xi32, #tpu.memory_space<vmem>>) target_semaphore(%run_scoped3A : memref<!tpu.dma_semaphore, #tpu.memory_space<semaphore_mem>>)
        %dma_wait3A = tpu.memref_slice %arg3[%mul3A_31] : memref<331776xi32, #tpu.memory_space<hbm>> -> memref<128xi32, #tpu.memory_space<hbm>>
        %dma_wait3A_38 = tpu.memref_slice %arg3[%mul3A_31] : memref<331776xi32, #tpu.memory_space<hbm>> -> memref<128xi32, #tpu.memory_space<hbm>>
        tpu.wait_dma2 semaphore(%run_scoped3A : memref<!tpu.dma_semaphore, #tpu.memory_space<semaphore_mem>>) src(%dma_wait3A_38 : memref<128xi32, #tpu.memory_space<hbm>>) dst(%arg9 : memref<128xi32, #tpu.memory_space<vmem>>)
        tpu.yield
      }) : () -> ()
      "tpu.region"() ({
        %run_scoped3A = tpu.sem_alloc : memref<!tpu.dma_semaphore, #tpu.memory_space<semaphore_mem>>
        %dma_start3A = arith.constant 0 : i32
        %dma_start3A_37 = arith.constant 0 : i32
        %dma_start3A_38 = tpu.memref_slice %arg4[%dma_start3A, %dma_start3A_37] : memref<10160x16xf32, #tpu.memory_space<hbm>> -> memref<10160x16xf32, #tpu.memory_space<hbm>>
        tpu.enqueue_indirect_dma source(%dma_start3A_38 : memref<10160x16xf32, #tpu.memory_space<hbm>>) target(%arg10 : memref<128x16xf32, #tpu.memory_space<vmem>>) offsets(%arg8 : memref<128xi32, #tpu.memory_space<vmem>>) semaphore(%run_scoped3A : memref<!tpu.dma_semaphore, #tpu.memory_space<semaphore_mem>>)
        %dma_wait3A = arith.constant 0 : i32
        %dma_wait3A_39 = arith.constant 0 : i32
        %dma_wait3A_40 = tpu.memref_slice %arg4[%dma_wait3A, %dma_wait3A_39] : memref<10160x16xf32, #tpu.memory_space<hbm>> -> memref<10160x16xf32, #tpu.memory_space<hbm>>
        tpu.wait_indirect_dma semaphore(%run_scoped3A : memref<!tpu.dma_semaphore, #tpu.memory_space<semaphore_mem>>) src(%dma_wait3A_40 : memref<10160x16xf32, #tpu.memory_space<hbm>>) dst(%arg10 : memref<128x16xf32, #tpu.memory_space<vmem>>)
        tpu.yield
      }) : () -> ()
      "tpu.region"() ({
        %run_scoped3A = tpu.sem_alloc : memref<!tpu.dma_semaphore, #tpu.memory_space<semaphore_mem>>
        %dma_start3A = arith.constant 0 : i32
        %dma_start3A_37 = arith.constant 0 : i32
        %dma_start3A_38 = tpu.memref_slice %arg5[%dma_start3A, %dma_start3A_37] : memref<10160x16xf32, #tpu.memory_space<hbm>> -> memref<10160x16xf32, #tpu.memory_space<hbm>>
        tpu.enqueue_indirect_dma source(%dma_start3A_38 : memref<10160x16xf32, #tpu.memory_space<hbm>>) target(%arg11 : memref<128x16xf32, #tpu.memory_space<vmem>>) offsets(%arg9 : memref<128xi32, #tpu.memory_space<vmem>>) semaphore(%run_scoped3A : memref<!tpu.dma_semaphore, #tpu.memory_space<semaphore_mem>>)
        %dma_wait3A = arith.constant 0 : i32
        %dma_wait3A_39 = arith.constant 0 : i32
        %dma_wait3A_40 = tpu.memref_slice %arg5[%dma_wait3A, %dma_wait3A_39] : memref<10160x16xf32, #tpu.memory_space<hbm>> -> memref<10160x16xf32, #tpu.memory_space<hbm>>
        tpu.wait_indirect_dma semaphore(%run_scoped3A : memref<!tpu.dma_semaphore, #tpu.memory_space<semaphore_mem>>) src(%dma_wait3A_40 : memref<10160x16xf32, #tpu.memory_space<hbm>>) dst(%arg11 : memref<128x16xf32, #tpu.memory_space<vmem>>)
        tpu.yield
      }) : () -> ()
      "tpu.region"() ({
        %run_scoped3A = tpu.sem_alloc : memref<!tpu.dma_semaphore, #tpu.memory_space<semaphore_mem>>
        %dma_start3A = arith.constant 0 : i32
        %dma_start3A_37 = arith.constant 0 : i32
        %dma_start3A_38 = tpu.memref_slice %arg6[%dma_start3A, %dma_start3A_37] : memref<10160x128xf32, #tpu.memory_space<hbm>> -> memref<10160x128xf32, #tpu.memory_space<hbm>>
        tpu.enqueue_indirect_dma source(%dma_start3A_38 : memref<10160x128xf32, #tpu.memory_space<hbm>>) target(%arg12 : memref<128x128xf32, #tpu.memory_space<vmem>>) offsets(%arg8 : memref<128xi32, #tpu.memory_space<vmem>>) semaphore(%run_scoped3A : memref<!tpu.dma_semaphore, #tpu.memory_space<semaphore_mem>>)
        %dma_wait3A = arith.constant 0 : i32
        %dma_wait3A_39 = arith.constant 0 : i32
        %dma_wait3A_40 = tpu.memref_slice %arg6[%dma_wait3A, %dma_wait3A_39] : memref<10160x128xf32, #tpu.memory_space<hbm>> -> memref<10160x128xf32, #tpu.memory_space<hbm>>
        tpu.wait_indirect_dma semaphore(%run_scoped3A : memref<!tpu.dma_semaphore, #tpu.memory_space<semaphore_mem>>) src(%dma_wait3A_40 : memref<10160x128xf32, #tpu.memory_space<hbm>>) dst(%arg12 : memref<128x128xf32, #tpu.memory_space<vmem>>)
        tpu.yield
      }) : () -> ()
      %scan3A_32 = arith.constant 0 : i32
      %scan3A_33 = arith.constant 128 : i32
      %scan3A_34 = arith.addi %scan3A_32, %scan3A_33 : i32
      %scan3A_35 = arith.constant 1 : i32
      scf.for %scan3A_37 = %scan3A_32 to %scan3A_34 step %scan3A_35  : i32 {
        %mul3A_38 = arith.constant 1 : i32
        %mul3A_39 = arith.muli %scan3A_37, %mul3A_38 : i32
        %add3A_40 = arith.constant 0 : i32
        %add3A_41 = arith.addi %add3A_40, %mul3A_39 : i32
        %get3A = arith.index_cast %add3A_41 : i32 to index
        %get3A_42 = arith.constant 0 : index
        %get3A_43 = tpu.vector_load %arg10[%get3A, %get3A_42] {strides = array<i32>} : memref<128x16xf32, #tpu.memory_space<vmem>>, vector<1x16xf32>,
        %get3A_44 = vector.shape_cast %get3A_43 : vector<1x16xf32> to vector<16xf32>
        %get3A_45 = arith.index_cast %add3A_41 : i32 to index
        %get3A_46 = arith.constant 0 : index
        %get3A_47 = tpu.vector_load %arg11[%get3A_45, %get3A_46] {strides = array<i32>} : memref<128x16xf32, #tpu.memory_space<vmem>>, vector<1x16xf32>,
        %get3A_48 = vector.shape_cast %get3A_47 : vector<1x16xf32> to vector<16xf32>
        %add3A_49 = arith.addf %get3A_44, %get3A_48 : vector<16xf32>
        %mul3A_50 = arith.constant 2.000000e-01 : f32
        %mul3A_51 = vector.broadcast %mul3A_50 : f32 to vector<16xf32>
        %mul3A_52 = arith.mulf %mul3A_51, %add3A_49 : vector<16xf32>
        %max3A = arith.maximumf %add3A_49, %mul3A_52 : vector<16xf32>
        %exp3A = math.exp %max3A : vector<16xf32>
        %swap3A = arith.index_cast %add3A_41 : i32 to index
        %swap3A_53 = arith.constant 128 : index
        %swap3A_54 = tpu.vector_load %arg13[%swap3A, %swap3A_53] {strides = array<i32>} : memref<128x144xf32, #tpu.memory_space<vmem>>, vector<1x16xf32>,
        %swap3A_55 = vector.shape_cast %swap3A_54 : vector<1x16xf32> to vector<16xf32>
        %swap3A_56 = vector.shape_cast %exp3A : vector<16xf32> to vector<1x16xf32>
        tpu.vector_store %arg13[%swap3A, %swap3A_53], %swap3A_56 {strides = array<i32>} : memref<128x144xf32, #tpu.memory_space<vmem>>, vector<1x16xf32>,
        %slice3A = vector.extract_strided_slice %exp3A {offsets = [0], sizes = [1], strides = [1]} : vector<16xf32> to vector<1xf32>
        %squeeze3A = vector.extract %slice3A[0] : f32 from vector<1xf32>
        %get3A_57 = arith.index_cast %add3A_41 : i32 to index
        %get3A_58 = arith.constant 0 : index
        %get3A_59 = tpu.vector_load %arg12[%get3A_57, %get3A_58] {strides = array<i32>} : memref<128x128xf32, #tpu.memory_space<vmem>>, vector<1x16xf32>,
        %get3A_60 = vector.shape_cast %get3A_59 : vector<1x16xf32> to vector<16xf32>
        %mul3A_61 = vector.broadcast %squeeze3A : f32 to vector<16xf32>
        %mul3A_62 = arith.mulf %get3A_60, %mul3A_61 : vector<16xf32>
        %swap3A_63 = arith.index_cast %add3A_41 : i32 to index
        %swap3A_64 = arith.constant 0 : index
        %swap3A_65 = tpu.vector_load %arg13[%swap3A_63, %swap3A_64] {strides = array<i32>} : memref<128x144xf32, #tpu.memory_space<vmem>>, vector<1x16xf32>,
        %swap3A_66 = vector.shape_cast %swap3A_65 : vector<1x16xf32> to vector<16xf32>
        %swap3A_67 = vector.shape_cast %mul3A_62 : vector<16xf32> to vector<1x16xf32>
        tpu.vector_store %arg13[%swap3A_63, %swap3A_64], %swap3A_67 {strides = array<i32>} : memref<128x144xf32, #tpu.memory_space<vmem>>, vector<1x16xf32>,
        %slice3A_68 = vector.extract_strided_slice %exp3A {offsets = [1], sizes = [1], strides = [1]} : vector<16xf32> to vector<1xf32>
        %squeeze3A_69 = vector.extract %slice3A_68[0] : f32 from vector<1xf32>
        %get3A_70 = arith.index_cast %add3A_41 : i32 to index
        %get3A_71 = arith.constant 16 : index
        %get3A_72 = tpu.vector_load %arg12[%get3A_70, %get3A_71] {strides = array<i32>} : memref<128x128xf32, #tpu.memory_space<vmem>>, vector<1x16xf32>,
        %get3A_73 = vector.shape_cast %get3A_72 : vector<1x16xf32> to vector<16xf32>
        %mul3A_74 = vector.broadcast %squeeze3A_69 : f32 to vector<16xf32>
        %mul3A_75 = arith.mulf %get3A_73, %mul3A_74 : vector<16xf32>
        %swap3A_76 = arith.index_cast %add3A_41 : i32 to index
        %swap3A_77 = arith.constant 16 : index
        %swap3A_78 = tpu.vector_load %arg13[%swap3A_76, %swap3A_77] {strides = array<i32>} : memref<128x144xf32, #tpu.memory_space<vmem>>, vector<1x16xf32>,
        %swap3A_79 = vector.shape_cast %swap3A_78 : vector<1x16xf32> to vector<16xf32>
        %swap3A_80 = vector.shape_cast %mul3A_75 : vector<16xf32> to vector<1x16xf32>
        tpu.vector_store %arg13[%swap3A_76, %swap3A_77], %swap3A_80 {strides = array<i32>} : memref<128x144xf32, #tpu.memory_space<vmem>>, vector<1x16xf32>,
        %slice3A_81 = vector.extract_strided_slice %exp3A {offsets = [2], sizes = [1], strides = [1]} : vector<16xf32> to vector<1xf32>
        %squeeze3A_82 = vector.extract %slice3A_81[0] : f32 from vector<1xf32>
        %get3A_83 = arith.index_cast %add3A_41 : i32 to index
        %get3A_84 = arith.constant 32 : index
        %get3A_85 = tpu.vector_load %arg12[%get3A_83, %get3A_84] {strides = array<i32>} : memref<128x128xf32, #tpu.memory_space<vmem>>, vector<1x16xf32>,
        %get3A_86 = vector.shape_cast %get3A_85 : vector<1x16xf32> to vector<16xf32>
        %mul3A_87 = vector.broadcast %squeeze3A_82 : f32 to vector<16xf32>
        %mul3A_88 = arith.mulf %get3A_86, %mul3A_87 : vector<16xf32>
        %swap3A_89 = arith.index_cast %add3A_41 : i32 to index
        %swap3A_90 = arith.constant 32 : index
        %swap3A_91 = tpu.vector_load %arg13[%swap3A_89, %swap3A_90] {strides = array<i32>} : memref<128x144xf32, #tpu.memory_space<vmem>>, vector<1x16xf32>,
        %swap3A_92 = vector.shape_cast %swap3A_91 : vector<1x16xf32> to vector<16xf32>
        %swap3A_93 = vector.shape_cast %mul3A_88 : vector<16xf32> to vector<1x16xf32>
        tpu.vector_store %arg13[%swap3A_89, %swap3A_90], %swap3A_93 {strides = array<i32>} : memref<128x144xf32, #tpu.memory_space<vmem>>, vector<1x16xf32>,
        %slice3A_94 = vector.extract_strided_slice %exp3A {offsets = [3], sizes = [1], strides = [1]} : vector<16xf32> to vector<1xf32>
        %squeeze3A_95 = vector.extract %slice3A_94[0] : f32 from vector<1xf32>
        %get3A_96 = arith.index_cast %add3A_41 : i32 to index
        %get3A_97 = arith.constant 48 : index
        %get3A_98 = tpu.vector_load %arg12[%get3A_96, %get3A_97] {strides = array<i32>} : memref<128x128xf32, #tpu.memory_space<vmem>>, vector<1x16xf32>,
        %get3A_99 = vector.shape_cast %get3A_98 : vector<1x16xf32> to vector<16xf32>
        %mul3A_100 = vector.broadcast %squeeze3A_95 : f32 to vector<16xf32>
        %mul3A_101 = arith.mulf %get3A_99, %mul3A_100 : vector<16xf32>
        %swap3A_102 = arith.index_cast %add3A_41 : i32 to index
        %swap3A_103 = arith.constant 48 : index
        %swap3A_104 = tpu.vector_load %arg13[%swap3A_102, %swap3A_103] {strides = array<i32>} : memref<128x144xf32, #tpu.memory_space<vmem>>, vector<1x16xf32>,
        %swap3A_105 = vector.shape_cast %swap3A_104 : vector<1x16xf32> to vector<16xf32>
        %swap3A_106 = vector.shape_cast %mul3A_101 : vector<16xf32> to vector<1x16xf32>
        tpu.vector_store %arg13[%swap3A_102, %swap3A_103], %swap3A_106 {strides = array<i32>} : memref<128x144xf32, #tpu.memory_space<vmem>>, vector<1x16xf32>,
        %slice3A_107 = vector.extract_strided_slice %exp3A {offsets = [4], sizes = [1], strides = [1]} : vector<16xf32> to vector<1xf32>
        %squeeze3A_108 = vector.extract %slice3A_107[0] : f32 from vector<1xf32>
        %get3A_109 = arith.index_cast %add3A_41 : i32 to index
        %get3A_110 = arith.constant 64 : index
        %get3A_111 = tpu.vector_load %arg12[%get3A_109, %get3A_110] {strides = array<i32>} : memref<128x128xf32, #tpu.memory_space<vmem>>, vector<1x16xf32>,
        %get3A_112 = vector.shape_cast %get3A_111 : vector<1x16xf32> to vector<16xf32>
        %mul3A_113 = vector.broadcast %squeeze3A_108 : f32 to vector<16xf32>
        %mul3A_114 = arith.mulf %get3A_112, %mul3A_113 : vector<16xf32>
        %swap3A_115 = arith.index_cast %add3A_41 : i32 to index
        %swap3A_116 = arith.constant 64 : index
        %swap3A_117 = tpu.vector_load %arg13[%swap3A_115, %swap3A_116] {strides = array<i32>} : memref<128x144xf32, #tpu.memory_space<vmem>>, vector<1x16xf32>,
        %swap3A_118 = vector.shape_cast %swap3A_117 : vector<1x16xf32> to vector<16xf32>
        %swap3A_119 = vector.shape_cast %mul3A_114 : vector<16xf32> to vector<1x16xf32>
        tpu.vector_store %arg13[%swap3A_115, %swap3A_116], %swap3A_119 {strides = array<i32>} : memref<128x144xf32, #tpu.memory_space<vmem>>, vector<1x16xf32>,
        %slice3A_120 = vector.extract_strided_slice %exp3A {offsets = [5], sizes = [1], strides = [1]} : vector<16xf32> to vector<1xf32>
        %squeeze3A_121 = vector.extract %slice3A_120[0] : f32 from vector<1xf32>
        %get3A_122 = arith.index_cast %add3A_41 : i32 to index
        %get3A_123 = arith.constant 80 : index
        %get3A_124 = tpu.vector_load %arg12[%get3A_122, %get3A_123] {strides = array<i32>} : memref<128x128xf32, #tpu.memory_space<vmem>>, vector<1x16xf32>,
        %get3A_125 = vector.shape_cast %get3A_124 : vector<1x16xf32> to vector<16xf32>
        %mul3A_126 = vector.broadcast %squeeze3A_121 : f32 to vector<16xf32>
        %mul3A_127 = arith.mulf %get3A_125, %mul3A_126 : vector<16xf32>
        %swap3A_128 = arith.index_cast %add3A_41 : i32 to index
        %swap3A_129 = arith.constant 80 : index
        %swap3A_130 = tpu.vector_load %arg13[%swap3A_128, %swap3A_129] {strides = array<i32>} : memref<128x144xf32, #tpu.memory_space<vmem>>, vector<1x16xf32>,
        %swap3A_131 = vector.shape_cast %swap3A_130 : vector<1x16xf32> to vector<16xf32>
        %swap3A_132 = vector.shape_cast %mul3A_127 : vector<16xf32> to vector<1x16xf32>
        tpu.vector_store %arg13[%swap3A_128, %swap3A_129], %swap3A_132 {strides = array<i32>} : memref<128x144xf32, #tpu.memory_space<vmem>>, vector<1x16xf32>,
        %slice3A_133 = vector.extract_strided_slice %exp3A {offsets = [6], sizes = [1], strides = [1]} : vector<16xf32> to vector<1xf32>
        %squeeze3A_134 = vector.extract %slice3A_133[0] : f32 from vector<1xf32>
        %get3A_135 = arith.index_cast %add3A_41 : i32 to index
        %get3A_136 = arith.constant 96 : index
        %get3A_137 = tpu.vector_load %arg12[%get3A_135, %get3A_136] {strides = array<i32>} : memref<128x128xf32, #tpu.memory_space<vmem>>, vector<1x16xf32>,
        %get3A_138 = vector.shape_cast %get3A_137 : vector<1x16xf32> to vector<16xf32>
        %mul3A_139 = vector.broadcast %squeeze3A_134 : f32 to vector<16xf32>
        %mul3A_140 = arith.mulf %get3A_138, %mul3A_139 : vector<16xf32>
        %swap3A_141 = arith.index_cast %add3A_41 : i32 to index
        %swap3A_142 = arith.constant 96 : index
        %swap3A_143 = tpu.vector_load %arg13[%swap3A_141, %swap3A_142] {strides = array<i32>} : memref<128x144xf32, #tpu.memory_space<vmem>>, vector<1x16xf32>,
        %swap3A_144 = vector.shape_cast %swap3A_143 : vector<1x16xf32> to vector<16xf32>
        %swap3A_145 = vector.shape_cast %mul3A_140 : vector<16xf32> to vector<1x16xf32>
        tpu.vector_store %arg13[%swap3A_141, %swap3A_142], %swap3A_145 {strides = array<i32>} : memref<128x144xf32, #tpu.memory_space<vmem>>, vector<1x16xf32>,
        %slice3A_146 = vector.extract_strided_slice %exp3A {offsets = [7], sizes = [1], strides = [1]} : vector<16xf32> to vector<1xf32>
        %squeeze3A_147 = vector.extract %slice3A_146[0] : f32 from vector<1xf32>
        %get3A_148 = arith.index_cast %add3A_41 : i32 to index
        %get3A_149 = arith.constant 112 : index
        %get3A_150 = tpu.vector_load %arg12[%get3A_148, %get3A_149] {strides = array<i32>} : memref<128x128xf32, #tpu.memory_space<vmem>>, vector<1x16xf32>,
        %get3A_151 = vector.shape_cast %get3A_150 : vector<1x16xf32> to vector<16xf32>
        %mul3A_152 = vector.broadcast %squeeze3A_147 : f32 to vector<16xf32>
        %mul3A_153 = arith.mulf %get3A_151, %mul3A_152 : vector<16xf32>
        %swap3A_154 = arith.index_cast %add3A_41 : i32 to index
        %swap3A_155 = arith.constant 112 : index
        %swap3A_156 = tpu.vector_load %arg13[%swap3A_154, %swap3A_155] {strides = array<i32>} : memref<128x144xf32, #tpu.memory_space<vmem>>, vector<1x16xf32>,
        %swap3A_157 = vector.shape_cast %swap3A_156 : vector<1x16xf32> to vector<16xf32>
        %swap3A_158 = vector.shape_cast %mul3A_153 : vector<16xf32> to vector<1x16xf32>
        tpu.vector_store %arg13[%swap3A_154, %swap3A_155], %swap3A_158 {strides = array<i32>} : memref<128x144xf32, #tpu.memory_space<vmem>>, vector<1x16xf32>,
      }
      %scan3A_36 = arith.constant 128 : i32
      "tpu.region"() ({
        %run_scoped3A = tpu.sem_alloc : memref<!tpu.dma_semaphore, #tpu.memory_space<semaphore_mem>>
        %dma_start3A = arith.constant 0 : i32
        %dma_start3A_37 = arith.constant 0 : i32
        %dma_start3A_38 = tpu.memref_slice %arg14[%dma_start3A, %dma_start3A_37] : memref<10160x144xf32, #tpu.memory_space<vmem_shared>> -> memref<10160x144xf32, #tpu.memory_space<vmem_shared>>
        tpu.enqueue_indirect_dma source(%arg13 : memref<128x144xf32, #tpu.memory_space<vmem>>) target(%dma_start3A_38 : memref<10160x144xf32, #tpu.memory_space<vmem_shared>>) offsets(%arg9 : memref<128xi32, #tpu.memory_space<vmem>>) semaphore(%run_scoped3A : memref<!tpu.dma_semaphore, #tpu.memory_space<semaphore_mem>>) {add = true}
        %dma_wait3A = arith.constant 0 : i32
        %dma_wait3A_39 = arith.constant 0 : i32
        %dma_wait3A_40 = tpu.memref_slice %arg14[%dma_wait3A, %dma_wait3A_39] : memref<10160x144xf32, #tpu.memory_space<vmem_shared>> -> memref<10160x144xf32, #tpu.memory_space<vmem_shared>>
        tpu.wait_indirect_dma semaphore(%run_scoped3A : memref<!tpu.dma_semaphore, #tpu.memory_space<semaphore_mem>>) src(%arg13 : memref<128x144xf32, #tpu.memory_space<vmem>>) dst(%dma_wait3A_40 : memref<10160x144xf32, #tpu.memory_space<vmem_shared>>)
        tpu.yield
      }) : () -> ()
    }
    %scan3A_15 = arith.constant 81 : i32
    %barrier3A_16 = arith.constant 0 : index
    tpu.barrier barrier_id(%barrier3A_16)
    %scan3A_17 = arith.constant 0 : i32
    %scan3A_18 = arith.constant 5 : i32
    %scan3A_19 = arith.addi %scan3A_17, %scan3A_18 : i32
    %scan3A_20 = arith.constant 1 : i32
    scf.for %scan3A_22 = %scan3A_17 to %scan3A_19 step %scan3A_20  : i32 {
      %mul3A_23 = arith.constant 1 : i32
      %mul3A_24 = arith.muli %scan3A_22, %mul3A_23 : i32
      %add3A_25 = arith.constant 0 : i32
      %add3A_26 = arith.addi %add3A_25, %mul3A_24 : i32
      %mul3A_27 = arith.constant 5 : i32
      %mul3A_28 = arith.muli %arg1, %mul3A_27 : i32
      %add3A_29 = arith.addi %mul3A_28, %add3A_26 : i32
      %mul3A_30 = arith.constant 127 : i32
      %mul3A_31 = arith.muli %add3A_29, %mul3A_30 : i32
      "tpu.region"() ({
        %run_scoped3A = tpu.sem_alloc : memref<!tpu.dma_semaphore, #tpu.memory_space<semaphore_mem>>
        %dma_start3A = arith.constant 0 : i32
        %dma_start3A_32 = tpu.memref_slice %arg7[%arg0, %mul3A_31, %dma_start3A] : memref<2x10160x144xf32, #tpu.memory_space<hbm>> -> memref<1x127x144xf32, #tpu.memory_space<hbm>>
        %dma_start3A_33 = tpu.memref_squeeze %dma_start3A_32 : memref<1x127x144xf32, #tpu.memory_space<hbm>> -> memref<127x144xf32, #tpu.memory_space<hbm>>
        %dma_start3A_34 = arith.constant 0 : i32
        %dma_start3A_35 = tpu.memref_slice %arg14[%mul3A_31, %dma_start3A_34] : memref<10160x144xf32, #tpu.memory_space<vmem_shared>> -> memref<127x144xf32, #tpu.memory_space<vmem_shared>>
        tpu.enqueue_dma source(%dma_start3A_35 : memref<127x144xf32, #tpu.memory_space<vmem_shared>>) target(%dma_start3A_33 : memref<127x144xf32, #tpu.memory_space<hbm>>) target_semaphore(%run_scoped3A : memref<!tpu.dma_semaphore, #tpu.memory_space<semaphore_mem>>)
        %dma_wait3A = arith.constant 0 : i32
        %dma_wait3A_36 = tpu.memref_slice %arg7[%arg0, %mul3A_31, %dma_wait3A] : memref<2x10160x144xf32, #tpu.memory_space<hbm>> -> memref<1x127x144xf32, #tpu.memory_space<hbm>>
        %dma_wait3A_37 = tpu.memref_squeeze %dma_wait3A_36 : memref<1x127x144xf32, #tpu.memory_space<hbm>> -> memref<127x144xf32, #tpu.memory_space<hbm>>
        %dma_wait3A_38 = arith.constant 0 : i32
        %dma_wait3A_39 = tpu.memref_slice %arg14[%mul3A_31, %dma_wait3A_38] : memref<10160x144xf32, #tpu.memory_space<vmem_shared>> -> memref<127x144xf32, #tpu.memory_space<vmem_shared>>
        tpu.wait_dma2 semaphore(%run_scoped3A : memref<!tpu.dma_semaphore, #tpu.memory_space<semaphore_mem>>) src(%dma_wait3A_39 : memref<127x144xf32, #tpu.memory_space<vmem_shared>>) dst(%dma_wait3A_37 : memref<127x144xf32, #tpu.memory_space<hbm>>)
        tpu.yield
      }) : () -> ()
    }
    %scan3A_21 = arith.constant 5 : i32
    return
  }
}

#map = affine_map<(d0, d1) -> (0)>
#map1 = affine_map<(d0, d1) -> (0, 0)>
#map2 = affine_map<(d0, d1) -> (0, 0, 0)>
module attributes {stable_mosaic.version = 14 : i64} {
  func.func @_sc2(%arg0: i32, %arg1: i32, %arg2: memref<331776xi32, #tpu.memory_space<hbm>>, %arg3: memref<331776xi32, #tpu.memory_space<hbm>>, %arg4: memref<10160xf32, #tpu.memory_space<hbm>>, %arg5: memref<10160xf32, #tpu.memory_space<hbm>>, %arg6: memref<10160x48xf32, #tpu.memory_space<hbm>>, %arg7: memref<2x10160x48xf32, #tpu.memory_space<hbm>>, %arg8: memref<10160xf32, #tpu.memory_space<vmem>>, %arg9: memref<10160xf32, #tpu.memory_space<vmem>>, %arg10: memref<128xi32, #tpu.memory_space<vmem>>, %arg11: memref<128xi32, #tpu.memory_space<vmem>>, %arg12: memref<128x48xf32, #tpu.memory_space<vmem>>, %arg13: memref<128x48xf32, #tpu.memory_space<vmem>>, %arg14: memref<10160x48xf32, #tpu.memory_space<vmem_shared>>) attributes {dimension_semantics = [#tpu.dimension_semantics<core_parallel>, #tpu.dimension_semantics<subcore_parallel>], iteration_bounds = array<i64: 2, 16>, scalar_prefetch = 0 : i64, scratch_operands = 7 : i64, tpu.core_type = #tpu.core_type<sc_vector_subcore>, window_params = [{transform_indices = #map}, {transform_indices = #map}, {transform_indices = #map}, {transform_indices = #map}, {transform_indices = #map1}, {transform_indices = #map2}]} {
    "tpu.region"() ({
      %run_scoped3A = tpu.sem_alloc : memref<!tpu.dma_semaphore, #tpu.memory_space<semaphore_mem>>
      tpu.enqueue_dma source(%arg4 : memref<10160xf32, #tpu.memory_space<hbm>>) target(%arg8 : memref<10160xf32, #tpu.memory_space<vmem>>) target_semaphore(%run_scoped3A : memref<!tpu.dma_semaphore, #tpu.memory_space<semaphore_mem>>)
      tpu.wait_dma2 semaphore(%run_scoped3A : memref<!tpu.dma_semaphore, #tpu.memory_space<semaphore_mem>>) src(%arg4 : memref<10160xf32, #tpu.memory_space<hbm>>) dst(%arg8 : memref<10160xf32, #tpu.memory_space<vmem>>)
      tpu.yield
    }) : () -> ()
    "tpu.region"() ({
      %run_scoped3A = tpu.sem_alloc : memref<!tpu.dma_semaphore, #tpu.memory_space<semaphore_mem>>
      tpu.enqueue_dma source(%arg5 : memref<10160xf32, #tpu.memory_space<hbm>>) target(%arg9 : memref<10160xf32, #tpu.memory_space<vmem>>) target_semaphore(%run_scoped3A : memref<!tpu.dma_semaphore, #tpu.memory_space<semaphore_mem>>)
      tpu.wait_dma2 semaphore(%run_scoped3A : memref<!tpu.dma_semaphore, #tpu.memory_space<semaphore_mem>>) src(%arg5 : memref<10160xf32, #tpu.memory_space<hbm>>) dst(%arg9 : memref<10160xf32, #tpu.memory_space<vmem>>)
      tpu.yield
    }) : () -> ()
    %broadcast_in_dim3A = arith.constant 0.000000e+00 : f32
    %broadcast_in_dim3A_0 = vector.broadcast %broadcast_in_dim3A : f32 to vector<16xf32>
    %scan3A = arith.constant 0 : i32
    %scan3A_1 = arith.constant 128 : i32
    %scan3A_2 = arith.addi %scan3A, %scan3A_1 : i32
    %scan3A_3 = arith.constant 1 : i32
    scf.for %scan3A_27 = %scan3A to %scan3A_2 step %scan3A_3  : i32 {
      %mul3A_28 = arith.constant 1 : i32
      %mul3A_29 = arith.muli %scan3A_27, %mul3A_28 : i32
      %add3A_30 = arith.constant 0 : i32
      %add3A_31 = arith.addi %add3A_30, %mul3A_29 : i32
      %swap3A = arith.index_cast %add3A_31 : i32 to index
      %swap3A_32 = arith.constant 0 : index
      %swap3A_33 = tpu.vector_load %arg13[%swap3A, %swap3A_32] {strides = array<i32>} : memref<128x48xf32, #tpu.memory_space<vmem>>, vector<16xf32>,
      tpu.vector_store %arg13[%swap3A, %swap3A_32], %broadcast_in_dim3A_0 {strides = array<i32>} : memref<128x48xf32, #tpu.memory_space<vmem>>, vector<16xf32>,
      %swap3A_34 = arith.index_cast %add3A_31 : i32 to index
      %swap3A_35 = arith.constant 16 : index
      %swap3A_36 = tpu.vector_load %arg13[%swap3A_34, %swap3A_35] {strides = array<i32>} : memref<128x48xf32, #tpu.memory_space<vmem>>, vector<16xf32>,
      tpu.vector_store %arg13[%swap3A_34, %swap3A_35], %broadcast_in_dim3A_0 {strides = array<i32>} : memref<128x48xf32, #tpu.memory_space<vmem>>, vector<16xf32>,
      %swap3A_37 = arith.index_cast %add3A_31 : i32 to index
      %swap3A_38 = arith.constant 32 : index
      %swap3A_39 = tpu.vector_load %arg13[%swap3A_37, %swap3A_38] {strides = array<i32>} : memref<128x48xf32, #tpu.memory_space<vmem>>, vector<16xf32>,
      tpu.vector_store %arg13[%swap3A_37, %swap3A_38], %broadcast_in_dim3A_0 {strides = array<i32>} : memref<128x48xf32, #tpu.memory_space<vmem>>, vector<16xf32>,
    }
    %scan3A_4 = arith.constant 128 : i32
    %scan3A_5 = arith.constant 0 : i32
    %scan3A_6 = arith.constant 5 : i32
    %scan3A_7 = arith.addi %scan3A_5, %scan3A_6 : i32
    %scan3A_8 = arith.constant 1 : i32
    scf.for %scan3A_27 = %scan3A_5 to %scan3A_7 step %scan3A_8  : i32 {
      %mul3A_28 = arith.constant 1 : i32
      %mul3A_29 = arith.muli %scan3A_27, %mul3A_28 : i32
      %add3A_30 = arith.constant 0 : i32
      %add3A_31 = arith.addi %add3A_30, %mul3A_29 : i32
      %mul3A_32 = arith.constant 5 : i32
      %mul3A_33 = arith.muli %arg1, %mul3A_32 : i32
      %add3A_34 = arith.addi %mul3A_33, %add3A_31 : i32
      %mul3A_35 = arith.constant 127 : i32
      %mul3A_36 = arith.muli %add3A_34, %mul3A_35 : i32
      "tpu.region"() ({
        %run_scoped3A = tpu.sem_alloc : memref<!tpu.dma_semaphore, #tpu.memory_space<semaphore_mem>>
        %dma_start3A = arith.constant 0 : i32
        %dma_start3A_37 = arith.constant 0 : i32
        %dma_start3A_38 = tpu.memref_slice %arg13[%dma_start3A, %dma_start3A_37] : memref<128x48xf32, #tpu.memory_space<vmem>> -> memref<127x48xf32, #tpu.memory_space<vmem>>
        %dma_start3A_39 = arith.constant 0 : i32
        %dma_start3A_40 = tpu.memref_slice %arg14[%mul3A_36, %dma_start3A_39] : memref<10160x48xf32, #tpu.memory_space<vmem_shared>> -> memref<127x48xf32, #tpu.memory_space<vmem_shared>>
        %dma_start3A_41 = arith.constant 0 : i32
        %dma_start3A_42 = tpu.memref_slice %arg14[%mul3A_36, %dma_start3A_41] : memref<10160x48xf32, #tpu.memory_space<vmem_shared>> -> memref<127x48xf32, #tpu.memory_space<vmem_shared>>
        %dma_start3A_43 = arith.constant 0 : i32
        %dma_start3A_44 = arith.constant 0 : i32
        %dma_start3A_45 = tpu.memref_slice %arg13[%dma_start3A_43, %dma_start3A_44] : memref<128x48xf32, #tpu.memory_space<vmem>> -> memref<127x48xf32, #tpu.memory_space<vmem>>
        tpu.enqueue_dma source(%dma_start3A_45 : memref<127x48xf32, #tpu.memory_space<vmem>>) target(%dma_start3A_42 : memref<127x48xf32, #tpu.memory_space<vmem_shared>>) target_semaphore(%run_scoped3A : memref<!tpu.dma_semaphore, #tpu.memory_space<semaphore_mem>>)
        %dma_wait3A = arith.constant 0 : i32
        %dma_wait3A_46 = arith.constant 0 : i32
        %dma_wait3A_47 = tpu.memref_slice %arg13[%dma_wait3A, %dma_wait3A_46] : memref<128x48xf32, #tpu.memory_space<vmem>> -> memref<127x48xf32, #tpu.memory_space<vmem>>
        %dma_wait3A_48 = arith.constant 0 : i32
        %dma_wait3A_49 = tpu.memref_slice %arg14[%mul3A_36, %dma_wait3A_48] : memref<10160x48xf32, #tpu.memory_space<vmem_shared>> -> memref<127x48xf32, #tpu.memory_space<vmem_shared>>
        %dma_wait3A_50 = arith.constant 0 : i32
        %dma_wait3A_51 = tpu.memref_slice %arg14[%mul3A_36, %dma_wait3A_50] : memref<10160x48xf32, #tpu.memory_space<vmem_shared>> -> memref<127x48xf32, #tpu.memory_space<vmem_shared>>
        %dma_wait3A_52 = arith.constant 0 : i32
        %dma_wait3A_53 = arith.constant 0 : i32
        %dma_wait3A_54 = tpu.memref_slice %arg13[%dma_wait3A_52, %dma_wait3A_53] : memref<128x48xf32, #tpu.memory_space<vmem>> -> memref<127x48xf32, #tpu.memory_space<vmem>>
        tpu.wait_dma2 semaphore(%run_scoped3A : memref<!tpu.dma_semaphore, #tpu.memory_space<semaphore_mem>>) src(%dma_wait3A_54 : memref<127x48xf32, #tpu.memory_space<vmem>>) dst(%dma_wait3A_51 : memref<127x48xf32, #tpu.memory_space<vmem_shared>>)
        tpu.yield
      }) : () -> ()
    }
    %scan3A_9 = arith.constant 5 : i32
    %barrier3A = arith.constant 0 : index
    tpu.barrier barrier_id(%barrier3A)
    %mul3A = arith.constant 16 : i32
    %mul3A_10 = arith.muli %arg0, %mul3A : i32
    %add3A = arith.addi %mul3A_10, %arg1 : i32
    %iota3A = tpu.iota {dimensions = array<i32: 0>} : vector<16xi32>
    %eq3A = arith.constant 8 : i32
    %eq3A_11 = vector.broadcast %eq3A : i32 to vector<16xi32>
    %eq3A_12 = arith.cmpi eq, %iota3A, %eq3A_11 : vector<16xi32>
    %jit3A = arith.constant 1.000000e+00 : f32
    %jit3A_13 = arith.constant 0.000000e+00 : f32
    %broadcast_in_dim3A_14 = vector.broadcast %jit3A : f32 to vector<16xf32>
    %broadcast_in_dim3A_15 = vector.broadcast %jit3A_13 : f32 to vector<16xf32>
    %select_n3A = arith.select %eq3A_12, %broadcast_in_dim3A_14, %broadcast_in_dim3A_15 : vector<16xi1>, vector<16xf32>
    %scan3A_16 = arith.constant 0 : i32
    %scan3A_17 = arith.constant 81 : i32
    %scan3A_18 = arith.addi %scan3A_16, %scan3A_17 : i32
    %scan3A_19 = arith.constant 1 : i32
    scf.for %scan3A_27 = %scan3A_16 to %scan3A_18 step %scan3A_19  : i32 {
      %mul3A_28 = arith.constant 1 : i32
      %mul3A_29 = arith.muli %scan3A_27, %mul3A_28 : i32
      %add3A_30 = arith.constant 0 : i32
      %add3A_31 = arith.addi %add3A_30, %mul3A_29 : i32
      %mul3A_32 = arith.constant 81 : i32
      %mul3A_33 = arith.muli %add3A, %mul3A_32 : i32
      %add3A_34 = arith.addi %mul3A_33, %add3A_31 : i32
      %mul3A_35 = arith.constant 128 : i32
      %mul3A_36 = arith.muli %add3A_34, %mul3A_35 : i32
      "tpu.region"() ({
        %run_scoped3A = tpu.sem_alloc : memref<!tpu.dma_semaphore, #tpu.memory_space<semaphore_mem>>
        %dma_start3A = tpu.memref_slice %arg2[%mul3A_36] : memref<331776xi32, #tpu.memory_space<hbm>> -> memref<128xi32, #tpu.memory_space<hbm>>
        %dma_start3A_42 = tpu.memref_slice %arg2[%mul3A_36] : memref<331776xi32, #tpu.memory_space<hbm>> -> memref<128xi32, #tpu.memory_space<hbm>>
        tpu.enqueue_dma source(%dma_start3A_42 : memref<128xi32, #tpu.memory_space<hbm>>) target(%arg10 : memref<128xi32, #tpu.memory_space<vmem>>) target_semaphore(%run_scoped3A : memref<!tpu.dma_semaphore, #tpu.memory_space<semaphore_mem>>)
        %dma_wait3A = tpu.memref_slice %arg2[%mul3A_36] : memref<331776xi32, #tpu.memory_space<hbm>> -> memref<128xi32, #tpu.memory_space<hbm>>
        %dma_wait3A_43 = tpu.memref_slice %arg2[%mul3A_36] : memref<331776xi32, #tpu.memory_space<hbm>> -> memref<128xi32, #tpu.memory_space<hbm>>
        tpu.wait_dma2 semaphore(%run_scoped3A : memref<!tpu.dma_semaphore, #tpu.memory_space<semaphore_mem>>) src(%dma_wait3A_43 : memref<128xi32, #tpu.memory_space<hbm>>) dst(%arg10 : memref<128xi32, #tpu.memory_space<vmem>>)
        tpu.yield
      }) : () -> ()
      "tpu.region"() ({
        %run_scoped3A = tpu.sem_alloc : memref<!tpu.dma_semaphore, #tpu.memory_space<semaphore_mem>>
        %dma_start3A = tpu.memref_slice %arg3[%mul3A_36] : memref<331776xi32, #tpu.memory_space<hbm>> -> memref<128xi32, #tpu.memory_space<hbm>>
        %dma_start3A_42 = tpu.memref_slice %arg3[%mul3A_36] : memref<331776xi32, #tpu.memory_space<hbm>> -> memref<128xi32, #tpu.memory_space<hbm>>
        tpu.enqueue_dma source(%dma_start3A_42 : memref<128xi32, #tpu.memory_space<hbm>>) target(%arg11 : memref<128xi32, #tpu.memory_space<vmem>>) target_semaphore(%run_scoped3A : memref<!tpu.dma_semaphore, #tpu.memory_space<semaphore_mem>>)
        %dma_wait3A = tpu.memref_slice %arg3[%mul3A_36] : memref<331776xi32, #tpu.memory_space<hbm>> -> memref<128xi32, #tpu.memory_space<hbm>>
        %dma_wait3A_43 = tpu.memref_slice %arg3[%mul3A_36] : memref<331776xi32, #tpu.memory_space<hbm>> -> memref<128xi32, #tpu.memory_space<hbm>>
        tpu.wait_dma2 semaphore(%run_scoped3A : memref<!tpu.dma_semaphore, #tpu.memory_space<semaphore_mem>>) src(%dma_wait3A_43 : memref<128xi32, #tpu.memory_space<hbm>>) dst(%arg11 : memref<128xi32, #tpu.memory_space<vmem>>)
        tpu.yield
      }) : () -> ()
      "tpu.region"() ({
        %run_scoped3A = tpu.sem_alloc : memref<!tpu.dma_semaphore, #tpu.memory_space<semaphore_mem>>
        %dma_start3A = arith.constant 0 : i32
        %dma_start3A_42 = arith.constant 0 : i32
        %dma_start3A_43 = tpu.memref_slice %arg6[%dma_start3A, %dma_start3A_42] : memref<10160x48xf32, #tpu.memory_space<hbm>> -> memref<10160x48xf32, #tpu.memory_space<hbm>>
        tpu.enqueue_indirect_dma source(%dma_start3A_43 : memref<10160x48xf32, #tpu.memory_space<hbm>>) target(%arg12 : memref<128x48xf32, #tpu.memory_space<vmem>>) offsets(%arg10 : memref<128xi32, #tpu.memory_space<vmem>>) semaphore(%run_scoped3A : memref<!tpu.dma_semaphore, #tpu.memory_space<semaphore_mem>>)
        %dma_wait3A = arith.constant 0 : i32
        %dma_wait3A_44 = arith.constant 0 : i32
        %dma_wait3A_45 = tpu.memref_slice %arg6[%dma_wait3A, %dma_wait3A_44] : memref<10160x48xf32, #tpu.memory_space<hbm>> -> memref<10160x48xf32, #tpu.memory_space<hbm>>
        tpu.wait_indirect_dma semaphore(%run_scoped3A : memref<!tpu.dma_semaphore, #tpu.memory_space<semaphore_mem>>) src(%dma_wait3A_45 : memref<10160x48xf32, #tpu.memory_space<hbm>>) dst(%arg12 : memref<128x48xf32, #tpu.memory_space<vmem>>)
        tpu.yield
      }) : () -> ()
      %scan3A_37 = arith.constant 0 : i32
      %scan3A_38 = arith.constant 8 : i32
      %scan3A_39 = arith.addi %scan3A_37, %scan3A_38 : i32
      %scan3A_40 = arith.constant 1 : i32
      scf.for %scan3A_42 = %scan3A_37 to %scan3A_39 step %scan3A_40  : i32 {
        %mul3A_43 = arith.constant 1 : i32
        %mul3A_44 = arith.muli %scan3A_42, %mul3A_43 : i32
        %add3A_45 = arith.constant 0 : i32
        %add3A_46 = arith.addi %add3A_45, %mul3A_44 : i32
        %mul3A_47 = arith.constant 16 : i32
        %mul3A_48 = arith.muli %add3A_46, %mul3A_47 : i32
        %get3A = arith.index_cast %mul3A_48 : i32 to index
        %get3A_49 = tpu.vector_load %arg10[%get3A] {strides = array<i32>} : memref<128xi32, #tpu.memory_space<vmem>>, vector<16xi32>,
        %mul3A_50 = arith.constant 16 : i32
        %mul3A_51 = arith.muli %add3A_46, %mul3A_50 : i32
        %get3A_52 = arith.index_cast %mul3A_51 : i32 to index
        %get3A_53 = tpu.vector_load %arg11[%get3A_52] {strides = array<i32>} : memref<128xi32, #tpu.memory_space<vmem>>, vector<16xi32>,
        %gather3A = tpu.vector_load_idx %arg8[%get3A_49] : memref<10160xf32, #tpu.memory_space<vmem>>[vector<16xi32>], vector<16xf32>,
        %gather3A_54 = tpu.vector_load_idx %arg9[%get3A_53] : memref<10160xf32, #tpu.memory_space<vmem>>[vector<16xi32>], vector<16xf32>,
        %add3A_55 = arith.addf %gather3A, %gather3A_54 : vector<16xf32>
        %mul3A_56 = arith.constant 2.000000e-01 : f32
        %mul3A_57 = vector.broadcast %mul3A_56 : f32 to vector<16xf32>
        %mul3A_58 = arith.mulf %mul3A_57, %add3A_55 : vector<16xf32>
        %max3A = arith.maximumf %add3A_55, %mul3A_58 : vector<16xf32>
        %exp3A = math.exp %max3A : vector<16xf32>
        %mul3A_59 = arith.constant 16 : i32
        %mul3A_60 = arith.muli %add3A_46, %mul3A_59 : i32
        %add3A_61 = arith.constant 0 : i32
        %add3A_62 = arith.addi %mul3A_60, %add3A_61 : i32
        %slice3A = vector.extract_strided_slice %exp3A {offsets = [0], sizes = [1], strides = [1]} : vector<16xf32> to vector<1xf32>
        %squeeze3A = vector.extract %slice3A[0] : f32 from vector<1xf32>
        %get3A_63 = arith.index_cast %add3A_62 : i32 to index
        %get3A_64 = arith.constant 0 : index
        %get3A_65 = tpu.vector_load %arg12[%get3A_63, %get3A_64] {strides = array<i32>} : memref<128x48xf32, #tpu.memory_space<vmem>>, vector<16xf32>,
        %mul3A_66 = vector.broadcast %squeeze3A : f32 to vector<16xf32>
        %mul3A_67 = arith.mulf %get3A_65, %mul3A_66 : vector<16xf32>
        %swap3A = arith.index_cast %add3A_62 : i32 to index
        %swap3A_68 = arith.constant 0 : index
        %swap3A_69 = tpu.vector_load %arg13[%swap3A, %swap3A_68] {strides = array<i32>} : memref<128x48xf32, #tpu.memory_space<vmem>>, vector<16xf32>,
        tpu.vector_store %arg13[%swap3A, %swap3A_68], %mul3A_67 {strides = array<i32>} : memref<128x48xf32, #tpu.memory_space<vmem>>, vector<16xf32>,
        %get3A_70 = arith.index_cast %add3A_62 : i32 to index
        %get3A_71 = arith.constant 16 : index
        %get3A_72 = tpu.vector_load %arg12[%get3A_70, %get3A_71] {strides = array<i32>} : memref<128x48xf32, #tpu.memory_space<vmem>>, vector<16xf32>,
        %mul3A_73 = vector.broadcast %squeeze3A : f32 to vector<16xf32>
        %mul3A_74 = arith.mulf %get3A_72, %mul3A_73 : vector<16xf32>
        %swap3A_75 = arith.index_cast %add3A_62 : i32 to index
        %swap3A_76 = arith.constant 16 : index
        %swap3A_77 = tpu.vector_load %arg13[%swap3A_75, %swap3A_76] {strides = array<i32>} : memref<128x48xf32, #tpu.memory_space<vmem>>, vector<16xf32>,
        tpu.vector_store %arg13[%swap3A_75, %swap3A_76], %mul3A_74 {strides = array<i32>} : memref<128x48xf32, #tpu.memory_space<vmem>>, vector<16xf32>,
        %get3A_78 = arith.index_cast %add3A_62 : i32 to index
        %get3A_79 = arith.constant 32 : index
        %get3A_80 = tpu.vector_load %arg12[%get3A_78, %get3A_79] {strides = array<i32>} : memref<128x48xf32, #tpu.memory_space<vmem>>, vector<16xf32>,
        %add3A_81 = arith.addf %get3A_80, %select_n3A : vector<16xf32>
        %mul3A_82 = vector.broadcast %squeeze3A : f32 to vector<16xf32>
        %mul3A_83 = arith.mulf %add3A_81, %mul3A_82 : vector<16xf32>
        %swap3A_84 = arith.index_cast %add3A_62 : i32 to index
        %swap3A_85 = arith.constant 32 : index
        %swap3A_86 = tpu.vector_load %arg13[%swap3A_84, %swap3A_85] {strides = array<i32>} : memref<128x48xf32, #tpu.memory_space<vmem>>, vector<16xf32>,
        tpu.vector_store %arg13[%swap3A_84, %swap3A_85], %mul3A_83 {strides = array<i32>} : memref<128x48xf32, #tpu.memory_space<vmem>>, vector<16xf32>,
        %mul3A_87 = arith.constant 16 : i32
        %mul3A_88 = arith.muli %add3A_46, %mul3A_87 : i32
        %add3A_89 = arith.constant 1 : i32
        %add3A_90 = arith.addi %mul3A_88, %add3A_89 : i32
        %slice3A_91 = vector.extract_strided_slice %exp3A {offsets = [1], sizes = [1], strides = [1]} : vector<16xf32> to vector<1xf32>
        %squeeze3A_92 = vector.extract %slice3A_91[0] : f32 from vector<1xf32>
        %get3A_93 = arith.index_cast %add3A_90 : i32 to index
        %get3A_94 = arith.constant 0 : index
        %get3A_95 = tpu.vector_load %arg12[%get3A_93, %get3A_94] {strides = array<i32>} : memref<128x48xf32, #tpu.memory_space<vmem>>, vector<16xf32>,
        %mul3A_96 = vector.broadcast %squeeze3A_92 : f32 to vector<16xf32>
        %mul3A_97 = arith.mulf %get3A_95, %mul3A_96 : vector<16xf32>
        %swap3A_98 = arith.index_cast %add3A_90 : i32 to index
        %swap3A_99 = arith.constant 0 : index
        %swap3A_100 = tpu.vector_load %arg13[%swap3A_98, %swap3A_99] {strides = array<i32>} : memref<128x48xf32, #tpu.memory_space<vmem>>, vector<16xf32>,
        tpu.vector_store %arg13[%swap3A_98, %swap3A_99], %mul3A_97 {strides = array<i32>} : memref<128x48xf32, #tpu.memory_space<vmem>>, vector<16xf32>,
        %get3A_101 = arith.index_cast %add3A_90 : i32 to index
        %get3A_102 = arith.constant 16 : index
        %get3A_103 = tpu.vector_load %arg12[%get3A_101, %get3A_102] {strides = array<i32>} : memref<128x48xf32, #tpu.memory_space<vmem>>, vector<16xf32>,
        %mul3A_104 = vector.broadcast %squeeze3A_92 : f32 to vector<16xf32>
        %mul3A_105 = arith.mulf %get3A_103, %mul3A_104 : vector<16xf32>
        %swap3A_106 = arith.index_cast %add3A_90 : i32 to index
        %swap3A_107 = arith.constant 16 : index
        %swap3A_108 = tpu.vector_load %arg13[%swap3A_106, %swap3A_107] {strides = array<i32>} : memref<128x48xf32, #tpu.memory_space<vmem>>, vector<16xf32>,
        tpu.vector_store %arg13[%swap3A_106, %swap3A_107], %mul3A_105 {strides = array<i32>} : memref<128x48xf32, #tpu.memory_space<vmem>>, vector<16xf32>,
        %get3A_109 = arith.index_cast %add3A_90 : i32 to index
        %get3A_110 = arith.constant 32 : index
        %get3A_111 = tpu.vector_load %arg12[%get3A_109, %get3A_110] {strides = array<i32>} : memref<128x48xf32, #tpu.memory_space<vmem>>, vector<16xf32>,
        %add3A_112 = arith.addf %get3A_111, %select_n3A : vector<16xf32>
        %mul3A_113 = vector.broadcast %squeeze3A_92 : f32 to vector<16xf32>
        %mul3A_114 = arith.mulf %add3A_112, %mul3A_113 : vector<16xf32>
        %swap3A_115 = arith.index_cast %add3A_90 : i32 to index
        %swap3A_116 = arith.constant 32 : index
        %swap3A_117 = tpu.vector_load %arg13[%swap3A_115, %swap3A_116] {strides = array<i32>} : memref<128x48xf32, #tpu.memory_space<vmem>>, vector<16xf32>,
        tpu.vector_store %arg13[%swap3A_115, %swap3A_116], %mul3A_114 {strides = array<i32>} : memref<128x48xf32, #tpu.memory_space<vmem>>, vector<16xf32>,
        %mul3A_118 = arith.constant 16 : i32
        %mul3A_119 = arith.muli %add3A_46, %mul3A_118 : i32
        %add3A_120 = arith.constant 2 : i32
        %add3A_121 = arith.addi %mul3A_119, %add3A_120 : i32
        %slice3A_122 = vector.extract_strided_slice %exp3A {offsets = [2], sizes = [1], strides = [1]} : vector<16xf32> to vector<1xf32>
        %squeeze3A_123 = vector.extract %slice3A_122[0] : f32 from vector<1xf32>
        %get3A_124 = arith.index_cast %add3A_121 : i32 to index
        %get3A_125 = arith.constant 0 : index
        %get3A_126 = tpu.vector_load %arg12[%get3A_124, %get3A_125] {strides = array<i32>} : memref<128x48xf32, #tpu.memory_space<vmem>>, vector<16xf32>,
        %mul3A_127 = vector.broadcast %squeeze3A_123 : f32 to vector<16xf32>
        %mul3A_128 = arith.mulf %get3A_126, %mul3A_127 : vector<16xf32>
        %swap3A_129 = arith.index_cast %add3A_121 : i32 to index
        %swap3A_130 = arith.constant 0 : index
        %swap3A_131 = tpu.vector_load %arg13[%swap3A_129, %swap3A_130] {strides = array<i32>} : memref<128x48xf32, #tpu.memory_space<vmem>>, vector<16xf32>,
        tpu.vector_store %arg13[%swap3A_129, %swap3A_130], %mul3A_128 {strides = array<i32>} : memref<128x48xf32, #tpu.memory_space<vmem>>, vector<16xf32>,
        %get3A_132 = arith.index_cast %add3A_121 : i32 to index
        %get3A_133 = arith.constant 16 : index
        %get3A_134 = tpu.vector_load %arg12[%get3A_132, %get3A_133] {strides = array<i32>} : memref<128x48xf32, #tpu.memory_space<vmem>>, vector<16xf32>,
        %mul3A_135 = vector.broadcast %squeeze3A_123 : f32 to vector<16xf32>
        %mul3A_136 = arith.mulf %get3A_134, %mul3A_135 : vector<16xf32>
        %swap3A_137 = arith.index_cast %add3A_121 : i32 to index
        %swap3A_138 = arith.constant 16 : index
        %swap3A_139 = tpu.vector_load %arg13[%swap3A_137, %swap3A_138] {strides = array<i32>} : memref<128x48xf32, #tpu.memory_space<vmem>>, vector<16xf32>,
        tpu.vector_store %arg13[%swap3A_137, %swap3A_138], %mul3A_136 {strides = array<i32>} : memref<128x48xf32, #tpu.memory_space<vmem>>, vector<16xf32>,
        %get3A_140 = arith.index_cast %add3A_121 : i32 to index
        %get3A_141 = arith.constant 32 : index
        %get3A_142 = tpu.vector_load %arg12[%get3A_140, %get3A_141] {strides = array<i32>} : memref<128x48xf32, #tpu.memory_space<vmem>>, vector<16xf32>,
        %add3A_143 = arith.addf %get3A_142, %select_n3A : vector<16xf32>
        %mul3A_144 = vector.broadcast %squeeze3A_123 : f32 to vector<16xf32>
        %mul3A_145 = arith.mulf %add3A_143, %mul3A_144 : vector<16xf32>
        %swap3A_146 = arith.index_cast %add3A_121 : i32 to index
        %swap3A_147 = arith.constant 32 : index
        %swap3A_148 = tpu.vector_load %arg13[%swap3A_146, %swap3A_147] {strides = array<i32>} : memref<128x48xf32, #tpu.memory_space<vmem>>, vector<16xf32>,
        tpu.vector_store %arg13[%swap3A_146, %swap3A_147], %mul3A_145 {strides = array<i32>} : memref<128x48xf32, #tpu.memory_space<vmem>>, vector<16xf32>,
        %mul3A_149 = arith.constant 16 : i32
        %mul3A_150 = arith.muli %add3A_46, %mul3A_149 : i32
        %add3A_151 = arith.constant 3 : i32
        %add3A_152 = arith.addi %mul3A_150, %add3A_151 : i32
        %slice3A_153 = vector.extract_strided_slice %exp3A {offsets = [3], sizes = [1], strides = [1]} : vector<16xf32> to vector<1xf32>
        %squeeze3A_154 = vector.extract %slice3A_153[0] : f32 from vector<1xf32>
        %get3A_155 = arith.index_cast %add3A_152 : i32 to index
        %get3A_156 = arith.constant 0 : index
        %get3A_157 = tpu.vector_load %arg12[%get3A_155, %get3A_156] {strides = array<i32>} : memref<128x48xf32, #tpu.memory_space<vmem>>, vector<16xf32>,
        %mul3A_158 = vector.broadcast %squeeze3A_154 : f32 to vector<16xf32>
        %mul3A_159 = arith.mulf %get3A_157, %mul3A_158 : vector<16xf32>
        %swap3A_160 = arith.index_cast %add3A_152 : i32 to index
        %swap3A_161 = arith.constant 0 : index
        %swap3A_162 = tpu.vector_load %arg13[%swap3A_160, %swap3A_161] {strides = array<i32>} : memref<128x48xf32, #tpu.memory_space<vmem>>, vector<16xf32>,
        tpu.vector_store %arg13[%swap3A_160, %swap3A_161], %mul3A_159 {strides = array<i32>} : memref<128x48xf32, #tpu.memory_space<vmem>>, vector<16xf32>,
        %get3A_163 = arith.index_cast %add3A_152 : i32 to index
        %get3A_164 = arith.constant 16 : index
        %get3A_165 = tpu.vector_load %arg12[%get3A_163, %get3A_164] {strides = array<i32>} : memref<128x48xf32, #tpu.memory_space<vmem>>, vector<16xf32>,
        %mul3A_166 = vector.broadcast %squeeze3A_154 : f32 to vector<16xf32>
        %mul3A_167 = arith.mulf %get3A_165, %mul3A_166 : vector<16xf32>
        %swap3A_168 = arith.index_cast %add3A_152 : i32 to index
        %swap3A_169 = arith.constant 16 : index
        %swap3A_170 = tpu.vector_load %arg13[%swap3A_168, %swap3A_169] {strides = array<i32>} : memref<128x48xf32, #tpu.memory_space<vmem>>, vector<16xf32>,
        tpu.vector_store %arg13[%swap3A_168, %swap3A_169], %mul3A_167 {strides = array<i32>} : memref<128x48xf32, #tpu.memory_space<vmem>>, vector<16xf32>,
        %get3A_171 = arith.index_cast %add3A_152 : i32 to index
        %get3A_172 = arith.constant 32 : index
        %get3A_173 = tpu.vector_load %arg12[%get3A_171, %get3A_172] {strides = array<i32>} : memref<128x48xf32, #tpu.memory_space<vmem>>, vector<16xf32>,
        %add3A_174 = arith.addf %get3A_173, %select_n3A : vector<16xf32>
        %mul3A_175 = vector.broadcast %squeeze3A_154 : f32 to vector<16xf32>
        %mul3A_176 = arith.mulf %add3A_174, %mul3A_175 : vector<16xf32>
        %swap3A_177 = arith.index_cast %add3A_152 : i32 to index
        %swap3A_178 = arith.constant 32 : index
        %swap3A_179 = tpu.vector_load %arg13[%swap3A_177, %swap3A_178] {strides = array<i32>} : memref<128x48xf32, #tpu.memory_space<vmem>>, vector<16xf32>,
        tpu.vector_store %arg13[%swap3A_177, %swap3A_178], %mul3A_176 {strides = array<i32>} : memref<128x48xf32, #tpu.memory_space<vmem>>, vector<16xf32>,
        %mul3A_180 = arith.constant 16 : i32
        %mul3A_181 = arith.muli %add3A_46, %mul3A_180 : i32
        %add3A_182 = arith.constant 4 : i32
        %add3A_183 = arith.addi %mul3A_181, %add3A_182 : i32
        %slice3A_184 = vector.extract_strided_slice %exp3A {offsets = [4], sizes = [1], strides = [1]} : vector<16xf32> to vector<1xf32>
        %squeeze3A_185 = vector.extract %slice3A_184[0] : f32 from vector<1xf32>
        %get3A_186 = arith.index_cast %add3A_183 : i32 to index
        %get3A_187 = arith.constant 0 : index
        %get3A_188 = tpu.vector_load %arg12[%get3A_186, %get3A_187] {strides = array<i32>} : memref<128x48xf32, #tpu.memory_space<vmem>>, vector<16xf32>,
        %mul3A_189 = vector.broadcast %squeeze3A_185 : f32 to vector<16xf32>
        %mul3A_190 = arith.mulf %get3A_188, %mul3A_189 : vector<16xf32>
        %swap3A_191 = arith.index_cast %add3A_183 : i32 to index
        %swap3A_192 = arith.constant 0 : index
        %swap3A_193 = tpu.vector_load %arg13[%swap3A_191, %swap3A_192] {strides = array<i32>} : memref<128x48xf32, #tpu.memory_space<vmem>>, vector<16xf32>,
        tpu.vector_store %arg13[%swap3A_191, %swap3A_192], %mul3A_190 {strides = array<i32>} : memref<128x48xf32, #tpu.memory_space<vmem>>, vector<16xf32>,
        %get3A_194 = arith.index_cast %add3A_183 : i32 to index
        %get3A_195 = arith.constant 16 : index
        %get3A_196 = tpu.vector_load %arg12[%get3A_194, %get3A_195] {strides = array<i32>} : memref<128x48xf32, #tpu.memory_space<vmem>>, vector<16xf32>,
        %mul3A_197 = vector.broadcast %squeeze3A_185 : f32 to vector<16xf32>
        %mul3A_198 = arith.mulf %get3A_196, %mul3A_197 : vector<16xf32>
        %swap3A_199 = arith.index_cast %add3A_183 : i32 to index
        %swap3A_200 = arith.constant 16 : index
        %swap3A_201 = tpu.vector_load %arg13[%swap3A_199, %swap3A_200] {strides = array<i32>} : memref<128x48xf32, #tpu.memory_space<vmem>>, vector<16xf32>,
        tpu.vector_store %arg13[%swap3A_199, %swap3A_200], %mul3A_198 {strides = array<i32>} : memref<128x48xf32, #tpu.memory_space<vmem>>, vector<16xf32>,
        %get3A_202 = arith.index_cast %add3A_183 : i32 to index
        %get3A_203 = arith.constant 32 : index
        %get3A_204 = tpu.vector_load %arg12[%get3A_202, %get3A_203] {strides = array<i32>} : memref<128x48xf32, #tpu.memory_space<vmem>>, vector<16xf32>,
        %add3A_205 = arith.addf %get3A_204, %select_n3A : vector<16xf32>
        %mul3A_206 = vector.broadcast %squeeze3A_185 : f32 to vector<16xf32>
        %mul3A_207 = arith.mulf %add3A_205, %mul3A_206 : vector<16xf32>
        %swap3A_208 = arith.index_cast %add3A_183 : i32 to index
        %swap3A_209 = arith.constant 32 : index
        %swap3A_210 = tpu.vector_load %arg13[%swap3A_208, %swap3A_209] {strides = array<i32>} : memref<128x48xf32, #tpu.memory_space<vmem>>, vector<16xf32>,
        tpu.vector_store %arg13[%swap3A_208, %swap3A_209], %mul3A_207 {strides = array<i32>} : memref<128x48xf32, #tpu.memory_space<vmem>>, vector<16xf32>,
        %mul3A_211 = arith.constant 16 : i32
        %mul3A_212 = arith.muli %add3A_46, %mul3A_211 : i32
        %add3A_213 = arith.constant 5 : i32
        %add3A_214 = arith.addi %mul3A_212, %add3A_213 : i32
        %slice3A_215 = vector.extract_strided_slice %exp3A {offsets = [5], sizes = [1], strides = [1]} : vector<16xf32> to vector<1xf32>
        %squeeze3A_216 = vector.extract %slice3A_215[0] : f32 from vector<1xf32>
        %get3A_217 = arith.index_cast %add3A_214 : i32 to index
        %get3A_218 = arith.constant 0 : index
        %get3A_219 = tpu.vector_load %arg12[%get3A_217, %get3A_218] {strides = array<i32>} : memref<128x48xf32, #tpu.memory_space<vmem>>, vector<16xf32>,
        %mul3A_220 = vector.broadcast %squeeze3A_216 : f32 to vector<16xf32>
        %mul3A_221 = arith.mulf %get3A_219, %mul3A_220 : vector<16xf32>
        %swap3A_222 = arith.index_cast %add3A_214 : i32 to index
        %swap3A_223 = arith.constant 0 : index
        %swap3A_224 = tpu.vector_load %arg13[%swap3A_222, %swap3A_223] {strides = array<i32>} : memref<128x48xf32, #tpu.memory_space<vmem>>, vector<16xf32>,
        tpu.vector_store %arg13[%swap3A_222, %swap3A_223], %mul3A_221 {strides = array<i32>} : memref<128x48xf32, #tpu.memory_space<vmem>>, vector<16xf32>,
        %get3A_225 = arith.index_cast %add3A_214 : i32 to index
        %get3A_226 = arith.constant 16 : index
        %get3A_227 = tpu.vector_load %arg12[%get3A_225, %get3A_226] {strides = array<i32>} : memref<128x48xf32, #tpu.memory_space<vmem>>, vector<16xf32>,
        %mul3A_228 = vector.broadcast %squeeze3A_216 : f32 to vector<16xf32>
        %mul3A_229 = arith.mulf %get3A_227, %mul3A_228 : vector<16xf32>
        %swap3A_230 = arith.index_cast %add3A_214 : i32 to index
        %swap3A_231 = arith.constant 16 : index
        %swap3A_232 = tpu.vector_load %arg13[%swap3A_230, %swap3A_231] {strides = array<i32>} : memref<128x48xf32, #tpu.memory_space<vmem>>, vector<16xf32>,
        tpu.vector_store %arg13[%swap3A_230, %swap3A_231], %mul3A_229 {strides = array<i32>} : memref<128x48xf32, #tpu.memory_space<vmem>>, vector<16xf32>,
        %get3A_233 = arith.index_cast %add3A_214 : i32 to index
        %get3A_234 = arith.constant 32 : index
        %get3A_235 = tpu.vector_load %arg12[%get3A_233, %get3A_234] {strides = array<i32>} : memref<128x48xf32, #tpu.memory_space<vmem>>, vector<16xf32>,
        %add3A_236 = arith.addf %get3A_235, %select_n3A : vector<16xf32>
        %mul3A_237 = vector.broadcast %squeeze3A_216 : f32 to vector<16xf32>
        %mul3A_238 = arith.mulf %add3A_236, %mul3A_237 : vector<16xf32>
        %swap3A_239 = arith.index_cast %add3A_214 : i32 to index
        %swap3A_240 = arith.constant 32 : index
        %swap3A_241 = tpu.vector_load %arg13[%swap3A_239, %swap3A_240] {strides = array<i32>} : memref<128x48xf32, #tpu.memory_space<vmem>>, vector<16xf32>,
        tpu.vector_store %arg13[%swap3A_239, %swap3A_240], %mul3A_238 {strides = array<i32>} : memref<128x48xf32, #tpu.memory_space<vmem>>, vector<16xf32>,
        %mul3A_242 = arith.constant 16 : i32
        %mul3A_243 = arith.muli %add3A_46, %mul3A_242 : i32
        %add3A_244 = arith.constant 6 : i32
        %add3A_245 = arith.addi %mul3A_243, %add3A_244 : i32
        %slice3A_246 = vector.extract_strided_slice %exp3A {offsets = [6], sizes = [1], strides = [1]} : vector<16xf32> to vector<1xf32>
        %squeeze3A_247 = vector.extract %slice3A_246[0] : f32 from vector<1xf32>
        %get3A_248 = arith.index_cast %add3A_245 : i32 to index
        %get3A_249 = arith.constant 0 : index
        %get3A_250 = tpu.vector_load %arg12[%get3A_248, %get3A_249] {strides = array<i32>} : memref<128x48xf32, #tpu.memory_space<vmem>>, vector<16xf32>,
        %mul3A_251 = vector.broadcast %squeeze3A_247 : f32 to vector<16xf32>
        %mul3A_252 = arith.mulf %get3A_250, %mul3A_251 : vector<16xf32>
        %swap3A_253 = arith.index_cast %add3A_245 : i32 to index
        %swap3A_254 = arith.constant 0 : index
        %swap3A_255 = tpu.vector_load %arg13[%swap3A_253, %swap3A_254] {strides = array<i32>} : memref<128x48xf32, #tpu.memory_space<vmem>>, vector<16xf32>,
        tpu.vector_store %arg13[%swap3A_253, %swap3A_254], %mul3A_252 {strides = array<i32>} : memref<128x48xf32, #tpu.memory_space<vmem>>, vector<16xf32>,
        %get3A_256 = arith.index_cast %add3A_245 : i32 to index
        %get3A_257 = arith.constant 16 : index
        %get3A_258 = tpu.vector_load %arg12[%get3A_256, %get3A_257] {strides = array<i32>} : memref<128x48xf32, #tpu.memory_space<vmem>>, vector<16xf32>,
        %mul3A_259 = vector.broadcast %squeeze3A_247 : f32 to vector<16xf32>
        %mul3A_260 = arith.mulf %get3A_258, %mul3A_259 : vector<16xf32>
        %swap3A_261 = arith.index_cast %add3A_245 : i32 to index
        %swap3A_262 = arith.constant 16 : index
        %swap3A_263 = tpu.vector_load %arg13[%swap3A_261, %swap3A_262] {strides = array<i32>} : memref<128x48xf32, #tpu.memory_space<vmem>>, vector<16xf32>,
        tpu.vector_store %arg13[%swap3A_261, %swap3A_262], %mul3A_260 {strides = array<i32>} : memref<128x48xf32, #tpu.memory_space<vmem>>, vector<16xf32>,
        %get3A_264 = arith.index_cast %add3A_245 : i32 to index
        %get3A_265 = arith.constant 32 : index
        %get3A_266 = tpu.vector_load %arg12[%get3A_264, %get3A_265] {strides = array<i32>} : memref<128x48xf32, #tpu.memory_space<vmem>>, vector<16xf32>,
        %add3A_267 = arith.addf %get3A_266, %select_n3A : vector<16xf32>
        %mul3A_268 = vector.broadcast %squeeze3A_247 : f32 to vector<16xf32>
        %mul3A_269 = arith.mulf %add3A_267, %mul3A_268 : vector<16xf32>
        %swap3A_270 = arith.index_cast %add3A_245 : i32 to index
        %swap3A_271 = arith.constant 32 : index
        %swap3A_272 = tpu.vector_load %arg13[%swap3A_270, %swap3A_271] {strides = array<i32>} : memref<128x48xf32, #tpu.memory_space<vmem>>, vector<16xf32>,
        tpu.vector_store %arg13[%swap3A_270, %swap3A_271], %mul3A_269 {strides = array<i32>} : memref<128x48xf32, #tpu.memory_space<vmem>>, vector<16xf32>,
        %mul3A_273 = arith.constant 16 : i32
        %mul3A_274 = arith.muli %add3A_46, %mul3A_273 : i32
        %add3A_275 = arith.constant 7 : i32
        %add3A_276 = arith.addi %mul3A_274, %add3A_275 : i32
        %slice3A_277 = vector.extract_strided_slice %exp3A {offsets = [7], sizes = [1], strides = [1]} : vector<16xf32> to vector<1xf32>
        %squeeze3A_278 = vector.extract %slice3A_277[0] : f32 from vector<1xf32>
        %get3A_279 = arith.index_cast %add3A_276 : i32 to index
        %get3A_280 = arith.constant 0 : index
        %get3A_281 = tpu.vector_load %arg12[%get3A_279, %get3A_280] {strides = array<i32>} : memref<128x48xf32, #tpu.memory_space<vmem>>, vector<16xf32>,
        %mul3A_282 = vector.broadcast %squeeze3A_278 : f32 to vector<16xf32>
        %mul3A_283 = arith.mulf %get3A_281, %mul3A_282 : vector<16xf32>
        %swap3A_284 = arith.index_cast %add3A_276 : i32 to index
        %swap3A_285 = arith.constant 0 : index
        %swap3A_286 = tpu.vector_load %arg13[%swap3A_284, %swap3A_285] {strides = array<i32>} : memref<128x48xf32, #tpu.memory_space<vmem>>, vector<16xf32>,
        tpu.vector_store %arg13[%swap3A_284, %swap3A_285], %mul3A_283 {strides = array<i32>} : memref<128x48xf32, #tpu.memory_space<vmem>>, vector<16xf32>,
        %get3A_287 = arith.index_cast %add3A_276 : i32 to index
        %get3A_288 = arith.constant 16 : index
        %get3A_289 = tpu.vector_load %arg12[%get3A_287, %get3A_288] {strides = array<i32>} : memref<128x48xf32, #tpu.memory_space<vmem>>, vector<16xf32>,
        %mul3A_290 = vector.broadcast %squeeze3A_278 : f32 to vector<16xf32>
        %mul3A_291 = arith.mulf %get3A_289, %mul3A_290 : vector<16xf32>
        %swap3A_292 = arith.index_cast %add3A_276 : i32 to index
        %swap3A_293 = arith.constant 16 : index
        %swap3A_294 = tpu.vector_load %arg13[%swap3A_292, %swap3A_293] {strides = array<i32>} : memref<128x48xf32, #tpu.memory_space<vmem>>, vector<16xf32>,
        tpu.vector_store %arg13[%swap3A_292, %swap3A_293], %mul3A_291 {strides = array<i32>} : memref<128x48xf32, #tpu.memory_space<vmem>>, vector<16xf32>,
        %get3A_295 = arith.index_cast %add3A_276 : i32 to index
        %get3A_296 = arith.constant 32 : index
        %get3A_297 = tpu.vector_load %arg12[%get3A_295, %get3A_296] {strides = array<i32>} : memref<128x48xf32, #tpu.memory_space<vmem>>, vector<16xf32>,
        %add3A_298 = arith.addf %get3A_297, %select_n3A : vector<16xf32>
        %mul3A_299 = vector.broadcast %squeeze3A_278 : f32 to vector<16xf32>
        %mul3A_300 = arith.mulf %add3A_298, %mul3A_299 : vector<16xf32>
        %swap3A_301 = arith.index_cast %add3A_276 : i32 to index
        %swap3A_302 = arith.constant 32 : index
        %swap3A_303 = tpu.vector_load %arg13[%swap3A_301, %swap3A_302] {strides = array<i32>} : memref<128x48xf32, #tpu.memory_space<vmem>>, vector<16xf32>,
        tpu.vector_store %arg13[%swap3A_301, %swap3A_302], %mul3A_300 {strides = array<i32>} : memref<128x48xf32, #tpu.memory_space<vmem>>, vector<16xf32>,
        %mul3A_304 = arith.constant 16 : i32
        %mul3A_305 = arith.muli %add3A_46, %mul3A_304 : i32
        %add3A_306 = arith.constant 8 : i32
        %add3A_307 = arith.addi %mul3A_305, %add3A_306 : i32
        %slice3A_308 = vector.extract_strided_slice %exp3A {offsets = [8], sizes = [1], strides = [1]} : vector<16xf32> to vector<1xf32>
        %squeeze3A_309 = vector.extract %slice3A_308[0] : f32 from vector<1xf32>
        %get3A_310 = arith.index_cast %add3A_307 : i32 to index
        %get3A_311 = arith.constant 0 : index
        %get3A_312 = tpu.vector_load %arg12[%get3A_310, %get3A_311] {strides = array<i32>} : memref<128x48xf32, #tpu.memory_space<vmem>>, vector<16xf32>,
        %mul3A_313 = vector.broadcast %squeeze3A_309 : f32 to vector<16xf32>
        %mul3A_314 = arith.mulf %get3A_312, %mul3A_313 : vector<16xf32>
        %swap3A_315 = arith.index_cast %add3A_307 : i32 to index
        %swap3A_316 = arith.constant 0 : index
        %swap3A_317 = tpu.vector_load %arg13[%swap3A_315, %swap3A_316] {strides = array<i32>} : memref<128x48xf32, #tpu.memory_space<vmem>>, vector<16xf32>,
        tpu.vector_store %arg13[%swap3A_315, %swap3A_316], %mul3A_314 {strides = array<i32>} : memref<128x48xf32, #tpu.memory_space<vmem>>, vector<16xf32>,
        %get3A_318 = arith.index_cast %add3A_307 : i32 to index
        %get3A_319 = arith.constant 16 : index
        %get3A_320 = tpu.vector_load %arg12[%get3A_318, %get3A_319] {strides = array<i32>} : memref<128x48xf32, #tpu.memory_space<vmem>>, vector<16xf32>,
        %mul3A_321 = vector.broadcast %squeeze3A_309 : f32 to vector<16xf32>
        %mul3A_322 = arith.mulf %get3A_320, %mul3A_321 : vector<16xf32>
        %swap3A_323 = arith.index_cast %add3A_307 : i32 to index
        %swap3A_324 = arith.constant 16 : index
        %swap3A_325 = tpu.vector_load %arg13[%swap3A_323, %swap3A_324] {strides = array<i32>} : memref<128x48xf32, #tpu.memory_space<vmem>>, vector<16xf32>,
        tpu.vector_store %arg13[%swap3A_323, %swap3A_324], %mul3A_322 {strides = array<i32>} : memref<128x48xf32, #tpu.memory_space<vmem>>, vector<16xf32>,
        %get3A_326 = arith.index_cast %add3A_307 : i32 to index
        %get3A_327 = arith.constant 32 : index
        %get3A_328 = tpu.vector_load %arg12[%get3A_326, %get3A_327] {strides = array<i32>} : memref<128x48xf32, #tpu.memory_space<vmem>>, vector<16xf32>,
        %add3A_329 = arith.addf %get3A_328, %select_n3A : vector<16xf32>
        %mul3A_330 = vector.broadcast %squeeze3A_309 : f32 to vector<16xf32>
        %mul3A_331 = arith.mulf %add3A_329, %mul3A_330 : vector<16xf32>
        %swap3A_332 = arith.index_cast %add3A_307 : i32 to index
        %swap3A_333 = arith.constant 32 : index
        %swap3A_334 = tpu.vector_load %arg13[%swap3A_332, %swap3A_333] {strides = array<i32>} : memref<128x48xf32, #tpu.memory_space<vmem>>, vector<16xf32>,
        tpu.vector_store %arg13[%swap3A_332, %swap3A_333], %mul3A_331 {strides = array<i32>} : memref<128x48xf32, #tpu.memory_space<vmem>>, vector<16xf32>,
        %mul3A_335 = arith.constant 16 : i32
        %mul3A_336 = arith.muli %add3A_46, %mul3A_335 : i32
        %add3A_337 = arith.constant 9 : i32
        %add3A_338 = arith.addi %mul3A_336, %add3A_337 : i32
        %slice3A_339 = vector.extract_strided_slice %exp3A {offsets = [9], sizes = [1], strides = [1]} : vector<16xf32> to vector<1xf32>
        %squeeze3A_340 = vector.extract %slice3A_339[0] : f32 from vector<1xf32>
        %get3A_341 = arith.index_cast %add3A_338 : i32 to index
        %get3A_342 = arith.constant 0 : index
        %get3A_343 = tpu.vector_load %arg12[%get3A_341, %get3A_342] {strides = array<i32>} : memref<128x48xf32, #tpu.memory_space<vmem>>, vector<16xf32>,
        %mul3A_344 = vector.broadcast %squeeze3A_340 : f32 to vector<16xf32>
        %mul3A_345 = arith.mulf %get3A_343, %mul3A_344 : vector<16xf32>
        %swap3A_346 = arith.index_cast %add3A_338 : i32 to index
        %swap3A_347 = arith.constant 0 : index
        %swap3A_348 = tpu.vector_load %arg13[%swap3A_346, %swap3A_347] {strides = array<i32>} : memref<128x48xf32, #tpu.memory_space<vmem>>, vector<16xf32>,
        tpu.vector_store %arg13[%swap3A_346, %swap3A_347], %mul3A_345 {strides = array<i32>} : memref<128x48xf32, #tpu.memory_space<vmem>>, vector<16xf32>,
        %get3A_349 = arith.index_cast %add3A_338 : i32 to index
        %get3A_350 = arith.constant 16 : index
        %get3A_351 = tpu.vector_load %arg12[%get3A_349, %get3A_350] {strides = array<i32>} : memref<128x48xf32, #tpu.memory_space<vmem>>, vector<16xf32>,
        %mul3A_352 = vector.broadcast %squeeze3A_340 : f32 to vector<16xf32>
        %mul3A_353 = arith.mulf %get3A_351, %mul3A_352 : vector<16xf32>
        %swap3A_354 = arith.index_cast %add3A_338 : i32 to index
        %swap3A_355 = arith.constant 16 : index
        %swap3A_356 = tpu.vector_load %arg13[%swap3A_354, %swap3A_355] {strides = array<i32>} : memref<128x48xf32, #tpu.memory_space<vmem>>, vector<16xf32>,
        tpu.vector_store %arg13[%swap3A_354, %swap3A_355], %mul3A_353 {strides = array<i32>} : memref<128x48xf32, #tpu.memory_space<vmem>>, vector<16xf32>,
        %get3A_357 = arith.index_cast %add3A_338 : i32 to index
        %get3A_358 = arith.constant 32 : index
        %get3A_359 = tpu.vector_load %arg12[%get3A_357, %get3A_358] {strides = array<i32>} : memref<128x48xf32, #tpu.memory_space<vmem>>, vector<16xf32>,
        %add3A_360 = arith.addf %get3A_359, %select_n3A : vector<16xf32>
        %mul3A_361 = vector.broadcast %squeeze3A_340 : f32 to vector<16xf32>
        %mul3A_362 = arith.mulf %add3A_360, %mul3A_361 : vector<16xf32>
        %swap3A_363 = arith.index_cast %add3A_338 : i32 to index
        %swap3A_364 = arith.constant 32 : index
        %swap3A_365 = tpu.vector_load %arg13[%swap3A_363, %swap3A_364] {strides = array<i32>} : memref<128x48xf32, #tpu.memory_space<vmem>>, vector<16xf32>,
        tpu.vector_store %arg13[%swap3A_363, %swap3A_364], %mul3A_362 {strides = array<i32>} : memref<128x48xf32, #tpu.memory_space<vmem>>, vector<16xf32>,
        %mul3A_366 = arith.constant 16 : i32
        %mul3A_367 = arith.muli %add3A_46, %mul3A_366 : i32
        %add3A_368 = arith.constant 10 : i32
        %add3A_369 = arith.addi %mul3A_367, %add3A_368 : i32
        %slice3A_370 = vector.extract_strided_slice %exp3A {offsets = [10], sizes = [1], strides = [1]} : vector<16xf32> to vector<1xf32>
        %squeeze3A_371 = vector.extract %slice3A_370[0] : f32 from vector<1xf32>
        %get3A_372 = arith.index_cast %add3A_369 : i32 to index
        %get3A_373 = arith.constant 0 : index
        %get3A_374 = tpu.vector_load %arg12[%get3A_372, %get3A_373] {strides = array<i32>} : memref<128x48xf32, #tpu.memory_space<vmem>>, vector<16xf32>,
        %mul3A_375 = vector.broadcast %squeeze3A_371 : f32 to vector<16xf32>
        %mul3A_376 = arith.mulf %get3A_374, %mul3A_375 : vector<16xf32>
        %swap3A_377 = arith.index_cast %add3A_369 : i32 to index
        %swap3A_378 = arith.constant 0 : index
        %swap3A_379 = tpu.vector_load %arg13[%swap3A_377, %swap3A_378] {strides = array<i32>} : memref<128x48xf32, #tpu.memory_space<vmem>>, vector<16xf32>,
        tpu.vector_store %arg13[%swap3A_377, %swap3A_378], %mul3A_376 {strides = array<i32>} : memref<128x48xf32, #tpu.memory_space<vmem>>, vector<16xf32>,
        %get3A_380 = arith.index_cast %add3A_369 : i32 to index
        %get3A_381 = arith.constant 16 : index
        %get3A_382 = tpu.vector_load %arg12[%get3A_380, %get3A_381] {strides = array<i32>} : memref<128x48xf32, #tpu.memory_space<vmem>>, vector<16xf32>,
        %mul3A_383 = vector.broadcast %squeeze3A_371 : f32 to vector<16xf32>
        %mul3A_384 = arith.mulf %get3A_382, %mul3A_383 : vector<16xf32>
        %swap3A_385 = arith.index_cast %add3A_369 : i32 to index
        %swap3A_386 = arith.constant 16 : index
        %swap3A_387 = tpu.vector_load %arg13[%swap3A_385, %swap3A_386] {strides = array<i32>} : memref<128x48xf32, #tpu.memory_space<vmem>>, vector<16xf32>,
        tpu.vector_store %arg13[%swap3A_385, %swap3A_386], %mul3A_384 {strides = array<i32>} : memref<128x48xf32, #tpu.memory_space<vmem>>, vector<16xf32>,
        %get3A_388 = arith.index_cast %add3A_369 : i32 to index
        %get3A_389 = arith.constant 32 : index
        %get3A_390 = tpu.vector_load %arg12[%get3A_388, %get3A_389] {strides = array<i32>} : memref<128x48xf32, #tpu.memory_space<vmem>>, vector<16xf32>,
        %add3A_391 = arith.addf %get3A_390, %select_n3A : vector<16xf32>
        %mul3A_392 = vector.broadcast %squeeze3A_371 : f32 to vector<16xf32>
        %mul3A_393 = arith.mulf %add3A_391, %mul3A_392 : vector<16xf32>
        %swap3A_394 = arith.index_cast %add3A_369 : i32 to index
        %swap3A_395 = arith.constant 32 : index
        %swap3A_396 = tpu.vector_load %arg13[%swap3A_394, %swap3A_395] {strides = array<i32>} : memref<128x48xf32, #tpu.memory_space<vmem>>, vector<16xf32>,
        tpu.vector_store %arg13[%swap3A_394, %swap3A_395], %mul3A_393 {strides = array<i32>} : memref<128x48xf32, #tpu.memory_space<vmem>>, vector<16xf32>,
        %mul3A_397 = arith.constant 16 : i32
        %mul3A_398 = arith.muli %add3A_46, %mul3A_397 : i32
        %add3A_399 = arith.constant 11 : i32
        %add3A_400 = arith.addi %mul3A_398, %add3A_399 : i32
        %slice3A_401 = vector.extract_strided_slice %exp3A {offsets = [11], sizes = [1], strides = [1]} : vector<16xf32> to vector<1xf32>
        %squeeze3A_402 = vector.extract %slice3A_401[0] : f32 from vector<1xf32>
        %get3A_403 = arith.index_cast %add3A_400 : i32 to index
        %get3A_404 = arith.constant 0 : index
        %get3A_405 = tpu.vector_load %arg12[%get3A_403, %get3A_404] {strides = array<i32>} : memref<128x48xf32, #tpu.memory_space<vmem>>, vector<16xf32>,
        %mul3A_406 = vector.broadcast %squeeze3A_402 : f32 to vector<16xf32>
        %mul3A_407 = arith.mulf %get3A_405, %mul3A_406 : vector<16xf32>
        %swap3A_408 = arith.index_cast %add3A_400 : i32 to index
        %swap3A_409 = arith.constant 0 : index
        %swap3A_410 = tpu.vector_load %arg13[%swap3A_408, %swap3A_409] {strides = array<i32>} : memref<128x48xf32, #tpu.memory_space<vmem>>, vector<16xf32>,
        tpu.vector_store %arg13[%swap3A_408, %swap3A_409], %mul3A_407 {strides = array<i32>} : memref<128x48xf32, #tpu.memory_space<vmem>>, vector<16xf32>,
        %get3A_411 = arith.index_cast %add3A_400 : i32 to index
        %get3A_412 = arith.constant 16 : index
        %get3A_413 = tpu.vector_load %arg12[%get3A_411, %get3A_412] {strides = array<i32>} : memref<128x48xf32, #tpu.memory_space<vmem>>, vector<16xf32>,
        %mul3A_414 = vector.broadcast %squeeze3A_402 : f32 to vector<16xf32>
        %mul3A_415 = arith.mulf %get3A_413, %mul3A_414 : vector<16xf32>
        %swap3A_416 = arith.index_cast %add3A_400 : i32 to index
        %swap3A_417 = arith.constant 16 : index
        %swap3A_418 = tpu.vector_load %arg13[%swap3A_416, %swap3A_417] {strides = array<i32>} : memref<128x48xf32, #tpu.memory_space<vmem>>, vector<16xf32>,
        tpu.vector_store %arg13[%swap3A_416, %swap3A_417], %mul3A_415 {strides = array<i32>} : memref<128x48xf32, #tpu.memory_space<vmem>>, vector<16xf32>,
        %get3A_419 = arith.index_cast %add3A_400 : i32 to index
        %get3A_420 = arith.constant 32 : index
        %get3A_421 = tpu.vector_load %arg12[%get3A_419, %get3A_420] {strides = array<i32>} : memref<128x48xf32, #tpu.memory_space<vmem>>, vector<16xf32>,
        %add3A_422 = arith.addf %get3A_421, %select_n3A : vector<16xf32>
        %mul3A_423 = vector.broadcast %squeeze3A_402 : f32 to vector<16xf32>
        %mul3A_424 = arith.mulf %add3A_422, %mul3A_423 : vector<16xf32>
        %swap3A_425 = arith.index_cast %add3A_400 : i32 to index
        %swap3A_426 = arith.constant 32 : index
        %swap3A_427 = tpu.vector_load %arg13[%swap3A_425, %swap3A_426] {strides = array<i32>} : memref<128x48xf32, #tpu.memory_space<vmem>>, vector<16xf32>,
        tpu.vector_store %arg13[%swap3A_425, %swap3A_426], %mul3A_424 {strides = array<i32>} : memref<128x48xf32, #tpu.memory_space<vmem>>, vector<16xf32>,
        %mul3A_428 = arith.constant 16 : i32
        %mul3A_429 = arith.muli %add3A_46, %mul3A_428 : i32
        %add3A_430 = arith.constant 12 : i32
        %add3A_431 = arith.addi %mul3A_429, %add3A_430 : i32
        %slice3A_432 = vector.extract_strided_slice %exp3A {offsets = [12], sizes = [1], strides = [1]} : vector<16xf32> to vector<1xf32>
        %squeeze3A_433 = vector.extract %slice3A_432[0] : f32 from vector<1xf32>
        %get3A_434 = arith.index_cast %add3A_431 : i32 to index
        %get3A_435 = arith.constant 0 : index
        %get3A_436 = tpu.vector_load %arg12[%get3A_434, %get3A_435] {strides = array<i32>} : memref<128x48xf32, #tpu.memory_space<vmem>>, vector<16xf32>,
        %mul3A_437 = vector.broadcast %squeeze3A_433 : f32 to vector<16xf32>
        %mul3A_438 = arith.mulf %get3A_436, %mul3A_437 : vector<16xf32>
        %swap3A_439 = arith.index_cast %add3A_431 : i32 to index
        %swap3A_440 = arith.constant 0 : index
        %swap3A_441 = tpu.vector_load %arg13[%swap3A_439, %swap3A_440] {strides = array<i32>} : memref<128x48xf32, #tpu.memory_space<vmem>>, vector<16xf32>,
        tpu.vector_store %arg13[%swap3A_439, %swap3A_440], %mul3A_438 {strides = array<i32>} : memref<128x48xf32, #tpu.memory_space<vmem>>, vector<16xf32>,
        %get3A_442 = arith.index_cast %add3A_431 : i32 to index
        %get3A_443 = arith.constant 16 : index
        %get3A_444 = tpu.vector_load %arg12[%get3A_442, %get3A_443] {strides = array<i32>} : memref<128x48xf32, #tpu.memory_space<vmem>>, vector<16xf32>,
        %mul3A_445 = vector.broadcast %squeeze3A_433 : f32 to vector<16xf32>
        %mul3A_446 = arith.mulf %get3A_444, %mul3A_445 : vector<16xf32>
        %swap3A_447 = arith.index_cast %add3A_431 : i32 to index
        %swap3A_448 = arith.constant 16 : index
        %swap3A_449 = tpu.vector_load %arg13[%swap3A_447, %swap3A_448] {strides = array<i32>} : memref<128x48xf32, #tpu.memory_space<vmem>>, vector<16xf32>,
        tpu.vector_store %arg13[%swap3A_447, %swap3A_448], %mul3A_446 {strides = array<i32>} : memref<128x48xf32, #tpu.memory_space<vmem>>, vector<16xf32>,
        %get3A_450 = arith.index_cast %add3A_431 : i32 to index
        %get3A_451 = arith.constant 32 : index
        %get3A_452 = tpu.vector_load %arg12[%get3A_450, %get3A_451] {strides = array<i32>} : memref<128x48xf32, #tpu.memory_space<vmem>>, vector<16xf32>,
        %add3A_453 = arith.addf %get3A_452, %select_n3A : vector<16xf32>
        %mul3A_454 = vector.broadcast %squeeze3A_433 : f32 to vector<16xf32>
        %mul3A_455 = arith.mulf %add3A_453, %mul3A_454 : vector<16xf32>
        %swap3A_456 = arith.index_cast %add3A_431 : i32 to index
        %swap3A_457 = arith.constant 32 : index
        %swap3A_458 = tpu.vector_load %arg13[%swap3A_456, %swap3A_457] {strides = array<i32>} : memref<128x48xf32, #tpu.memory_space<vmem>>, vector<16xf32>,
        tpu.vector_store %arg13[%swap3A_456, %swap3A_457], %mul3A_455 {strides = array<i32>} : memref<128x48xf32, #tpu.memory_space<vmem>>, vector<16xf32>,
        %mul3A_459 = arith.constant 16 : i32
        %mul3A_460 = arith.muli %add3A_46, %mul3A_459 : i32
        %add3A_461 = arith.constant 13 : i32
        %add3A_462 = arith.addi %mul3A_460, %add3A_461 : i32
        %slice3A_463 = vector.extract_strided_slice %exp3A {offsets = [13], sizes = [1], strides = [1]} : vector<16xf32> to vector<1xf32>
        %squeeze3A_464 = vector.extract %slice3A_463[0] : f32 from vector<1xf32>
        %get3A_465 = arith.index_cast %add3A_462 : i32 to index
        %get3A_466 = arith.constant 0 : index
        %get3A_467 = tpu.vector_load %arg12[%get3A_465, %get3A_466] {strides = array<i32>} : memref<128x48xf32, #tpu.memory_space<vmem>>, vector<16xf32>,
        %mul3A_468 = vector.broadcast %squeeze3A_464 : f32 to vector<16xf32>
        %mul3A_469 = arith.mulf %get3A_467, %mul3A_468 : vector<16xf32>
        %swap3A_470 = arith.index_cast %add3A_462 : i32 to index
        %swap3A_471 = arith.constant 0 : index
        %swap3A_472 = tpu.vector_load %arg13[%swap3A_470, %swap3A_471] {strides = array<i32>} : memref<128x48xf32, #tpu.memory_space<vmem>>, vector<16xf32>,
        tpu.vector_store %arg13[%swap3A_470, %swap3A_471], %mul3A_469 {strides = array<i32>} : memref<128x48xf32, #tpu.memory_space<vmem>>, vector<16xf32>,
        %get3A_473 = arith.index_cast %add3A_462 : i32 to index
        %get3A_474 = arith.constant 16 : index
        %get3A_475 = tpu.vector_load %arg12[%get3A_473, %get3A_474] {strides = array<i32>} : memref<128x48xf32, #tpu.memory_space<vmem>>, vector<16xf32>,
        %mul3A_476 = vector.broadcast %squeeze3A_464 : f32 to vector<16xf32>
        %mul3A_477 = arith.mulf %get3A_475, %mul3A_476 : vector<16xf32>
        %swap3A_478 = arith.index_cast %add3A_462 : i32 to index
        %swap3A_479 = arith.constant 16 : index
        %swap3A_480 = tpu.vector_load %arg13[%swap3A_478, %swap3A_479] {strides = array<i32>} : memref<128x48xf32, #tpu.memory_space<vmem>>, vector<16xf32>,
        tpu.vector_store %arg13[%swap3A_478, %swap3A_479], %mul3A_477 {strides = array<i32>} : memref<128x48xf32, #tpu.memory_space<vmem>>, vector<16xf32>,
        %get3A_481 = arith.index_cast %add3A_462 : i32 to index
        %get3A_482 = arith.constant 32 : index
        %get3A_483 = tpu.vector_load %arg12[%get3A_481, %get3A_482] {strides = array<i32>} : memref<128x48xf32, #tpu.memory_space<vmem>>, vector<16xf32>,
        %add3A_484 = arith.addf %get3A_483, %select_n3A : vector<16xf32>
        %mul3A_485 = vector.broadcast %squeeze3A_464 : f32 to vector<16xf32>
        %mul3A_486 = arith.mulf %add3A_484, %mul3A_485 : vector<16xf32>
        %swap3A_487 = arith.index_cast %add3A_462 : i32 to index
        %swap3A_488 = arith.constant 32 : index
        %swap3A_489 = tpu.vector_load %arg13[%swap3A_487, %swap3A_488] {strides = array<i32>} : memref<128x48xf32, #tpu.memory_space<vmem>>, vector<16xf32>,
        tpu.vector_store %arg13[%swap3A_487, %swap3A_488], %mul3A_486 {strides = array<i32>} : memref<128x48xf32, #tpu.memory_space<vmem>>, vector<16xf32>,
        %mul3A_490 = arith.constant 16 : i32
        %mul3A_491 = arith.muli %add3A_46, %mul3A_490 : i32
        %add3A_492 = arith.constant 14 : i32
        %add3A_493 = arith.addi %mul3A_491, %add3A_492 : i32
        %slice3A_494 = vector.extract_strided_slice %exp3A {offsets = [14], sizes = [1], strides = [1]} : vector<16xf32> to vector<1xf32>
        %squeeze3A_495 = vector.extract %slice3A_494[0] : f32 from vector<1xf32>
        %get3A_496 = arith.index_cast %add3A_493 : i32 to index
        %get3A_497 = arith.constant 0 : index
        %get3A_498 = tpu.vector_load %arg12[%get3A_496, %get3A_497] {strides = array<i32>} : memref<128x48xf32, #tpu.memory_space<vmem>>, vector<16xf32>,
        %mul3A_499 = vector.broadcast %squeeze3A_495 : f32 to vector<16xf32>
        %mul3A_500 = arith.mulf %get3A_498, %mul3A_499 : vector<16xf32>
        %swap3A_501 = arith.index_cast %add3A_493 : i32 to index
        %swap3A_502 = arith.constant 0 : index
        %swap3A_503 = tpu.vector_load %arg13[%swap3A_501, %swap3A_502] {strides = array<i32>} : memref<128x48xf32, #tpu.memory_space<vmem>>, vector<16xf32>,
        tpu.vector_store %arg13[%swap3A_501, %swap3A_502], %mul3A_500 {strides = array<i32>} : memref<128x48xf32, #tpu.memory_space<vmem>>, vector<16xf32>,
        %get3A_504 = arith.index_cast %add3A_493 : i32 to index
        %get3A_505 = arith.constant 16 : index
        %get3A_506 = tpu.vector_load %arg12[%get3A_504, %get3A_505] {strides = array<i32>} : memref<128x48xf32, #tpu.memory_space<vmem>>, vector<16xf32>,
        %mul3A_507 = vector.broadcast %squeeze3A_495 : f32 to vector<16xf32>
        %mul3A_508 = arith.mulf %get3A_506, %mul3A_507 : vector<16xf32>
        %swap3A_509 = arith.index_cast %add3A_493 : i32 to index
        %swap3A_510 = arith.constant 16 : index
        %swap3A_511 = tpu.vector_load %arg13[%swap3A_509, %swap3A_510] {strides = array<i32>} : memref<128x48xf32, #tpu.memory_space<vmem>>, vector<16xf32>,
        tpu.vector_store %arg13[%swap3A_509, %swap3A_510], %mul3A_508 {strides = array<i32>} : memref<128x48xf32, #tpu.memory_space<vmem>>, vector<16xf32>,
        %get3A_512 = arith.index_cast %add3A_493 : i32 to index
        %get3A_513 = arith.constant 32 : index
        %get3A_514 = tpu.vector_load %arg12[%get3A_512, %get3A_513] {strides = array<i32>} : memref<128x48xf32, #tpu.memory_space<vmem>>, vector<16xf32>,
        %add3A_515 = arith.addf %get3A_514, %select_n3A : vector<16xf32>
        %mul3A_516 = vector.broadcast %squeeze3A_495 : f32 to vector<16xf32>
        %mul3A_517 = arith.mulf %add3A_515, %mul3A_516 : vector<16xf32>
        %swap3A_518 = arith.index_cast %add3A_493 : i32 to index
        %swap3A_519 = arith.constant 32 : index
        %swap3A_520 = tpu.vector_load %arg13[%swap3A_518, %swap3A_519] {strides = array<i32>} : memref<128x48xf32, #tpu.memory_space<vmem>>, vector<16xf32>,
        tpu.vector_store %arg13[%swap3A_518, %swap3A_519], %mul3A_517 {strides = array<i32>} : memref<128x48xf32, #tpu.memory_space<vmem>>, vector<16xf32>,
        %mul3A_521 = arith.constant 16 : i32
        %mul3A_522 = arith.muli %add3A_46, %mul3A_521 : i32
        %add3A_523 = arith.constant 15 : i32
        %add3A_524 = arith.addi %mul3A_522, %add3A_523 : i32
        %slice3A_525 = vector.extract_strided_slice %exp3A {offsets = [15], sizes = [1], strides = [1]} : vector<16xf32> to vector<1xf32>
        %squeeze3A_526 = vector.extract %slice3A_525[0] : f32 from vector<1xf32>
        %get3A_527 = arith.index_cast %add3A_524 : i32 to index
        %get3A_528 = arith.constant 0 : index
        %get3A_529 = tpu.vector_load %arg12[%get3A_527, %get3A_528] {strides = array<i32>} : memref<128x48xf32, #tpu.memory_space<vmem>>, vector<16xf32>,
        %mul3A_530 = vector.broadcast %squeeze3A_526 : f32 to vector<16xf32>
        %mul3A_531 = arith.mulf %get3A_529, %mul3A_530 : vector<16xf32>
        %swap3A_532 = arith.index_cast %add3A_524 : i32 to index
        %swap3A_533 = arith.constant 0 : index
        %swap3A_534 = tpu.vector_load %arg13[%swap3A_532, %swap3A_533] {strides = array<i32>} : memref<128x48xf32, #tpu.memory_space<vmem>>, vector<16xf32>,
        tpu.vector_store %arg13[%swap3A_532, %swap3A_533], %mul3A_531 {strides = array<i32>} : memref<128x48xf32, #tpu.memory_space<vmem>>, vector<16xf32>,
        %get3A_535 = arith.index_cast %add3A_524 : i32 to index
        %get3A_536 = arith.constant 16 : index
        %get3A_537 = tpu.vector_load %arg12[%get3A_535, %get3A_536] {strides = array<i32>} : memref<128x48xf32, #tpu.memory_space<vmem>>, vector<16xf32>,
        %mul3A_538 = vector.broadcast %squeeze3A_526 : f32 to vector<16xf32>
        %mul3A_539 = arith.mulf %get3A_537, %mul3A_538 : vector<16xf32>
        %swap3A_540 = arith.index_cast %add3A_524 : i32 to index
        %swap3A_541 = arith.constant 16 : index
        %swap3A_542 = tpu.vector_load %arg13[%swap3A_540, %swap3A_541] {strides = array<i32>} : memref<128x48xf32, #tpu.memory_space<vmem>>, vector<16xf32>,
        tpu.vector_store %arg13[%swap3A_540, %swap3A_541], %mul3A_539 {strides = array<i32>} : memref<128x48xf32, #tpu.memory_space<vmem>>, vector<16xf32>,
        %get3A_543 = arith.index_cast %add3A_524 : i32 to index
        %get3A_544 = arith.constant 32 : index
        %get3A_545 = tpu.vector_load %arg12[%get3A_543, %get3A_544] {strides = array<i32>} : memref<128x48xf32, #tpu.memory_space<vmem>>, vector<16xf32>,
        %add3A_546 = arith.addf %get3A_545, %select_n3A : vector<16xf32>
        %mul3A_547 = vector.broadcast %squeeze3A_526 : f32 to vector<16xf32>
        %mul3A_548 = arith.mulf %add3A_546, %mul3A_547 : vector<16xf32>
        %swap3A_549 = arith.index_cast %add3A_524 : i32 to index
        %swap3A_550 = arith.constant 32 : index
        %swap3A_551 = tpu.vector_load %arg13[%swap3A_549, %swap3A_550] {strides = array<i32>} : memref<128x48xf32, #tpu.memory_space<vmem>>, vector<16xf32>,
        tpu.vector_store %arg13[%swap3A_549, %swap3A_550], %mul3A_548 {strides = array<i32>} : memref<128x48xf32, #tpu.memory_space<vmem>>, vector<16xf32>,
      }
      %scan3A_41 = arith.constant 8 : i32
      "tpu.region"() ({
        %run_scoped3A = tpu.sem_alloc : memref<!tpu.dma_semaphore, #tpu.memory_space<semaphore_mem>>
        %dma_start3A = arith.constant 0 : i32
        %dma_start3A_42 = arith.constant 0 : i32
        %dma_start3A_43 = tpu.memref_slice %arg14[%dma_start3A, %dma_start3A_42] : memref<10160x48xf32, #tpu.memory_space<vmem_shared>> -> memref<10160x48xf32, #tpu.memory_space<vmem_shared>>
        tpu.enqueue_indirect_dma source(%arg13 : memref<128x48xf32, #tpu.memory_space<vmem>>) target(%dma_start3A_43 : memref<10160x48xf32, #tpu.memory_space<vmem_shared>>) offsets(%arg11 : memref<128xi32, #tpu.memory_space<vmem>>) semaphore(%run_scoped3A : memref<!tpu.dma_semaphore, #tpu.memory_space<semaphore_mem>>) {add = true}
        %dma_wait3A = arith.constant 0 : i32
        %dma_wait3A_44 = arith.constant 0 : i32
        %dma_wait3A_45 = tpu.memref_slice %arg14[%dma_wait3A, %dma_wait3A_44] : memref<10160x48xf32, #tpu.memory_space<vmem_shared>> -> memref<10160x48xf32, #tpu.memory_space<vmem_shared>>
        tpu.wait_indirect_dma semaphore(%run_scoped3A : memref<!tpu.dma_semaphore, #tpu.memory_space<semaphore_mem>>) src(%arg13 : memref<128x48xf32, #tpu.memory_space<vmem>>) dst(%dma_wait3A_45 : memref<10160x48xf32, #tpu.memory_space<vmem_shared>>)
        tpu.yield
      }) : () -> ()
    }
    %scan3A_20 = arith.constant 81 : i32
    %barrier3A_21 = arith.constant 0 : index
    tpu.barrier barrier_id(%barrier3A_21)
    %scan3A_22 = arith.constant 0 : i32
    %scan3A_23 = arith.constant 5 : i32
    %scan3A_24 = arith.addi %scan3A_22, %scan3A_23 : i32
    %scan3A_25 = arith.constant 1 : i32
    scf.for %scan3A_27 = %scan3A_22 to %scan3A_24 step %scan3A_25  : i32 {
      %mul3A_28 = arith.constant 1 : i32
      %mul3A_29 = arith.muli %scan3A_27, %mul3A_28 : i32
      %add3A_30 = arith.constant 0 : i32
      %add3A_31 = arith.addi %add3A_30, %mul3A_29 : i32
      %mul3A_32 = arith.constant 5 : i32
      %mul3A_33 = arith.muli %arg1, %mul3A_32 : i32
      %add3A_34 = arith.addi %mul3A_33, %add3A_31 : i32
      %mul3A_35 = arith.constant 127 : i32
      %mul3A_36 = arith.muli %add3A_34, %mul3A_35 : i32
      "tpu.region"() ({
        %run_scoped3A = tpu.sem_alloc : memref<!tpu.dma_semaphore, #tpu.memory_space<semaphore_mem>>
        %dma_start3A = arith.constant 0 : i32
        %dma_start3A_37 = tpu.memref_slice %arg7[%arg0, %mul3A_36, %dma_start3A] : memref<2x10160x48xf32, #tpu.memory_space<hbm>> -> memref<1x127x48xf32, #tpu.memory_space<hbm>>
        %dma_start3A_38 = tpu.memref_squeeze %dma_start3A_37 : memref<1x127x48xf32, #tpu.memory_space<hbm>> -> memref<127x48xf32, #tpu.memory_space<hbm>>
        %dma_start3A_39 = arith.constant 0 : i32
        %dma_start3A_40 = tpu.memref_slice %arg14[%mul3A_36, %dma_start3A_39] : memref<10160x48xf32, #tpu.memory_space<vmem_shared>> -> memref<127x48xf32, #tpu.memory_space<vmem_shared>>
        tpu.enqueue_dma source(%dma_start3A_40 : memref<127x48xf32, #tpu.memory_space<vmem_shared>>) target(%dma_start3A_38 : memref<127x48xf32, #tpu.memory_space<hbm>>) target_semaphore(%run_scoped3A : memref<!tpu.dma_semaphore, #tpu.memory_space<semaphore_mem>>)
        %dma_wait3A = arith.constant 0 : i32
        %dma_wait3A_41 = tpu.memref_slice %arg7[%arg0, %mul3A_36, %dma_wait3A] : memref<2x10160x48xf32, #tpu.memory_space<hbm>> -> memref<1x127x48xf32, #tpu.memory_space<hbm>>
        %dma_wait3A_42 = tpu.memref_squeeze %dma_wait3A_41 : memref<1x127x48xf32, #tpu.memory_space<hbm>> -> memref<127x48xf32, #tpu.memory_space<hbm>>
        %dma_wait3A_43 = arith.constant 0 : i32
        %dma_wait3A_44 = tpu.memref_slice %arg14[%mul3A_36, %dma_wait3A_43] : memref<10160x48xf32, #tpu.memory_space<vmem_shared>> -> memref<127x48xf32, #tpu.memory_space<vmem_shared>>
        tpu.wait_dma2 semaphore(%run_scoped3A : memref<!tpu.dma_semaphore, #tpu.memory_space<semaphore_mem>>) src(%dma_wait3A_44 : memref<127x48xf32, #tpu.memory_space<vmem_shared>>) dst(%dma_wait3A_42 : memref<127x48xf32, #tpu.memory_space<hbm>>)
        tpu.yield
      }) : () -> ()
    }
    %scan3A_26 = arith.constant 5 : i32
    return
  }
}

module attributes {stable_mosaic.version = 14 : i64} {
  func.func @_tc1_body(%arg0: i32, %arg1: memref<1016x128xf32, #tpu.memory_space<vmem>>, %arg2: memref<128x128xf32, #tpu.memory_space<vmem>>, %arg3: memref<128x16xf32, #tpu.memory_space<vmem>>, %arg4: memref<128x16xf32, #tpu.memory_space<vmem>>, %arg5: memref<1016x128xf32, #tpu.memory_space<vmem>>, %arg6: memref<1016x16xf32, #tpu.memory_space<vmem>>, %arg7: memref<1016x16xf32, #tpu.memory_space<vmem>>) attributes {dimension_semantics = [#tpu.dimension_semantics<arbitrary>], iteration_bounds = array<i64: 10>, scalar_prefetch = 0 : i64, scratch_operands = 0 : i64, tpu.core_type = #tpu.core_type<tc>, window_params = [{transform_indices = @transform_0, window_bounds = array<i64: 1016, 128>}, {pipeline_mode = #tpu.pipeline_mode<synchronous>, transform_indices = @transform_1, window_bounds = array<i64: 128, 128>}, {pipeline_mode = #tpu.pipeline_mode<synchronous>, transform_indices = @transform_2, window_bounds = array<i64: 128, 16>}, {pipeline_mode = #tpu.pipeline_mode<synchronous>, transform_indices = @transform_3, window_bounds = array<i64: 128, 16>}, {transform_indices = @transform_4, window_bounds = array<i64: 1016, 128>}, {transform_indices = @transform_5, window_bounds = array<i64: 1016, 16>}, {transform_indices = @transform_6, window_bounds = array<i64: 1016, 16>}]} {
    %get3A = arith.constant 0 : index
    %get3A_0 = arith.constant 0 : index
    %get3A_1 = vector.load %arg1[%get3A, %get3A_0] : memref<1016x128xf32, #tpu.memory_space<vmem>>, vector<1016x128xf32>
    %get3A_2 = arith.constant 0 : index
    %get3A_3 = arith.constant 0 : index
    %get3A_4 = vector.load %arg2[%get3A_2, %get3A_3] : memref<128x128xf32, #tpu.memory_space<vmem>>, vector<128x128xf32>
    %dot_general3A = arith.constant dense<0.000000e+00> : vector<1016x128xf32>
    %dot_general3A_5 = tpu.matmul %get3A_1, %get3A_4, %dot_general3A {dimension_numbers = #tpu.dot_dimension_numbers<[1], [0], [0], [1], [0, 0, 1, 1], [], []>, transpose_lhs_hint = false} : vector<1016x128xf32>, vector<128x128xf32>, vector<1016x128xf32> -> vector<1016x128xf32>
    %swap3A = arith.constant 0 : index
    %swap3A_6 = arith.constant 0 : index
    %swap3A_7 = vector.load %arg5[%swap3A, %swap3A_6] : memref<1016x128xf32, #tpu.memory_space<vmem>>, vector<1016x128xf32>
    tpu.vector_store %arg5[%swap3A, %swap3A_6], %dot_general3A_5 {strides = array<i32>} : memref<1016x128xf32, #tpu.memory_space<vmem>>, vector<1016x128xf32>,
    %get3A_8 = arith.constant 0 : index
    %get3A_9 = arith.constant 0 : index
    %get3A_10 = vector.load %arg3[%get3A_8, %get3A_9] : memref<128x16xf32, #tpu.memory_space<vmem>>, vector<128x16xf32>
    %dot_general3A_11 = arith.constant dense<0.000000e+00> : vector<1016x16xf32>
    %dot_general3A_12 = tpu.matmul %dot_general3A_5, %get3A_10, %dot_general3A_11 {dimension_numbers = #tpu.dot_dimension_numbers<[1], [0], [0], [1], [0, 0, 1, 1], [], []>, transpose_lhs_hint = false} : vector<1016x128xf32>, vector<128x16xf32>, vector<1016x16xf32> -> vector<1016x16xf32>
    %swap3A_13 = arith.constant 0 : index
    %swap3A_14 = arith.constant 0 : index
    %swap3A_15 = vector.load %arg6[%swap3A_13, %swap3A_14] : memref<1016x16xf32, #tpu.memory_space<vmem>>, vector<1016x16xf32>
    tpu.vector_store %arg6[%swap3A_13, %swap3A_14], %dot_general3A_12 {strides = array<i32>} : memref<1016x16xf32, #tpu.memory_space<vmem>>, vector<1016x16xf32>,
    %get3A_16 = arith.constant 0 : index
    %get3A_17 = arith.constant 0 : index
    %get3A_18 = vector.load %arg4[%get3A_16, %get3A_17] : memref<128x16xf32, #tpu.memory_space<vmem>>, vector<128x16xf32>
    %dot_general3A_19 = arith.constant dense<0.000000e+00> : vector<1016x16xf32>
    %dot_general3A_20 = tpu.matmul %dot_general3A_5, %get3A_18, %dot_general3A_19 {dimension_numbers = #tpu.dot_dimension_numbers<[1], [0], [0], [1], [0, 0, 1, 1], [], []>, transpose_lhs_hint = false} : vector<1016x128xf32>, vector<128x16xf32>, vector<1016x16xf32> -> vector<1016x16xf32>
    %swap3A_21 = arith.constant 0 : index
    %swap3A_22 = arith.constant 0 : index
    %swap3A_23 = vector.load %arg7[%swap3A_21, %swap3A_22] : memref<1016x16xf32, #tpu.memory_space<vmem>>, vector<1016x16xf32>
    tpu.vector_store %arg7[%swap3A_21, %swap3A_22], %dot_general3A_20 {strides = array<i32>} : memref<1016x16xf32, #tpu.memory_space<vmem>>, vector<1016x16xf32>,
    return
  }
  func.func @transform_0(%arg0: i32) -> (i32, i32) {
    %c0_i32 = arith.constant 0 : i32
    %c0_i32_0 = arith.constant 0 : i32
    return %arg0, %c0_i32 : i32, i32
  }
  func.func @transform_1(%arg0: i32) -> (i32, i32) {
    %c0_i32 = arith.constant 0 : i32
    %c0_i32_0 = arith.constant 0 : i32
    %c0_i32_1 = arith.constant 0 : i32
    return %c0_i32, %c0_i32_0 : i32, i32
  }
  func.func @transform_2(%arg0: i32) -> (i32, i32) {
    %c0_i32 = arith.constant 0 : i32
    %c0_i32_0 = arith.constant 0 : i32
    %c0_i32_1 = arith.constant 0 : i32
    return %c0_i32, %c0_i32_0 : i32, i32
  }
  func.func @transform_3(%arg0: i32) -> (i32, i32) {
    %c0_i32 = arith.constant 0 : i32
    %c0_i32_0 = arith.constant 0 : i32
    %c0_i32_1 = arith.constant 0 : i32
    return %c0_i32, %c0_i32_0 : i32, i32
  }
  func.func @transform_4(%arg0: i32) -> (i32, i32) {
    %c0_i32 = arith.constant 0 : i32
    %c0_i32_0 = arith.constant 0 : i32
    return %arg0, %c0_i32 : i32, i32
  }
  func.func @transform_5(%arg0: i32) -> (i32, i32) {
    %c0_i32 = arith.constant 0 : i32
    %c0_i32_0 = arith.constant 0 : i32
    return %arg0, %c0_i32 : i32, i32
  }
  func.func @transform_6(%arg0: i32) -> (i32, i32) {
    %c0_i32 = arith.constant 0 : i32
    %c0_i32_0 = arith.constant 0 : i32
    return %arg0, %c0_i32 : i32, i32
  }
}

module attributes {stable_mosaic.version = 14 : i64} {
  func.func @_tc2_body(%arg0: i32, %arg1: memref<1016x144xf32, #tpu.memory_space<vmem>>, %arg2: memref<1016x144xf32, #tpu.memory_space<vmem>>, %arg3: memref<1x128xf32, #tpu.memory_space<vmem>>, %arg4: memref<128x48xf32, #tpu.memory_space<vmem>>, %arg5: memref<48x16xf32, #tpu.memory_space<vmem>>, %arg6: memref<1016x48xf32, #tpu.memory_space<vmem>>, %arg7: memref<1016x16xf32, #tpu.memory_space<vmem>>) attributes {dimension_semantics = [#tpu.dimension_semantics<arbitrary>], iteration_bounds = array<i64: 10>, scalar_prefetch = 0 : i64, scratch_operands = 0 : i64, tpu.core_type = #tpu.core_type<tc>, window_params = [{transform_indices = @transform_0, window_bounds = array<i64: 1016, 144>}, {transform_indices = @transform_1, window_bounds = array<i64: 1016, 144>}, {pipeline_mode = #tpu.pipeline_mode<synchronous>, transform_indices = @transform_2, window_bounds = array<i64: 1, 128>}, {pipeline_mode = #tpu.pipeline_mode<synchronous>, transform_indices = @transform_3, window_bounds = array<i64: 128, 48>}, {pipeline_mode = #tpu.pipeline_mode<synchronous>, transform_indices = @transform_4, window_bounds = array<i64: 48, 16>}, {transform_indices = @transform_5, window_bounds = array<i64: 1016, 48>}, {transform_indices = @transform_6, window_bounds = array<i64: 1016, 16>}]} {
    %get3A = arith.constant 0 : index
    %get3A_0 = arith.constant 0 : index
    %get3A_1 = vector.load %arg1[%get3A, %get3A_0] : memref<1016x144xf32, #tpu.memory_space<vmem>>, vector<1016x144xf32>
    %get3A_2 = arith.constant 0 : index
    %get3A_3 = arith.constant 0 : index
    %get3A_4 = vector.load %arg2[%get3A_2, %get3A_3] : memref<1016x144xf32, #tpu.memory_space<vmem>>, vector<1016x144xf32>
    %add3A = arith.addf %get3A_1, %get3A_4 : vector<1016x144xf32>
    %slice3A = vector.extract_strided_slice %add3A {offsets = [0, 128], sizes = [1016, 8], strides = [1, 1]} : vector<1016x144xf32> to vector<1016x8xf32>
    %broadcast_in_dim3A = arith.constant 0.000000e+00 : f32
    %broadcast_in_dim3A_5 = vector.broadcast %broadcast_in_dim3A : f32 to vector<1016x48xf32>
    %slice3A_6 = vector.extract_strided_slice %add3A {offsets = [0, 0], sizes = [1016, 16], strides = [1, 1]} : vector<1016x144xf32> to vector<1016x16xf32>
    %slice3A_7 = vector.extract_strided_slice %slice3A {offsets = [0, 0], sizes = [1016, 1], strides = [1, 1]} : vector<1016x8xf32> to vector<1016x1xf32>
    %add3A_8 = arith.constant 1.000000e-16 : f32
    %add3A_9 = vector.broadcast %add3A_8 : f32 to vector<1016x1xf32>
    %add3A_10 = arith.addf %slice3A_7, %add3A_9 : vector<1016x1xf32>
    %div3A = vector.broadcast %add3A_10 : vector<1016x1xf32> to vector<1016x16xf32>
    %div3A_11 = arith.divf %slice3A_6, %div3A : vector<1016x16xf32>
    %get3A_12 = arith.constant 0 : index
    %get3A_13 = arith.constant 0 : index
    %get3A_14 = vector.load %arg3[%get3A_12, %get3A_13] : memref<1x128xf32, #tpu.memory_space<vmem>>, vector<1x16xf32>
    %add3A_15 = vector.broadcast %get3A_14 : vector<1x16xf32> to vector<1016x16xf32>
    %add3A_16 = arith.addf %div3A_11, %add3A_15 : vector<1016x16xf32>
    %gt3A = arith.constant 0.000000e+00 : f32
    %gt3A_17 = vector.broadcast %gt3A : f32 to vector<1016x16xf32>
    %gt3A_18 = arith.cmpf ogt, %add3A_16, %gt3A_17 : vector<1016x16xf32>
    %min3A = arith.constant 0.000000e+00 : f32
    %min3A_19 = vector.broadcast %min3A : f32 to vector<1016x16xf32>
    %min3A_20 = arith.minimumf %add3A_16, %min3A_19 : vector<1016x16xf32>
    %exp3A = math.exp %min3A_20 : vector<1016x16xf32>
    %sub3A = arith.constant 1.000000e+00 : f32
    %sub3A_21 = vector.broadcast %sub3A : f32 to vector<1016x16xf32>
    %sub3A_22 = arith.subf %exp3A, %sub3A_21 : vector<1016x16xf32>
    %select_n3A = arith.select %gt3A_18, %add3A_16, %sub3A_22 : vector<1016x16xi1>, vector<1016x16xf32>
    %get3A_23 = arith.constant 0 : index
    %get3A_24 = arith.constant 0 : index
    %get3A_25 = vector.load %arg4[%get3A_23, %get3A_24] : memref<128x48xf32, #tpu.memory_space<vmem>>, vector<16x48xf32>
    %dot_general3A = arith.constant dense<0.000000e+00> : vector<1016x48xf32>
    %dot_general3A_26 = tpu.matmul %select_n3A, %get3A_25, %dot_general3A {dimension_numbers = #tpu.dot_dimension_numbers<[1], [0], [0], [1], [0, 0, 1, 1], [], []>, transpose_lhs_hint = false} : vector<1016x16xf32>, vector<16x48xf32>, vector<1016x48xf32> -> vector<1016x48xf32>
    %add3A_27 = arith.addf %broadcast_in_dim3A_5, %dot_general3A_26 : vector<1016x48xf32>
    %slice3A_28 = vector.extract_strided_slice %add3A {offsets = [0, 16], sizes = [1016, 16], strides = [1, 1]} : vector<1016x144xf32> to vector<1016x16xf32>
    %slice3A_29 = vector.extract_strided_slice %slice3A {offsets = [0, 1], sizes = [1016, 1], strides = [1, 1]} : vector<1016x8xf32> to vector<1016x1xf32>
    %add3A_30 = arith.constant 1.000000e-16 : f32
    %add3A_31 = vector.broadcast %add3A_30 : f32 to vector<1016x1xf32>
    %add3A_32 = arith.addf %slice3A_29, %add3A_31 : vector<1016x1xf32>
    %div3A_33 = vector.broadcast %add3A_32 : vector<1016x1xf32> to vector<1016x16xf32>
    %div3A_34 = arith.divf %slice3A_28, %div3A_33 : vector<1016x16xf32>
    %get3A_35 = arith.constant 0 : index
    %get3A_36 = arith.constant 16 : index
    %get3A_37 = vector.load %arg3[%get3A_35, %get3A_36] : memref<1x128xf32, #tpu.memory_space<vmem>>, vector<1x16xf32>
    %add3A_38 = vector.broadcast %get3A_37 : vector<1x16xf32> to vector<1016x16xf32>
    %add3A_39 = arith.addf %div3A_34, %add3A_38 : vector<1016x16xf32>
    %gt3A_40 = arith.constant 0.000000e+00 : f32
    %gt3A_41 = vector.broadcast %gt3A_40 : f32 to vector<1016x16xf32>
    %gt3A_42 = arith.cmpf ogt, %add3A_39, %gt3A_41 : vector<1016x16xf32>
    %min3A_43 = arith.constant 0.000000e+00 : f32
    %min3A_44 = vector.broadcast %min3A_43 : f32 to vector<1016x16xf32>
    %min3A_45 = arith.minimumf %add3A_39, %min3A_44 : vector<1016x16xf32>
    %exp3A_46 = math.exp %min3A_45 : vector<1016x16xf32>
    %sub3A_47 = arith.constant 1.000000e+00 : f32
    %sub3A_48 = vector.broadcast %sub3A_47 : f32 to vector<1016x16xf32>
    %sub3A_49 = arith.subf %exp3A_46, %sub3A_48 : vector<1016x16xf32>
    %select_n3A_50 = arith.select %gt3A_42, %add3A_39, %sub3A_49 : vector<1016x16xi1>, vector<1016x16xf32>
    %get3A_51 = arith.constant 16 : index
    %get3A_52 = arith.constant 0 : index
    %get3A_53 = vector.load %arg4[%get3A_51, %get3A_52] : memref<128x48xf32, #tpu.memory_space<vmem>>, vector<16x48xf32>
    %dot_general3A_54 = arith.constant dense<0.000000e+00> : vector<1016x48xf32>
    %dot_general3A_55 = tpu.matmul %select_n3A_50, %get3A_53, %dot_general3A_54 {dimension_numbers = #tpu.dot_dimension_numbers<[1], [0], [0], [1], [0, 0, 1, 1], [], []>, transpose_lhs_hint = false} : vector<1016x16xf32>, vector<16x48xf32>, vector<1016x48xf32> -> vector<1016x48xf32>
    %add3A_56 = arith.addf %add3A_27, %dot_general3A_55 : vector<1016x48xf32>
    %slice3A_57 = vector.extract_strided_slice %add3A {offsets = [0, 32], sizes = [1016, 16], strides = [1, 1]} : vector<1016x144xf32> to vector<1016x16xf32>
    %slice3A_58 = vector.extract_strided_slice %slice3A {offsets = [0, 2], sizes = [1016, 1], strides = [1, 1]} : vector<1016x8xf32> to vector<1016x1xf32>
    %add3A_59 = arith.constant 1.000000e-16 : f32
    %add3A_60 = vector.broadcast %add3A_59 : f32 to vector<1016x1xf32>
    %add3A_61 = arith.addf %slice3A_58, %add3A_60 : vector<1016x1xf32>
    %div3A_62 = vector.broadcast %add3A_61 : vector<1016x1xf32> to vector<1016x16xf32>
    %div3A_63 = arith.divf %slice3A_57, %div3A_62 : vector<1016x16xf32>
    %get3A_64 = arith.constant 0 : index
    %get3A_65 = arith.constant 32 : index
    %get3A_66 = vector.load %arg3[%get3A_64, %get3A_65] : memref<1x128xf32, #tpu.memory_space<vmem>>, vector<1x16xf32>
    %add3A_67 = vector.broadcast %get3A_66 : vector<1x16xf32> to vector<1016x16xf32>
    %add3A_68 = arith.addf %div3A_63, %add3A_67 : vector<1016x16xf32>
    %gt3A_69 = arith.constant 0.000000e+00 : f32
    %gt3A_70 = vector.broadcast %gt3A_69 : f32 to vector<1016x16xf32>
    %gt3A_71 = arith.cmpf ogt, %add3A_68, %gt3A_70 : vector<1016x16xf32>
    %min3A_72 = arith.constant 0.000000e+00 : f32
    %min3A_73 = vector.broadcast %min3A_72 : f32 to vector<1016x16xf32>
    %min3A_74 = arith.minimumf %add3A_68, %min3A_73 : vector<1016x16xf32>
    %exp3A_75 = math.exp %min3A_74 : vector<1016x16xf32>
    %sub3A_76 = arith.constant 1.000000e+00 : f32
    %sub3A_77 = vector.broadcast %sub3A_76 : f32 to vector<1016x16xf32>
    %sub3A_78 = arith.subf %exp3A_75, %sub3A_77 : vector<1016x16xf32>
    %select_n3A_79 = arith.select %gt3A_71, %add3A_68, %sub3A_78 : vector<1016x16xi1>, vector<1016x16xf32>
    %get3A_80 = arith.constant 32 : index
    %get3A_81 = arith.constant 0 : index
    %get3A_82 = vector.load %arg4[%get3A_80, %get3A_81] : memref<128x48xf32, #tpu.memory_space<vmem>>, vector<16x48xf32>
    %dot_general3A_83 = arith.constant dense<0.000000e+00> : vector<1016x48xf32>
    %dot_general3A_84 = tpu.matmul %select_n3A_79, %get3A_82, %dot_general3A_83 {dimension_numbers = #tpu.dot_dimension_numbers<[1], [0], [0], [1], [0, 0, 1, 1], [], []>, transpose_lhs_hint = false} : vector<1016x16xf32>, vector<16x48xf32>, vector<1016x48xf32> -> vector<1016x48xf32>
    %add3A_85 = arith.addf %add3A_56, %dot_general3A_84 : vector<1016x48xf32>
    %slice3A_86 = vector.extract_strided_slice %add3A {offsets = [0, 48], sizes = [1016, 16], strides = [1, 1]} : vector<1016x144xf32> to vector<1016x16xf32>
    %slice3A_87 = vector.extract_strided_slice %slice3A {offsets = [0, 3], sizes = [1016, 1], strides = [1, 1]} : vector<1016x8xf32> to vector<1016x1xf32>
    %add3A_88 = arith.constant 1.000000e-16 : f32
    %add3A_89 = vector.broadcast %add3A_88 : f32 to vector<1016x1xf32>
    %add3A_90 = arith.addf %slice3A_87, %add3A_89 : vector<1016x1xf32>
    %div3A_91 = vector.broadcast %add3A_90 : vector<1016x1xf32> to vector<1016x16xf32>
    %div3A_92 = arith.divf %slice3A_86, %div3A_91 : vector<1016x16xf32>
    %get3A_93 = arith.constant 0 : index
    %get3A_94 = arith.constant 48 : index
    %get3A_95 = vector.load %arg3[%get3A_93, %get3A_94] : memref<1x128xf32, #tpu.memory_space<vmem>>, vector<1x16xf32>
    %add3A_96 = vector.broadcast %get3A_95 : vector<1x16xf32> to vector<1016x16xf32>
    %add3A_97 = arith.addf %div3A_92, %add3A_96 : vector<1016x16xf32>
    %gt3A_98 = arith.constant 0.000000e+00 : f32
    %gt3A_99 = vector.broadcast %gt3A_98 : f32 to vector<1016x16xf32>
    %gt3A_100 = arith.cmpf ogt, %add3A_97, %gt3A_99 : vector<1016x16xf32>
    %min3A_101 = arith.constant 0.000000e+00 : f32
    %min3A_102 = vector.broadcast %min3A_101 : f32 to vector<1016x16xf32>
    %min3A_103 = arith.minimumf %add3A_97, %min3A_102 : vector<1016x16xf32>
    %exp3A_104 = math.exp %min3A_103 : vector<1016x16xf32>
    %sub3A_105 = arith.constant 1.000000e+00 : f32
    %sub3A_106 = vector.broadcast %sub3A_105 : f32 to vector<1016x16xf32>
    %sub3A_107 = arith.subf %exp3A_104, %sub3A_106 : vector<1016x16xf32>
    %select_n3A_108 = arith.select %gt3A_100, %add3A_97, %sub3A_107 : vector<1016x16xi1>, vector<1016x16xf32>
    %get3A_109 = arith.constant 48 : index
    %get3A_110 = arith.constant 0 : index
    %get3A_111 = vector.load %arg4[%get3A_109, %get3A_110] : memref<128x48xf32, #tpu.memory_space<vmem>>, vector<16x48xf32>
    %dot_general3A_112 = arith.constant dense<0.000000e+00> : vector<1016x48xf32>
    %dot_general3A_113 = tpu.matmul %select_n3A_108, %get3A_111, %dot_general3A_112 {dimension_numbers = #tpu.dot_dimension_numbers<[1], [0], [0], [1], [0, 0, 1, 1], [], []>, transpose_lhs_hint = false} : vector<1016x16xf32>, vector<16x48xf32>, vector<1016x48xf32> -> vector<1016x48xf32>
    %add3A_114 = arith.addf %add3A_85, %dot_general3A_113 : vector<1016x48xf32>
    %slice3A_115 = vector.extract_strided_slice %add3A {offsets = [0, 64], sizes = [1016, 16], strides = [1, 1]} : vector<1016x144xf32> to vector<1016x16xf32>
    %slice3A_116 = vector.extract_strided_slice %slice3A {offsets = [0, 4], sizes = [1016, 1], strides = [1, 1]} : vector<1016x8xf32> to vector<1016x1xf32>
    %add3A_117 = arith.constant 1.000000e-16 : f32
    %add3A_118 = vector.broadcast %add3A_117 : f32 to vector<1016x1xf32>
    %add3A_119 = arith.addf %slice3A_116, %add3A_118 : vector<1016x1xf32>
    %div3A_120 = vector.broadcast %add3A_119 : vector<1016x1xf32> to vector<1016x16xf32>
    %div3A_121 = arith.divf %slice3A_115, %div3A_120 : vector<1016x16xf32>
    %get3A_122 = arith.constant 0 : index
    %get3A_123 = arith.constant 64 : index
    %get3A_124 = vector.load %arg3[%get3A_122, %get3A_123] : memref<1x128xf32, #tpu.memory_space<vmem>>, vector<1x16xf32>
    %add3A_125 = vector.broadcast %get3A_124 : vector<1x16xf32> to vector<1016x16xf32>
    %add3A_126 = arith.addf %div3A_121, %add3A_125 : vector<1016x16xf32>
    %gt3A_127 = arith.constant 0.000000e+00 : f32
    %gt3A_128 = vector.broadcast %gt3A_127 : f32 to vector<1016x16xf32>
    %gt3A_129 = arith.cmpf ogt, %add3A_126, %gt3A_128 : vector<1016x16xf32>
    %min3A_130 = arith.constant 0.000000e+00 : f32
    %min3A_131 = vector.broadcast %min3A_130 : f32 to vector<1016x16xf32>
    %min3A_132 = arith.minimumf %add3A_126, %min3A_131 : vector<1016x16xf32>
    %exp3A_133 = math.exp %min3A_132 : vector<1016x16xf32>
    %sub3A_134 = arith.constant 1.000000e+00 : f32
    %sub3A_135 = vector.broadcast %sub3A_134 : f32 to vector<1016x16xf32>
    %sub3A_136 = arith.subf %exp3A_133, %sub3A_135 : vector<1016x16xf32>
    %select_n3A_137 = arith.select %gt3A_129, %add3A_126, %sub3A_136 : vector<1016x16xi1>, vector<1016x16xf32>
    %get3A_138 = arith.constant 64 : index
    %get3A_139 = arith.constant 0 : index
    %get3A_140 = vector.load %arg4[%get3A_138, %get3A_139] : memref<128x48xf32, #tpu.memory_space<vmem>>, vector<16x48xf32>
    %dot_general3A_141 = arith.constant dense<0.000000e+00> : vector<1016x48xf32>
    %dot_general3A_142 = tpu.matmul %select_n3A_137, %get3A_140, %dot_general3A_141 {dimension_numbers = #tpu.dot_dimension_numbers<[1], [0], [0], [1], [0, 0, 1, 1], [], []>, transpose_lhs_hint = false} : vector<1016x16xf32>, vector<16x48xf32>, vector<1016x48xf32> -> vector<1016x48xf32>
    %add3A_143 = arith.addf %add3A_114, %dot_general3A_142 : vector<1016x48xf32>
    %slice3A_144 = vector.extract_strided_slice %add3A {offsets = [0, 80], sizes = [1016, 16], strides = [1, 1]} : vector<1016x144xf32> to vector<1016x16xf32>
    %slice3A_145 = vector.extract_strided_slice %slice3A {offsets = [0, 5], sizes = [1016, 1], strides = [1, 1]} : vector<1016x8xf32> to vector<1016x1xf32>
    %add3A_146 = arith.constant 1.000000e-16 : f32
    %add3A_147 = vector.broadcast %add3A_146 : f32 to vector<1016x1xf32>
    %add3A_148 = arith.addf %slice3A_145, %add3A_147 : vector<1016x1xf32>
    %div3A_149 = vector.broadcast %add3A_148 : vector<1016x1xf32> to vector<1016x16xf32>
    %div3A_150 = arith.divf %slice3A_144, %div3A_149 : vector<1016x16xf32>
    %get3A_151 = arith.constant 0 : index
    %get3A_152 = arith.constant 80 : index
    %get3A_153 = vector.load %arg3[%get3A_151, %get3A_152] : memref<1x128xf32, #tpu.memory_space<vmem>>, vector<1x16xf32>
    %add3A_154 = vector.broadcast %get3A_153 : vector<1x16xf32> to vector<1016x16xf32>
    %add3A_155 = arith.addf %div3A_150, %add3A_154 : vector<1016x16xf32>
    %gt3A_156 = arith.constant 0.000000e+00 : f32
    %gt3A_157 = vector.broadcast %gt3A_156 : f32 to vector<1016x16xf32>
    %gt3A_158 = arith.cmpf ogt, %add3A_155, %gt3A_157 : vector<1016x16xf32>
    %min3A_159 = arith.constant 0.000000e+00 : f32
    %min3A_160 = vector.broadcast %min3A_159 : f32 to vector<1016x16xf32>
    %min3A_161 = arith.minimumf %add3A_155, %min3A_160 : vector<1016x16xf32>
    %exp3A_162 = math.exp %min3A_161 : vector<1016x16xf32>
    %sub3A_163 = arith.constant 1.000000e+00 : f32
    %sub3A_164 = vector.broadcast %sub3A_163 : f32 to vector<1016x16xf32>
    %sub3A_165 = arith.subf %exp3A_162, %sub3A_164 : vector<1016x16xf32>
    %select_n3A_166 = arith.select %gt3A_158, %add3A_155, %sub3A_165 : vector<1016x16xi1>, vector<1016x16xf32>
    %get3A_167 = arith.constant 80 : index
    %get3A_168 = arith.constant 0 : index
    %get3A_169 = vector.load %arg4[%get3A_167, %get3A_168] : memref<128x48xf32, #tpu.memory_space<vmem>>, vector<16x48xf32>
    %dot_general3A_170 = arith.constant dense<0.000000e+00> : vector<1016x48xf32>
    %dot_general3A_171 = tpu.matmul %select_n3A_166, %get3A_169, %dot_general3A_170 {dimension_numbers = #tpu.dot_dimension_numbers<[1], [0], [0], [1], [0, 0, 1, 1], [], []>, transpose_lhs_hint = false} : vector<1016x16xf32>, vector<16x48xf32>, vector<1016x48xf32> -> vector<1016x48xf32>
    %add3A_172 = arith.addf %add3A_143, %dot_general3A_171 : vector<1016x48xf32>
    %slice3A_173 = vector.extract_strided_slice %add3A {offsets = [0, 96], sizes = [1016, 16], strides = [1, 1]} : vector<1016x144xf32> to vector<1016x16xf32>
    %slice3A_174 = vector.extract_strided_slice %slice3A {offsets = [0, 6], sizes = [1016, 1], strides = [1, 1]} : vector<1016x8xf32> to vector<1016x1xf32>
    %add3A_175 = arith.constant 1.000000e-16 : f32
    %add3A_176 = vector.broadcast %add3A_175 : f32 to vector<1016x1xf32>
    %add3A_177 = arith.addf %slice3A_174, %add3A_176 : vector<1016x1xf32>
    %div3A_178 = vector.broadcast %add3A_177 : vector<1016x1xf32> to vector<1016x16xf32>
    %div3A_179 = arith.divf %slice3A_173, %div3A_178 : vector<1016x16xf32>
    %get3A_180 = arith.constant 0 : index
    %get3A_181 = arith.constant 96 : index
    %get3A_182 = vector.load %arg3[%get3A_180, %get3A_181] : memref<1x128xf32, #tpu.memory_space<vmem>>, vector<1x16xf32>
    %add3A_183 = vector.broadcast %get3A_182 : vector<1x16xf32> to vector<1016x16xf32>
    %add3A_184 = arith.addf %div3A_179, %add3A_183 : vector<1016x16xf32>
    %gt3A_185 = arith.constant 0.000000e+00 : f32
    %gt3A_186 = vector.broadcast %gt3A_185 : f32 to vector<1016x16xf32>
    %gt3A_187 = arith.cmpf ogt, %add3A_184, %gt3A_186 : vector<1016x16xf32>
    %min3A_188 = arith.constant 0.000000e+00 : f32
    %min3A_189 = vector.broadcast %min3A_188 : f32 to vector<1016x16xf32>
    %min3A_190 = arith.minimumf %add3A_184, %min3A_189 : vector<1016x16xf32>
    %exp3A_191 = math.exp %min3A_190 : vector<1016x16xf32>
    %sub3A_192 = arith.constant 1.000000e+00 : f32
    %sub3A_193 = vector.broadcast %sub3A_192 : f32 to vector<1016x16xf32>
    %sub3A_194 = arith.subf %exp3A_191, %sub3A_193 : vector<1016x16xf32>
    %select_n3A_195 = arith.select %gt3A_187, %add3A_184, %sub3A_194 : vector<1016x16xi1>, vector<1016x16xf32>
    %get3A_196 = arith.constant 96 : index
    %get3A_197 = arith.constant 0 : index
    %get3A_198 = vector.load %arg4[%get3A_196, %get3A_197] : memref<128x48xf32, #tpu.memory_space<vmem>>, vector<16x48xf32>
    %dot_general3A_199 = arith.constant dense<0.000000e+00> : vector<1016x48xf32>
    %dot_general3A_200 = tpu.matmul %select_n3A_195, %get3A_198, %dot_general3A_199 {dimension_numbers = #tpu.dot_dimension_numbers<[1], [0], [0], [1], [0, 0, 1, 1], [], []>, transpose_lhs_hint = false} : vector<1016x16xf32>, vector<16x48xf32>, vector<1016x48xf32> -> vector<1016x48xf32>
    %add3A_201 = arith.addf %add3A_172, %dot_general3A_200 : vector<1016x48xf32>
    %slice3A_202 = vector.extract_strided_slice %add3A {offsets = [0, 112], sizes = [1016, 16], strides = [1, 1]} : vector<1016x144xf32> to vector<1016x16xf32>
    %slice3A_203 = vector.extract_strided_slice %slice3A {offsets = [0, 7], sizes = [1016, 1], strides = [1, 1]} : vector<1016x8xf32> to vector<1016x1xf32>
    %add3A_204 = arith.constant 1.000000e-16 : f32
    %add3A_205 = vector.broadcast %add3A_204 : f32 to vector<1016x1xf32>
    %add3A_206 = arith.addf %slice3A_203, %add3A_205 : vector<1016x1xf32>
    %div3A_207 = vector.broadcast %add3A_206 : vector<1016x1xf32> to vector<1016x16xf32>
    %div3A_208 = arith.divf %slice3A_202, %div3A_207 : vector<1016x16xf32>
    %get3A_209 = arith.constant 0 : index
    %get3A_210 = arith.constant 112 : index
    %get3A_211 = vector.load %arg3[%get3A_209, %get3A_210] : memref<1x128xf32, #tpu.memory_space<vmem>>, vector<1x16xf32>
    %add3A_212 = vector.broadcast %get3A_211 : vector<1x16xf32> to vector<1016x16xf32>
    %add3A_213 = arith.addf %div3A_208, %add3A_212 : vector<1016x16xf32>
    %gt3A_214 = arith.constant 0.000000e+00 : f32
    %gt3A_215 = vector.broadcast %gt3A_214 : f32 to vector<1016x16xf32>
    %gt3A_216 = arith.cmpf ogt, %add3A_213, %gt3A_215 : vector<1016x16xf32>
    %min3A_217 = arith.constant 0.000000e+00 : f32
    %min3A_218 = vector.broadcast %min3A_217 : f32 to vector<1016x16xf32>
    %min3A_219 = arith.minimumf %add3A_213, %min3A_218 : vector<1016x16xf32>
    %exp3A_220 = math.exp %min3A_219 : vector<1016x16xf32>
    %sub3A_221 = arith.constant 1.000000e+00 : f32
    %sub3A_222 = vector.broadcast %sub3A_221 : f32 to vector<1016x16xf32>
    %sub3A_223 = arith.subf %exp3A_220, %sub3A_222 : vector<1016x16xf32>
    %select_n3A_224 = arith.select %gt3A_216, %add3A_213, %sub3A_223 : vector<1016x16xi1>, vector<1016x16xf32>
    %get3A_225 = arith.constant 112 : index
    %get3A_226 = arith.constant 0 : index
    %get3A_227 = vector.load %arg4[%get3A_225, %get3A_226] : memref<128x48xf32, #tpu.memory_space<vmem>>, vector<16x48xf32>
    %dot_general3A_228 = arith.constant dense<0.000000e+00> : vector<1016x48xf32>
    %dot_general3A_229 = tpu.matmul %select_n3A_224, %get3A_227, %dot_general3A_228 {dimension_numbers = #tpu.dot_dimension_numbers<[1], [0], [0], [1], [0, 0, 1, 1], [], []>, transpose_lhs_hint = false} : vector<1016x16xf32>, vector<16x48xf32>, vector<1016x48xf32> -> vector<1016x48xf32>
    %add3A_230 = arith.addf %add3A_201, %dot_general3A_229 : vector<1016x48xf32>
    %swap3A = arith.constant 0 : index
    %swap3A_231 = arith.constant 0 : index
    %swap3A_232 = vector.load %arg6[%swap3A, %swap3A_231] : memref<1016x48xf32, #tpu.memory_space<vmem>>, vector<1016x48xf32>
    tpu.vector_store %arg6[%swap3A, %swap3A_231], %add3A_230 {strides = array<i32>} : memref<1016x48xf32, #tpu.memory_space<vmem>>, vector<1016x48xf32>,
    %get3A_233 = arith.constant 0 : index
    %get3A_234 = arith.constant 0 : index
    %get3A_235 = vector.load %arg5[%get3A_233, %get3A_234] : memref<48x16xf32, #tpu.memory_space<vmem>>, vector<48x16xf32>
    %dot_general3A_236 = arith.constant dense<0.000000e+00> : vector<1016x16xf32>
    %dot_general3A_237 = tpu.matmul %add3A_230, %get3A_235, %dot_general3A_236 {dimension_numbers = #tpu.dot_dimension_numbers<[1], [0], [0], [1], [0, 0, 1, 1], [], []>, transpose_lhs_hint = false} : vector<1016x48xf32>, vector<48x16xf32>, vector<1016x16xf32> -> vector<1016x16xf32>
    %swap3A_238 = arith.constant 0 : index
    %swap3A_239 = arith.constant 0 : index
    %swap3A_240 = vector.load %arg7[%swap3A_238, %swap3A_239] : memref<1016x16xf32, #tpu.memory_space<vmem>>, vector<1016x16xf32>
    tpu.vector_store %arg7[%swap3A_238, %swap3A_239], %dot_general3A_237 {strides = array<i32>} : memref<1016x16xf32, #tpu.memory_space<vmem>>, vector<1016x16xf32>,
    return
  }
  func.func @transform_0(%arg0: i32) -> (i32, i32) {
    %c0_i32 = arith.constant 0 : i32
    %c0_i32_0 = arith.constant 0 : i32
    return %arg0, %c0_i32 : i32, i32
  }
  func.func @transform_1(%arg0: i32) -> (i32, i32) {
    %c0_i32 = arith.constant 0 : i32
    %c0_i32_0 = arith.constant 0 : i32
    return %arg0, %c0_i32 : i32, i32
  }
  func.func @transform_2(%arg0: i32) -> (i32, i32) {
    %c0_i32 = arith.constant 0 : i32
    %c0_i32_0 = arith.constant 0 : i32
    %c0_i32_1 = arith.constant 0 : i32
    return %c0_i32, %c0_i32_0 : i32, i32
  }
  func.func @transform_3(%arg0: i32) -> (i32, i32) {
    %c0_i32 = arith.constant 0 : i32
    %c0_i32_0 = arith.constant 0 : i32
    %c0_i32_1 = arith.constant 0 : i32
    return %c0_i32, %c0_i32_0 : i32, i32
  }
  func.func @transform_4(%arg0: i32) -> (i32, i32) {
    %c0_i32 = arith.constant 0 : i32
    %c0_i32_0 = arith.constant 0 : i32
    %c0_i32_1 = arith.constant 0 : i32
    return %c0_i32, %c0_i32_0 : i32, i32
  }
  func.func @transform_5(%arg0: i32) -> (i32, i32) {
    %c0_i32 = arith.constant 0 : i32
    %c0_i32_0 = arith.constant 0 : i32
    return %arg0, %c0_i32 : i32, i32
  }
  func.func @transform_6(%arg0: i32) -> (i32, i32) {
    %c0_i32 = arith.constant 0 : i32
    %c0_i32_0 = arith.constant 0 : i32
    return %arg0, %c0_i32 : i32, i32
  }
}

module attributes {stable_mosaic.version = 14 : i64} {
  func.func @_tc3_body(%arg0: i32, %arg1: memref<1016x48xf32, #tpu.memory_space<vmem>>, %arg2: memref<1016x48xf32, #tpu.memory_space<vmem>>, %arg3: memref<1x48xf32, #tpu.memory_space<vmem>>, %arg4: memref<1016x48xf32, #tpu.memory_space<vmem>>) attributes {dimension_semantics = [#tpu.dimension_semantics<arbitrary>], iteration_bounds = array<i64: 10>, scalar_prefetch = 0 : i64, scratch_operands = 0 : i64, tpu.core_type = #tpu.core_type<tc>, window_params = [{transform_indices = @transform_0, window_bounds = array<i64: 1016, 48>}, {transform_indices = @transform_1, window_bounds = array<i64: 1016, 48>}, {pipeline_mode = #tpu.pipeline_mode<synchronous>, transform_indices = @transform_2, window_bounds = array<i64: 1, 48>}, {transform_indices = @transform_3, window_bounds = array<i64: 1016, 48>}]} {
    %get3A = arith.constant 0 : index
    %get3A_0 = arith.constant 0 : index
    %get3A_1 = vector.load %arg1[%get3A, %get3A_0] : memref<1016x48xf32, #tpu.memory_space<vmem>>, vector<1016x48xf32>
    %get3A_2 = arith.constant 0 : index
    %get3A_3 = arith.constant 0 : index
    %get3A_4 = vector.load %arg2[%get3A_2, %get3A_3] : memref<1016x48xf32, #tpu.memory_space<vmem>>, vector<1016x48xf32>
    %add3A = arith.addf %get3A_1, %get3A_4 : vector<1016x48xf32>
    %slice3A = vector.extract_strided_slice %add3A {offsets = [0, 40], sizes = [1016, 1], strides = [1, 1]} : vector<1016x48xf32> to vector<1016x1xf32>
    %add3A_5 = arith.constant 1.000000e-16 : f32
    %add3A_6 = vector.broadcast %add3A_5 : f32 to vector<1016x1xf32>
    %add3A_7 = arith.addf %slice3A, %add3A_6 : vector<1016x1xf32>
    %div3A = vector.broadcast %add3A_7 : vector<1016x1xf32> to vector<1016x48xf32>
    %div3A_8 = arith.divf %add3A, %div3A : vector<1016x48xf32>
    %get3A_9 = arith.constant 0 : index
    %get3A_10 = arith.constant 0 : index
    %get3A_11 = vector.load %arg3[%get3A_9, %get3A_10] : memref<1x48xf32, #tpu.memory_space<vmem>>, vector<1x48xf32>
    %add3A_12 = vector.broadcast %get3A_11 : vector<1x48xf32> to vector<1016x48xf32>
    %add3A_13 = arith.addf %div3A_8, %add3A_12 : vector<1016x48xf32>
    %iota3A = tpu.iota {dimensions = array<i32: 1>} : vector<1016x48xi32>
    %lt3A = arith.constant 40 : i32
    %lt3A_14 = vector.broadcast %lt3A : i32 to vector<1016x48xi32>
    %lt3A_15 = arith.cmpi slt, %iota3A, %lt3A_14 : vector<1016x48xi32>
    %jit3A = arith.constant -1.000000e+30 : f32
    %broadcast_in_dim3A = vector.broadcast %jit3A : f32 to vector<1016x48xf32>
    %select_n3A = arith.select %lt3A_15, %add3A_13, %broadcast_in_dim3A : vector<1016x48xi1>, vector<1016x48xf32>
    %reduce_max3A = arith.constant dense<0xFF800000> : vector<1016xf32>
    %reduce_max3A_16 = vector.multi_reduction <maximumf>, %select_n3A, %reduce_max3A [1] : vector<1016x48xf32> to vector<1016xf32>
    %broadcast_in_dim3A_17 = vector.shape_cast %reduce_max3A_16 : vector<1016xf32> to vector<1016x1xf32>
    %sub3A = vector.broadcast %broadcast_in_dim3A_17 : vector<1016x1xf32> to vector<1016x48xf32>
    %sub3A_18 = arith.subf %select_n3A, %sub3A : vector<1016x48xf32>
    %exp3A = math.exp %sub3A_18 : vector<1016x48xf32>
    %jit3A_19 = arith.constant 0.000000e+00 : f32
    %broadcast_in_dim3A_20 = vector.broadcast %jit3A_19 : f32 to vector<1016x48xf32>
    %select_n3A_21 = arith.select %lt3A_15, %exp3A, %broadcast_in_dim3A_20 : vector<1016x48xi1>, vector<1016x48xf32>
    %reduce_sum3A = arith.constant dense<0.000000e+00> : vector<1016xf32>
    %reduce_sum3A_22 = vector.multi_reduction <add>, %select_n3A_21, %reduce_sum3A [1] : vector<1016x48xf32> to vector<1016xf32>
    %broadcast_in_dim3A_23 = vector.shape_cast %reduce_sum3A_22 : vector<1016xf32> to vector<1016x1xf32>
    %sub3A_24 = vector.broadcast %broadcast_in_dim3A_17 : vector<1016x1xf32> to vector<1016x48xf32>
    %sub3A_25 = arith.subf %select_n3A, %sub3A_24 : vector<1016x48xf32>
    %log3A = math.log %broadcast_in_dim3A_23 : vector<1016x1xf32>
    %sub3A_26 = vector.broadcast %log3A : vector<1016x1xf32> to vector<1016x48xf32>
    %sub3A_27 = arith.subf %sub3A_25, %sub3A_26 : vector<1016x48xf32>
    %swap3A = arith.constant 0 : index
    %swap3A_28 = arith.constant 0 : index
    %swap3A_29 = vector.load %arg4[%swap3A, %swap3A_28] : memref<1016x48xf32, #tpu.memory_space<vmem>>, vector<1016x48xf32>
    tpu.vector_store %arg4[%swap3A, %swap3A_28], %sub3A_27 {strides = array<i32>} : memref<1016x48xf32, #tpu.memory_space<vmem>>, vector<1016x48xf32>,
    return
  }
  func.func @transform_0(%arg0: i32) -> (i32, i32) {
    %c0_i32 = arith.constant 0 : i32
    %c0_i32_0 = arith.constant 0 : i32
    return %arg0, %c0_i32 : i32, i32
  }
  func.func @transform_1(%arg0: i32) -> (i32, i32) {
    %c0_i32 = arith.constant 0 : i32
    %c0_i32_0 = arith.constant 0 : i32
    return %arg0, %c0_i32 : i32, i32
  }
  func.func @transform_2(%arg0: i32) -> (i32, i32) {
    %c0_i32 = arith.constant 0 : i32
    %c0_i32_0 = arith.constant 0 : i32
    %c0_i32_1 = arith.constant 0 : i32
    return %c0_i32, %c0_i32_0 : i32, i32
  }
  func.func @transform_3(%arg0: i32) -> (i32, i32) {
    %c0_i32 = arith.constant 0 : i32
    %c0_i32_0 = arith.constant 0 : i32
    return %arg0, %c0_i32 : i32, i32
  }
}

</mosaic_0001>

<sc_bundles>
// kernel: kernel.10.cloned.1.call-start
scs
__scs_entry_jumppad:
0x0: {  	(pc) =	sbr.rel $0x88, $3  }
0x1: {  	(tag) =	ssettag $0x0;
	lr =	simm.s32 $0x1  }
0x2: {  	[smem:$0x3F97] =	sst lr;
	_ =	strace $0xD0000000  }
0x3: {  	_ = 	snop  }
0x4: {  	_ = 	snop  }
0x5: {  	_ = 	snop  }
0x6: {  	_ = 	snop  }
0x7: {  	_ = 	snop  }
__scs_overlays_trampoline_lowered:
0x8: {  	[smem:$0x3FA6] =	sst s0  }
0x9: {  	[smem:$0x3FA7] =	sst s1  }
0xa: {  	[smem:$0x3FA8] =	sst s2  }
0xb: {  	[smem:$0x3FA9] =	sst s3  }
0xc: {  	[smem:$0x3FAA] =	sst s4  }
0xd: {  	[smem:$0x3FAB] =	sst s5  }
0xe: {  	[smem:$0x3FAC] =	sst s6  }
0xf: {  	[smem:$0x3FAD] =	sst s7  }
0x10: {  	[smem:$0x3FAE] =	sst s8  }
0x11: {  	[smem:$0x3FAF] =	sst s9;
	s0 =	simm.s32 @!p0 $0x0  }
0x12: {  	s1 =	sld [smem:$0x3F95];
	s0 =	simm.s32 @p0 $0x1  }
0x13: {  	[smem:$0x3FB0] =	sst s0;
	s0 =	simm.s32 @!p1 $0x0  }
0x14: {  	s2 =	sld [smem:$0x3F94];
	s0 =	simm.s32 @p1 $0x1  }
0x15: {  	[smem:$0x3FB1] =	sst s0;
	s0 =	simm.s32 @!p2 $0x0  }
0x16: {  	s3 =	sld [smem:$0x3FDB];
	s0 =	simm.s32 @p2 $0x1  }
0x17: {  	s4 =	simm.s32 $0x1BF5;
	[smem:$0x3FB3] =	sst s0  }
0x18: {  	s0 =	sld [smem:$0x3F96];
	_ =	swait.ge [sflag:s4], $0x0  }
0x19: {  	s7 =	sld [smem:$0x3F97]  }
0x1a: {  	s8 =	sadd.s32 $0xFFFFE003, lr  }
0x1b: {  	s9 =	sadd.s32 $0xFFFFFEF7, lr;
	s5 =	simm.s32 $0xFFFFFFFF;
	p2 =	slt.u32 s8, $0xFFFFF086  }
0x1c: {  	p1 =	slt.u32 s9, $0xF7A;
	s5 =	simm.s32 @!p2 $0x0  }
0x1d: {  	s5 =	simm.s32 @p1 $0x1;
	p0 =	seq.s32 s7, s2  }
0x1e: {  	s7 =	smul.u32 @!p0 $0xF7A, s2;
	p2 =	seq.s32 @!p0 s5, $0x0  }
0x1f: {  	s9 =	smul.u32 $0xF7A, s1;
	s8 =	simm.s32 @!p0 $0x1BF5;
	p2 =	por !p2, p0  }
0x20: {  	[sflag:s8] =	ssyncset.s32 @!p0 $0xFFFFF086;
	s6 =	sadd.s32 @!p0 s3, s7;
	s7 =	simm.s32 @!p0 $0x108  }
0x21: {  	s3 =	sadd.s32 s3, s9;
	s6 =	sadd.s32 @!p0 $0x88, s6;
	s7 =	simm.s32 @p2 $0x1082  }
0x22: {  	[simem:s7], [sflag:s8] =	dma.local @!p0 [hbm:s6], $0xF7A  }
0x23: {  	s9 =	sor.u32 $0xD0000000, s2;
	s6 =	simm.s32 $0x108;
	_ =	swait.ge @!p0 [sflag:s8], $0x0  }
0x24: {  	s3 =	sadd.s32 $0x88, s3;
	s6 =	simm.s32 @!p1 $0x1082;
	[sflag:s4] =	ssyncset.s32 $0xFFFFF086  }
0x25: {  	[simem:s6], [sflag:s4] =	dma.local [hbm:s3], $0xF7A  }
0x26: {  	[smem:$0x3F97] =	sst s1;
	(tag) =	ssettag s2;
	_ =	strace s9  }
0x27: {  	s1 =	sld [smem:$0x3FA7]  }
0x28: {  	s2 =	sld [smem:$0x3FA8]  }
0x29: {  	s4 =	sld [smem:$0x3FAA]  }
0x2a: {  	p0 =	seq.s32 s5, $0x0;
	s5 =	sld [smem:$0x3FAB]  }
0x2b: {  	s6 =	sld [smem:$0x3FAC]  }
0x2c: {  	s7 =	sld [smem:$0x3FAD]  }
0x2d: {  	s3 =	simm.s32 $0x108;
	s8 =	sld [smem:$0x3FAE]  }
0x2e: {  	s3 =	simm.s32 @!p0 $0x1082;
	s9 =	sld [smem:$0x3FAF]  }
0x2f: {  	lr =	sadd.s32 s0, s3;
	s0 =	sld [smem:$0x3FA6]  }
0x30: {  	s3 =	sld [smem:$0x3FA9]  }
0x31: {  	[smem:$0x3FB2] =	sst s10  }
0x32: {  	s10 =	sld [smem:$0x3FB0];
	_ =	sdelay $0x3  }
0x33: {  	p0 =	seq.s32 s10, $0x1;
	s10 =	sld [smem:$0x3FB2];
	_ =	sdelay $0x3  }
0x34: {  	[smem:$0x3FB2] =	sst s10  }
0x35: {  	s10 =	sld [smem:$0x3FB1];
	_ =	sdelay $0x3  }
0x36: {  	p1 =	seq.s32 s10, $0x1;
	s10 =	sld [smem:$0x3FB2];
	_ =	sdelay $0x3  }
0x37: {  	[smem:$0x3FB2] =	sst s10  }
0x38: {  	s10 =	sld [smem:$0x3FB3]  }
0x39: {  	_ = 	snop;
	(pc) =	sbr.ind lr, $3  }
0x3a: {  	_ = 	snop  }
0x3b: {  	_ = 	snop  }
0x3c: {  	p2 =	seq.s32 s10, $0x1;
	s10 =	sld [smem:$0x3FB2]  }
0x3d: {  	_ =	shalt  }
0x3e: {  	_ =	shalt  }
0x3f: {  	_ =	shalt  }
0x40: {  	_ =	shalt  }
0x41: {  	_ =	shalt  }
0x42: {  	_ =	shalt  }
0x43: {  	_ =	shalt  }
0x44: {  	_ =	shalt  }
0x45: {  	_ =	shalt  }
0x46: {  	_ =	shalt  }
0x47: {  	_ =	shalt  }
0x48: {  	_ =	shalt  }
0x49: {  	_ =	shalt  }
0x4a: {  	_ =	shalt  }
0x4b: {  	_ =	shalt  }
0x4c: {  	_ =	shalt  }
0x4d: {  	_ =	shalt  }
0x4e: {  	_ =	shalt  }
0x4f: {  	_ =	shalt  }
0x50: {  	_ =	shalt  }
0x51: {  	_ =	shalt  }
0x52: {  	_ =	shalt  }
0x53: {  	_ =	shalt  }
0x54: {  	_ =	shalt  }
0x55: {  	_ =	shalt  }
0x56: {  	_ =	shalt  }
0x57: {  	_ =	shalt  }
0x58: {  	_ =	shalt  }
0x59: {  	_ =	shalt  }
0x5a: {  	_ =	shalt  }
0x5b: {  	_ =	shalt  }
0x5c: {  	_ =	shalt  }
0x5d: {  	_ =	shalt  }
0x5e: {  	_ =	shalt  }
0x5f: {  	_ =	shalt  }
0x60: {  	_ =	shalt  }
0x61: {  	_ =	shalt  }
0x62: {  	_ =	shalt  }
0x63: {  	_ =	shalt  }
0x64: {  	_ =	shalt  }
0x65: {  	_ =	shalt  }
0x66: {  	_ =	shalt  }
0x67: {  	_ =	shalt  }
0x68: {  	_ =	shalt  }
0x69: {  	_ =	shalt  }
0x6a: {  	_ =	shalt  }
0x6b: {  	_ =	shalt  }
0x6c: {  	_ =	shalt  }
0x6d: {  	_ =	shalt  }
0x6e: {  	_ =	shalt  }
0x6f: {  	_ =	shalt  }
0x70: {  	_ =	shalt  }
0x71: {  	_ =	shalt  }
0x72: {  	_ =	shalt  }
0x73: {  	_ =	shalt  }
0x74: {  	_ =	shalt  }
0x75: {  	_ =	shalt  }
0x76: {  	_ =	shalt  }
0x77: {  	_ =	shalt  }
0x78: {  	_ =	shalt  }
0x79: {  	_ =	shalt  }
0x7a: {  	_ =	shalt  }
0x7b: {  	_ =	shalt  }
0x7c: {  	_ =	shalt  }
0x7d: {  	_ =	shalt  }
0x7e: {  	_ =	shalt  }
0x7f: {  	_ =	shalt  }
0x80: {  	_ =	shalt  }
0x81: {  	_ =	shalt  }
0x82: {  	_ =	shalt  }
0x83: {  	_ =	shalt  }
0x84: {  	_ =	shalt  }
0x85: {  	_ =	shalt  }
0x86: {  	_ =	shalt  }
0x87: {  	_ =	shalt  }
.Lfunc_end0:
.L_simem_size_0:
called_computation.1_lowered:
.L_overlay_start_0:
0x88: {  	s2 =	sld [smem:$0x3FD9]  }
0x89: {  	s3 =	sld [smem:$0x3FFE];
	_ =	sdelay $0x1  }
0x8a: {  	s1 =	srdreg.scid  }
0x8b: {  	s0 =	sand.u32 $0x1, s1  }
0x8c: {  	s17 =	sshll.u32 s0, $0xA;
	s2 =	sadd.s32 s3, s2  }
0x8d: {  	s2 =	sadd.s32 s2, s17  }
0x8e: {  	[smem:$0x3FBE] =	sst s2  }
0x8f: {  	_ = 	snop  }
0x90: {  	s2 =	sld [smem:$0x3FD0];
	(tm) =	ssettm $0x1  }
0x91: {  	s18 =	sld [smem:$0x3FFB];
	_ =	sdelay $0x3  }
0x92: {  	_ =	strace s18  }
0x93: {  	s3 =	sld [smem:$0x3FFC];
	_ =	sdelay $0x3  }
0x94: {  	_ =	strace s3  }
0x95: {  	s3 =	sld [smem:$0x3FFD];
	_ =	sdelay $0x3  }
0x96: {  	_ =	strace s3  }
0x97: {  	_ =	strace $0x8FFFFFFF  }
0x98: {  	s19 =	sld [smem:$0x3FDB];
	_ =	sdelay $0x1  }
0x99: {  	s4 =	simm.s32 $_scs_section_size  }
0x9a: {  	s5 =	simm.s32 $_size__tile_overlayer_lowered;
	s6 =	simm.s32 $_tile_overlayer_lowered  }
0x9b: {  	s22 =	simm.s32 $0x1BFF;
	s21 =	sshll.u32 s6, $0x1;
	s3 =	sadd.s32 s4, s19  }
0x9c: {  	s7 =	simm.s32 $0x0;
	s20 =	sshll.u32 s5, $0x1;
	s5 =	sadd.s32 s21, s3  }
0x9d: {  	[timem:s7], [sflag:s22] =	dma.local [hbm:s5], s20  }
0x9e: {  	_ =	swait.ge [sflag:s22], s20  }
0x9f: {  	s4 =	ssub.s32 $0x0, s20;
	[sflag:s22] =	ssyncset.done $0x0  }
0xa0: {  	[sflag:s22] =	ssyncadd.s32 s4;
	_ =	sdelay $0x1  }
0xa1: {  	s23 =	simm.s32 $0x1B8B  }
0xa2: {  	_ =	swait.ge [sflag:s23], $0x1  }
0xa3: {  	[sflag:s23] =	ssyncset.done $0x0  }
0xa4: {  	s25 =	simm.s32 $0x1B8E;
	s24 =	sld [smem:$0x3FFE];
	[sflag:s23] =	ssyncadd.s32 $0xFFFFFFFF  }
0xa5: {  	s26 =	simm.s32 $execute0_lowered;
	[smem:$0x3FD2] =	sst s25  }
0xa6: {  	s5 =	sshll.u32 s26, $0x1;
	_ =	strace $0x80000049;
	[dreg:$0x1] =	wrdreg $0xFFFFFFFF  }
0xa7: {  	s28 =	simm.s32 $_size_execute0_lowered;
	s3 =	sadd.s32 s3, s5;
	[dreg:$0x0] =	wrdreg $0x0  }
0xa8: {  	s5 =	sshll.u32 s28, $0x1;
	[dreg:$0x2] =	wrdreg s3  }
0xa9: {  	[dreg:$0x3] =	wrdreg s5  }
0xaa: {  	[dreg:$0x4] =	wrdreg $0xC0  }
0xab: {  	_ =	task [dreg:s7], $0x5FFFF  }
0xac: {  	[dreg:$0x1] =	wrdreg $0xFFFFFFFF  }
0xad: {  	[dreg:$0x0] =	wrdreg $0x60  }
0xae: {  	[dreg:$0x2] =	wrdreg s2  }
0xaf: {  	[dreg:$0x3] =	wrdreg s24  }
0xb0: {  	[dreg:$0x4] =	wrdreg $0x80600  }
0xb1: {  	[dreg:$0x5] =	wrdreg $0x9  }
0xb2: {  	_ =	task.clear_ibuf [dreg:s7], $0x6FFFF;
	_ =	strace $0x90000049  }
0xb3: {  	s29 =	simm.s32 $0x9;
	_ =	strace $0x8000004B  }
0xb4: {  	_ =	swait.ge [sflag:s29], $0x1  }
0xb5: {  	[sflag:s29] =	ssyncadd.s32 $0xFFFFFFFF  }
0xb6: {  	_ =	strace $0x9000004B  }
0xb7: {  	_ =	sfence  }
0xb8: {  	s30 =	sld [smem:$0x0];
	_ =	sdelay $0x2  }
0xb9: {  	s31 =	sshll.u32 s1, $0xD;
	s1 =	sshrl.u32 s1, $0x2  }
0xba: {  	s3 =	sand.u32 $0x4000, s31;
	s1 =	sadd.s32 s1, s30  }
0xbb: {  	s0 =	sor.u32 s3, s0;
	s1 =	sshll.u32 s1, $0x11  }
0xbc: {  	s0 =	sor.u32 s1, s0  }
0xbd: {  	s0 =	sadd.s32 $0x8F2B, s0  }
0xbe: {  	[sflag:s0] =	ssyncadd.remote.s32 $0x1  }
0xbf: {  	_ =	sfence.sel $0xFFFF  }
0xc0: {  	[dreg:$0x0] =	wrdreg $0xFFFFFFFF;
	(pc) =	sbr.abs _section_cstart, $3  }
0xc1: {  	[dreg:$0x1] =	wrdreg $0xFFFFFFFF  }
0xc2: {  	_ =	task.clear_ibuf [dreg:s7], $0x2FFFF;
	_ =	strace $0x9FFFFFFF  }
0xc3: {  	(tm) =	ssettm $0x7FFFFFFF  }
tec
execute0_lowered:
.L_overlay_start_1:
0x0: {  	(tag) =	ssettag $0x1  }
0x1: {  	s1 =	rddreg [dreg:$0x0]  }
0x2: {  	s0 =	rddreg [dreg:$0x1]  }
0x3: {  	s2 =	rddreg [dreg:$0x2]  }
0x4: {  	s3 =	srdreg.scid;
	s4 =	simm.s32 $0x0;
	s11 =	stileid.u32  }
0x5: {  	s28 =	simm.s32 $0x27B0;
	s29 =	simm.s32 $0x6860;
	s30 =	simm.s32 $0x4F60  }
0x6: {  	s31 =	simm.s32 $0x4FE0;
	s3 =	sand.u32 $0x1, s3;
	[smem:$0x7FF] =	sst s4  }
0x7: {  	s7 =	smul.u32 $0x5, s11;
	s8 =	sadd.s32 $0x1400, s0;
	s18 =	sadd.s32 $0xE00, s0  }
0x8: {  	s9 =	sadd.s32 $0x1A00, s0;
	_ =	strace $0x8000004A;
	[dreg:$0x4] =	wrdreg s8  }
0x9: {  	s10 =	smul.u32 $0x7710, s11;
	s5 =	sshll.u32 s3, $0x4;
	[dreg:$0x5] =	wrdreg s18  }
0xa: {  	s19 =	smul.u32 $0x77100, s3;
	s3 =	ssub.s32 $0x2, s3;
	s6 =	sor.u32 s11, s5  }
0xb: {  	s5 =	sadd.s32 $0x32A00, s0;
	s0 =	sadd.s32 $0x10A00, s0;
	s11 =	smul.u32 $0x1DC40, s11  }
0xc: {  	s7 =	sadd.s32 $0x1, s7;
	s12 =	sshrl.u32 s3, $0x1;
	s6 =	smul.u32 $0x51, s6  }
0xd: {  	s25 =	sadd.s32 $0x2FA0, s10;
	s26 =	sadd.s32 $0x4770, s10;
	s14 =	smul.u32 $0x5F40, s7  }
0xe: {  	s13 =	sadd.s32 s19, s10;
	s3 =	ssub.s32 s3, s12;
	s7 =	smul.u32 $0x17D0, s7  }
0xf: {  	s18 =	sadd.s32 s19, s25;
	s15 =	sadd.s32 s19, s26;
	s20 =	sshrl.u32 s13, $0x3  }
0x10: {  	s3 =	smax.u32 s3, $0x1;
	s21 =	sshrl.u32 s11, $0x2;
	s24 =	sadd.s32 $0xBE80, s11  }
0x11: {  	s16 =	sshrl.u32 s15, $0x3;
	s12 =	sadd.s32 s0, s20;
	[dreg:$0x7] =	wrdreg s3  }
0x12: {  	s3 =	sadd.s32 s21, s2;
	s22 =	sshrl.u32 s14, $0x2;
	s23 =	sadd.s32 s19, s7  }
0x13: {  	s21 =	sadd.s32 $0x5F40, s10;
	s14 =	sshrl.u32 s18, $0x3;
	[dreg:$0x6] =	wrdreg s12  }
0x14: {  	s16 =	sadd.s32 s0, s16;
	s20 =	sadd.s32 $0x17D00, s11;
	[dreg:$0x8] =	wrdreg s3  }
0x15: {  	s3 =	sadd.s32 s22, s2;
	s12 =	sshrl.u32 s23, $0x3;
	s8 =	sadd.s32 s19, s21  }
0x16: {  	s15 =	sadd.s32 s0, s14;
	s19 =	sadd.s32 $0x11DC0, s11;
	s22 =	sadd.s32 s10, s2  }
0x17: {  	s23 =	sadd.s32 s7, s2;
	s7 =	simm.s32 $0x0;
	[dreg:$0x9] =	wrdreg s3  }
0x18: {  	s12 =	sadd.s32 s0, s12;
	s8 =	sshrl.u32 s8, $0x3;
	s3 =	sshrl.u32 s24, $0x2  }
0x19: {  	s24 =	sadd.s32 s25, s2;
	s25 =	sadd.s32 s26, s2;
	s26 =	sadd.s32 s21, s2  }
0x1a: {  	s21 =	sshrl.u32 s22, $0x3;
	s22 =	sshrl.u32 s23, $0x3;
	[dreg:$0xa] =	wrdreg s12  }
0x1b: {  	s17 =	sadd.s32 s0, s8;
	s0 =	sshrl.u32 s19, $0x2;
	s8 =	sshrl.u32 s20, $0x2  }
0x1c: {  	s18 =	sadd.s32 s3, s2;
	s23 =	sshrl.u32 s24, $0x3;
	s24 =	sshrl.u32 s25, $0x3  }
0x1d: {  	v0 =	vimm.f32 $0.0e+00;
	vm0 =	vcmask $0x2320;
	s25 =	sshrl.u32 s26, $0x3;
	s26 =	simm.s32 $0x1;
	s3 =	simm.s32 $0x5060  }
0x1e: {  	v1 =	vsel vm0, $0x3F800000, v0;
	s19 =	sadd.s32 s0, s2;
	s20 =	sadd.s32 s8, s2;
	s0 =	simm.s32 $0x80  }
.LBB2_1:
0x1f: {  	s8 =	rddreg [dreg:$0x4]  }
0x20: {  	[tilespmem:s4], [sflag:$0x1] =	stream.linear.gather [hbm4b:s8+s4], $0x27B0, $0x38;
	[tilespmem:$0xF770] =	vst v63  }
0x21: {  	_ =	swait.ge [sflag:s26], $0x27B0  }
0x22: {  	[sflag:s26] =	ssyncset.done $0x0  }
0x23: {  	s14 =	rddreg [dreg:$0x5];
	[sflag:s26] =	ssyncadd.s32 $0xFFFFD850  }
0x24: {  	[tilespmem:s28], [sflag:$0x1] =	stream.linear.gather [hbm4b:s14+s4], $0x27B0, $0x38;
	[tilespmem:$0xF770] =	vst v63  }
0x25: {  	_ =	swait.ge [sflag:s26], $0x27B0  }
0x26: {  	[sflag:s26] =	ssyncset.done $0x0  }
0x27: {  	s10 =	simm.s32 $0x0;
	s8 =	simm.s32 $0xC0;
	[sflag:s26] =	ssyncadd.s32 $0xFFFFD850  }
.LBB2_2:
0x28: {  	p0 =	sne.s32 s8, $0x5F40;
	[tilespmem:s10+$0x6880] =	vst v0;
	s11 =	smov.u32 s8;
	s8 =	sadd.s32 $0xC0, s8  }
.Ltmp0:
0x29: {  	[tilespmem:s10+$0x6860] =	vst v0;
	(pc) =	sbr.rel @p0 .LBB2_2-.Ltmp0, $2  }
0x2a: {  	[tilespmem:s10+$0x6870] =	vst v0;
	_ =	sdelay $0x2  }
0x2b: {  	s10 =	sshra.s32 s11, $0x2  }
0x2c: {  	[tilespmem:s10+$0x6880] =	vst v0  }
0x2d: {  	[tilespmem:s10+$0x6860] =	vst v0  }
0x2e: {  	[tilespmem:s10+$0x6870] =	vst v0;
	s8 =	rddreg [dreg:$0x8]  }
0x2f: {  	[spmem:s8] =	stream.linear.scatter [tilespmem:s29], [sflag:$0x1], $0x17D0, $0x38;
	[tilespmem:$0xF770] =	vst v63  }
0x30: {  	_ =	swait.ge [sflag:s26], $0x17D0  }
0x31: {  	[sflag:s26] =	ssyncset.done $0x0  }
0x32: {  	s14 =	rddreg [dreg:$0x9];
	[sflag:s26] =	ssyncadd.s32 $0xFFFFE830  }
0x33: {  	[spmem:s14] =	stream.linear.scatter [tilespmem:s29], [sflag:$0x1], $0x17D0, $0x38;
	[tilespmem:$0xF770] =	vst v63  }
0x34: {  	_ =	swait.ge [sflag:s26], $0x17D0  }
0x35: {  	[sflag:s26] =	ssyncset.done $0x0  }
0x36: {  	[sflag:s26] =	ssyncadd.s32 $0xFFFFE830  }
0x37: {  	[spmem:s18] =	stream.linear.scatter [tilespmem:s29], [sflag:$0x1], $0x17D0, $0x38;
	[tilespmem:$0xF770] =	vst v63  }
0x38: {  	_ =	swait.ge [sflag:s26], $0x17D0  }
0x39: {  	[sflag:s26] =	ssyncset.done $0x0  }
0x3a: {  	[sflag:s26] =	ssyncadd.s32 $0xFFFFE830  }
0x3b: {  	[spmem:s19] =	stream.linear.scatter [tilespmem:s29], [sflag:$0x1], $0x17D0, $0x38;
	[tilespmem:$0xF770] =	vst v63  }
0x3c: {  	_ =	swait.ge [sflag:s26], $0x17D0  }
0x3d: {  	[sflag:s26] =	ssyncset.done $0x0  }
0x3e: {  	[sflag:s26] =	ssyncadd.s32 $0xFFFFE830  }
0x3f: {  	[spmem:s20] =	stream.linear.scatter [tilespmem:s29], [sflag:$0x1], $0x17D0, $0x38;
	[tilespmem:$0xF770] =	vst v63  }
0x40: {  	_ =	swait.ge [sflag:s26], $0x17D0  }
0x41: {  	[sflag:s26] =	ssyncset.done $0x0  }
0x42: {  	[sflag:s26] =	ssyncadd.s32 $0xFFFFE830  }
0x43: {  	s10 =	simm.s32 $0x0;
	s8 =	simm.s32 $0x0;
	[bflag:$0x0] =	sbarrier.arrive $0xFFFF  }
.LBB2_4:
0x44: {  	s11 =	sadd.s32 s6, s10  }
0x45: {  	s11 =	sshll.u32 s11, $0x4  }
0x46: {  	s12 =	sadd.s32 s1, s11  }
0x47: {  	[tilespmem:s30], [sflag:$0x1] =	stream.linear.gather [hbm4b:s12+s8], $0x80, $0x38;
	[tilespmem:$0xF770] =	vst v63  }
0x48: {  	_ =	swait.ge [sflag:s26], $0x80  }
0x49: {  	[sflag:s26] =	ssyncset.done $0x0  }
0x4a: {  	s11 =	sadd.s32 s5, s11;
	[sflag:s26] =	ssyncadd.s32 $0xFFFFFF80  }
0x4b: {  	[tilespmem:s31], [sflag:$0x1] =	stream.linear.gather [hbm4b:s11+s8], $0x80, $0x38;
	[tilespmem:$0xF770] =	vst v63  }
0x4c: {  	_ =	swait.ge [sflag:s26], $0x80  }
0x4d: {  	[sflag:s26] =	ssyncset.done $0x0  }
0x4e: {  	[sflag:s26] =	ssyncadd.s32 $0xFFFFFF80  }
0x4f: {  	[tilespmem:s3], [sflag:$0x1] =	stream.indirect.gather [hbm4b:s9+s0], $0x30, s30, s0, $0xb8;
	[tilespmem:$0xF770] =	vst v63  }
0x50: {  	_ =	swait.ge [sflag:s26], $0x1800  }
0x51: {  	[sflag:s26] =	ssyncset.done $0x0  }
0x52: {  	s14 =	simm.s32 $0x0;
	[sflag:s26] =	ssyncadd.s32 $0xFFFFE800  }
0x53: {  	v2 =	vld [tilespmem:s14+$0x4F60]  }
0x54: {  	v3 =	vld [tilespmem:s14+$0x4FE0];
	_ =	sdelay $0x6  }
0x55: {  	v2 =	vld.idx.msk [tilespmem:v2+s4+$0x0], $0xffff  }
0x56: {  	v3 =	vld.idx.msk [tilespmem:v3+s28+$0x0], $0xffff;
	_ =	sdelay $0x4  }
0x57: {  	v2 =	vadd.f32 v3, v2;
	_ =	sdelay $0x1  }
0x58: {  	v3 =	vmul.f32 $2.000000030e-01, v2;
	_ =	sdelay $0x1  }
0x59: {  	v2 =	vmax.f32 v2, v3  }
0x5a: {  	v2 =	vmul.f32 $1.442695020e+00, v2;
	_ =	sdelay $0x1  }
0x5b: {  	(erf) = vpow2.f32 v2;
	_ =	sdelay $0x5  }
0x5c: {  	s11 =	simm.s32 $0x51E0  }
0x5d: {  	v3 =	vld [tilespmem:s11+$0xFFFFFE80];
	_ =	sdelay $0x1  }
0x5e: {  	v2 =	vpop (erf)  }
0x5f: {  	v4 =	vbroadcast v2, $0x0;
	_ =	sdelay $0x1  }
0x60: {  	v3 =	vmul.f32 v4, v3  }
0x61: {  	s12 =	simm.s32 $0x69E0  }
0x62: {  	[tilespmem:s12+$0xFFFFFE80] =	vst v3  }
0x63: {  	v3 =	vld [tilespmem:s11+$0xFFFFFE90];
	_ =	sdelay $0x4  }
0x64: {  	v3 =	vmul.f32 v4, v3;
	_ =	sdelay $0x1  }
0x65: {  	[tilespmem:s12+$0xFFFFFE90] =	vst v3  }
0x66: {  	v3 =	vld [tilespmem:s11+$0xFFFFFEA0];
	_ =	sdelay $0x4  }
0x67: {  	v3 =	vadd.f32 v1, v3;
	_ =	sdelay $0x1  }
0x68: {  	v3 =	vmul.f32 v4, v3;
	_ =	sdelay $0x1  }
0x69: {  	[tilespmem:s12+$0xFFFFFEA0] =	vst v3  }
0x6a: {  	v3 =	vld [tilespmem:s11+$0xFFFFFEB0];
	_ =	sdelay $0x2  }
0x6b: {  	v50 =	vbroadcast v2, $0x1;
	_ =	sdelay $0x1  }
0x6c: {  	v3 =	vmul.f32 v3, v50;
	_ =	sdelay $0x1  }
0x6d: {  	[tilespmem:s12+$0xFFFFFEB0] =	vst v3  }
0x6e: {  	v3 =	vld [tilespmem:s11+$0xFFFFFEC0];
	_ =	sdelay $0x4  }
0x6f: {  	v3 =	vmul.f32 v3, v50;
	_ =	sdelay $0x1  }
0x70: {  	[tilespmem:s12+$0xFFFFFEC0] =	vst v3  }
0x71: {  	v3 =	vld [tilespmem:s11+$0xFFFFFED0];
	_ =	sdelay $0x4  }
0x72: {  	v3 =	vadd.f32 v1, v3;
	_ =	sdelay $0x1  }
0x73: {  	v3 =	vmul.f32 v3, v50;
	_ =	sdelay $0x1  }
0x74: {  	[tilespmem:s12+$0xFFFFFED0] =	vst v3  }
0x75: {  	v3 =	vld [tilespmem:s11+$0xFFFFFEE0];
	_ =	sdelay $0x2  }
0x76: {  	v51 =	vbroadcast v2, $0x2;
	_ =	sdelay $0x1  }
0x77: {  	v3 =	vmul.f32 v3, v51;
	_ =	sdelay $0x1  }
0x78: {  	[tilespmem:s12+$0xFFFFFEE0] =	vst v3  }
0x79: {  	v3 =	vld [tilespmem:s11+$0xFFFFFEF0];
	_ =	sdelay $0x4  }
0x7a: {  	v3 =	vmul.f32 v3, v51;
	_ =	sdelay $0x1  }
0x7b: {  	[tilespmem:s12+$0xFFFFFEF0] =	vst v3  }
0x7c: {  	v3 =	vld [tilespmem:s11+$0xFFFFFF00];
	_ =	sdelay $0x4  }
0x7d: {  	v3 =	vadd.f32 v1, v3;
	_ =	sdelay $0x1  }
0x7e: {  	v3 =	vmul.f32 v3, v51;
	_ =	sdelay $0x1  }
0x7f: {  	[tilespmem:s12+$0xFFFFFF00] =	vst v3  }
0x80: {  	v3 =	vld [tilespmem:s11+$0xFFFFFF10];
	_ =	sdelay $0x2  }
0x81: {  	v52 =	vbroadcast v2, $0x3;
	_ =	sdelay $0x1  }
0x82: {  	v3 =	vmul.f32 v3, v52;
	_ =	sdelay $0x1  }
0x83: {  	[tilespmem:s12+$0xFFFFFF10] =	vst v3  }
0x84: {  	v3 =	vld [tilespmem:s11+$0xFFFFFF20];
	_ =	sdelay $0x4  }
0x85: {  	v3 =	vmul.f32 v3, v52;
	_ =	sdelay $0x1  }
0x86: {  	[tilespmem:s12+$0xFFFFFF20] =	vst v3  }
0x87: {  	v3 =	vld [tilespmem:s11+$0xFFFFFF30];
	_ =	sdelay $0x4  }
0x88: {  	v3 =	vadd.f32 v1, v3;
	_ =	sdelay $0x1  }
0x89: {  	v3 =	vmul.f32 v3, v52;
	_ =	sdelay $0x1  }
0x8a: {  	[tilespmem:s12+$0xFFFFFF30] =	vst v3  }
0x8b: {  	v3 =	vld [tilespmem:s11+$0xFFFFFF40];
	_ =	sdelay $0x2  }
0x8c: {  	v53 =	vbroadcast v2, $0x4;
	_ =	sdelay $0x1  }
0x8d: {  	v3 =	vmul.f32 v3, v53;
	_ =	sdelay $0x1  }
0x8e: {  	[tilespmem:s12+$0xFFFFFF40] =	vst v3  }
0x8f: {  	v3 =	vld [tilespmem:s11+$0xFFFFFF50];
	_ =	sdelay $0x4  }
0x90: {  	v3 =	vmul.f32 v3, v53;
	_ =	sdelay $0x1  }
0x91: {  	[tilespmem:s12+$0xFFFFFF50] =	vst v3  }
0x92: {  	v3 =	vld [tilespmem:s11+$0xFFFFFF60];
	_ =	sdelay $0x4  }
0x93: {  	v3 =	vadd.f32 v1, v3;
	_ =	sdelay $0x1  }
0x94: {  	v3 =	vmul.f32 v3, v53;
	_ =	sdelay $0x1  }
0x95: {  	[tilespmem:s12+$0xFFFFFF60] =	vst v3  }
0x96: {  	v3 =	vld [tilespmem:s11+$0xFFFFFF70];
	_ =	sdelay $0x2  }
0x97: {  	v54 =	vbroadcast v2, $0x5;
	_ =	sdelay $0x1  }
0x98: {  	v3 =	vmul.f32 v3, v54;
	_ =	sdelay $0x1  }
0x99: {  	[tilespmem:s12+$0xFFFFFF70] =	vst v3  }
0x9a: {  	v3 =	vld [tilespmem:s11+$0xFFFFFF80];
	_ =	sdelay $0x4  }
0x9b: {  	v3 =	vmul.f32 v3, v54;
	_ =	sdelay $0x1  }
0x9c: {  	[tilespmem:s12+$0xFFFFFF80] =	vst v3  }
0x9d: {  	v3 =	vld [tilespmem:s11+$0xFFFFFF90];
	_ =	sdelay $0x4  }
0x9e: {  	v3 =	vadd.f32 v1, v3;
	_ =	sdelay $0x1  }
0x9f: {  	v3 =	vmul.f32 v3, v54;
	_ =	sdelay $0x1  }
0xa0: {  	[tilespmem:s12+$0xFFFFFF90] =	vst v3  }
0xa1: {  	v3 =	vld [tilespmem:s11+$0xFFFFFFA0];
	_ =	sdelay $0x2  }
0xa2: {  	v55 =	vbroadcast v2, $0x6;
	_ =	sdelay $0x1  }
0xa3: {  	v3 =	vmul.f32 v3, v55;
	_ =	sdelay $0x1  }
0xa4: {  	[tilespmem:s12+$0xFFFFFFA0] =	vst v3  }
0xa5: {  	v3 =	vld [tilespmem:s11+$0xFFFFFFB0];
	_ =	sdelay $0x4  }
0xa6: {  	v3 =	vmul.f32 v3, v55;
	_ =	sdelay $0x1  }
0xa7: {  	[tilespmem:s12+$0xFFFFFFB0] =	vst v3  }
0xa8: {  	v3 =	vld [tilespmem:s11+$0xFFFFFFC0];
	_ =	sdelay $0x4  }
0xa9: {  	v3 =	vadd.f32 v1, v3;
	_ =	sdelay $0x1  }
0xaa: {  	v3 =	vmul.f32 v3, v55;
	_ =	sdelay $0x1  }
0xab: {  	[tilespmem:s12+$0xFFFFFFC0] =	vst v3  }
0xac: {  	v3 =	vld [tilespmem:s11+$0xFFFFFFD0];
	_ =	sdelay $0x2  }
0xad: {  	v56 =	vbroadcast v2, $0x7;
	_ =	sdelay $0x1  }
0xae: {  	v3 =	vmul.f32 v3, v56;
	_ =	sdelay $0x1  }
0xaf: {  	[tilespmem:s12+$0xFFFFFFD0] =	vst v3  }
0xb0: {  	v3 =	vld [tilespmem:s11+$0xFFFFFFE0];
	_ =	sdelay $0x4  }
0xb1: {  	v3 =	vmul.f32 v3, v56;
	_ =	sdelay $0x1  }
0xb2: {  	[tilespmem:s12+$0xFFFFFFE0] =	vst v3  }
0xb3: {  	v3 =	vld [tilespmem:s11+$0xFFFFFFF0];
	_ =	sdelay $0x4  }
0xb4: {  	v3 =	vadd.f32 v1, v3;
	_ =	sdelay $0x1  }
0xb5: {  	v3 =	vmul.f32 v3, v56;
	_ =	sdelay $0x1  }
0xb6: {  	[tilespmem:s12+$0xFFFFFFF0] =	vst v3  }
0xb7: {  	v3 =	vld [tilespmem:s11+$0x0];
	_ =	sdelay $0x2  }
0xb8: {  	v57 =	vbroadcast v2, $0x8;
	_ =	sdelay $0x1  }
0xb9: {  	v3 =	vmul.f32 v3, v57;
	_ =	sdelay $0x1  }
0xba: {  	[tilespmem:s12+$0x0] =	vst v3  }
0xbb: {  	v3 =	vld [tilespmem:s11+$0x10];
	_ =	sdelay $0x4  }
0xbc: {  	v3 =	vmul.f32 v3, v57;
	_ =	sdelay $0x1  }
0xbd: {  	[tilespmem:s12+$0x10] =	vst v3  }
0xbe: {  	v3 =	vld [tilespmem:s11+$0x20];
	_ =	sdelay $0x4  }
0xbf: {  	v3 =	vadd.f32 v1, v3;
	_ =	sdelay $0x1  }
0xc0: {  	v3 =	vmul.f32 v3, v57;
	_ =	sdelay $0x1  }
0xc1: {  	[tilespmem:s12+$0x20] =	vst v3  }
0xc2: {  	v3 =	vld [tilespmem:s11+$0x30];
	_ =	sdelay $0x2  }
0xc3: {  	v58 =	vbroadcast v2, $0x9;
	_ =	sdelay $0x1  }
0xc4: {  	v3 =	vmul.f32 v3, v58;
	_ =	sdelay $0x1  }
0xc5: {  	[tilespmem:s12+$0x30] =	vst v3  }
0xc6: {  	v3 =	vld [tilespmem:s11+$0x40];
	_ =	sdelay $0x4  }
0xc7: {  	v3 =	vmul.f32 v3, v58;
	_ =	sdelay $0x1  }
0xc8: {  	[tilespmem:s12+$0x40] =	vst v3  }
0xc9: {  	v3 =	vld [tilespmem:s11+$0x50];
	_ =	sdelay $0x4  }
0xca: {  	v3 =	vadd.f32 v1, v3;
	_ =	sdelay $0x1  }
0xcb: {  	v3 =	vmul.f32 v3, v58;
	_ =	sdelay $0x1  }
0xcc: {  	[tilespmem:s12+$0x50] =	vst v3  }
0xcd: {  	v3 =	vld [tilespmem:s11+$0x60];
	_ =	sdelay $0x2  }
0xce: {  	v59 =	vbroadcast v2, $0xA;
	_ =	sdelay $0x1  }
0xcf: {  	v3 =	vmul.f32 v3, v59;
	_ =	sdelay $0x1  }
0xd0: {  	[tilespmem:s12+$0x60] =	vst v3  }
0xd1: {  	v3 =	vld [tilespmem:s11+$0x70];
	_ =	sdelay $0x4  }
0xd2: {  	v3 =	vmul.f32 v3, v59;
	_ =	sdelay $0x1  }
0xd3: {  	[tilespmem:s12+$0x70] =	vst v3  }
0xd4: {  	v3 =	vld [tilespmem:s11+$0x80];
	_ =	sdelay $0x4  }
0xd5: {  	v3 =	vadd.f32 v1, v3;
	_ =	sdelay $0x1  }
0xd6: {  	v3 =	vmul.f32 v3, v59;
	_ =	sdelay $0x1  }
0xd7: {  	[tilespmem:s12+$0x80] =	vst v3  }
0xd8: {  	v3 =	vld [tilespmem:s11+$0x90];
	_ =	sdelay $0x2  }
0xd9: {  	v60 =	vbroadcast v2, $0xB;
	_ =	sdelay $0x1  }
0xda: {  	v3 =	vmul.f32 v3, v60;
	_ =	sdelay $0x1  }
0xdb: {  	[tilespmem:s12+$0x90] =	vst v3  }
0xdc: {  	v3 =	vld [tilespmem:s11+$0xA0];
	_ =	sdelay $0x4  }
0xdd: {  	v3 =	vmul.f32 v3, v60;
	_ =	sdelay $0x1  }
0xde: {  	[tilespmem:s12+$0xA0] =	vst v3  }
0xdf: {  	v3 =	vld [tilespmem:s11+$0xB0];
	_ =	sdelay $0x4  }
0xe0: {  	v3 =	vadd.f32 v1, v3;
	_ =	sdelay $0x1  }
0xe1: {  	v3 =	vmul.f32 v3, v60;
	_ =	sdelay $0x1  }
0xe2: {  	[tilespmem:s12+$0xB0] =	vst v3  }
0xe3: {  	v3 =	vld [tilespmem:s11+$0xC0];
	_ =	sdelay $0x2  }
0xe4: {  	v61 =	vbroadcast v2, $0xC;
	_ =	sdelay $0x1  }
0xe5: {  	v3 =	vmul.f32 v3, v61;
	_ =	sdelay $0x1  }
0xe6: {  	[tilespmem:s12+$0xC0] =	vst v3  }
0xe7: {  	v3 =	vld [tilespmem:s11+$0xD0];
	_ =	sdelay $0x4  }
0xe8: {  	v3 =	vmul.f32 v3, v61;
	_ =	sdelay $0x1  }
0xe9: {  	[tilespmem:s12+$0xD0] =	vst v3  }
0xea: {  	v3 =	vld [tilespmem:s11+$0xE0];
	_ =	sdelay $0x4  }
0xeb: {  	v3 =	vadd.f32 v1, v3;
	_ =	sdelay $0x1  }
0xec: {  	v3 =	vmul.f32 v3, v61;
	_ =	sdelay $0x1  }
0xed: {  	[tilespmem:s12+$0xE0] =	vst v3  }
0xee: {  	v3 =	vld [tilespmem:s11+$0xF0];
	_ =	sdelay $0x2  }
0xef: {  	v62 =	vbroadcast v2, $0xD;
	_ =	sdelay $0x1  }
0xf0: {  	v3 =	vmul.f32 v3, v62;
	_ =	sdelay $0x1  }
0xf1: {  	[tilespmem:s12+$0xF0] =	vst v3  }
0xf2: {  	v3 =	vld [tilespmem:s11+$0x100];
	_ =	sdelay $0x4  }
0xf3: {  	v3 =	vmul.f32 v3, v62;
	_ =	sdelay $0x1  }
0xf4: {  	[tilespmem:s12+$0x100] =	vst v3  }
0xf5: {  	v3 =	vld [tilespmem:s11+$0x110];
	_ =	sdelay $0x4  }
0xf6: {  	v3 =	vadd.f32 v1, v3;
	_ =	sdelay $0x1  }
0xf7: {  	v3 =	vmul.f32 v3, v62;
	_ =	sdelay $0x1  }
0xf8: {  	[tilespmem:s12+$0x110] =	vst v3  }
0xf9: {  	v3 =	vld [tilespmem:s11+$0x120];
	_ =	sdelay $0x2  }
0xfa: {  	v63 =	vbroadcast v2, $0xE;
	_ =	sdelay $0x1  }
0xfb: {  	v3 =	vmul.f32 v3, v63;
	_ =	sdelay $0x1  }
0xfc: {  	[tilespmem:s12+$0x120] =	vst v3  }
0xfd: {  	v3 =	vld [tilespmem:s11+$0x130];
	_ =	sdelay $0x4  }
0xfe: {  	v3 =	vmul.f32 v3, v63;
	_ =	sdelay $0x1  }
0xff: {  	[tilespmem:s12+$0x130] =	vst v3  }
0x100: {  	v3 =	vld [tilespmem:s11+$0x140];
	_ =	sdelay $0x4  }
0x101: {  	v3 =	vadd.f32 v1, v3;
	_ =	sdelay $0x1  }
0x102: {  	v3 =	vmul.f32 v3, v63;
	_ =	sdelay $0x1  }
0x103: {  	[tilespmem:s12+$0x140] =	vst v3  }
0x104: {  	v3 =	vld [tilespmem:s11+$0x150];
	_ =	sdelay $0x2  }
0x105: {  	v2 =	vbroadcast v2, $0xF;
	_ =	sdelay $0x1  }
0x106: {  	v3 =	vmul.f32 v3, v2;
	_ =	sdelay $0x1  }
0x107: {  	[tilespmem:s12+$0x150] =	vst v3  }
0x108: {  	v3 =	vld [tilespmem:s11+$0x160];
	_ =	sdelay $0x4  }
0x109: {  	v3 =	vmul.f32 v3, v2;
	_ =	sdelay $0x1  }
0x10a: {  	[tilespmem:s12+$0x160] =	vst v3  }
0x10b: {  	v3 =	vld [tilespmem:s11+$0x170];
	_ =	sdelay $0x4  }
0x10c: {  	v3 =	vadd.f32 v1, v3;
	_ =	sdelay $0x1  }
0x10d: {  	v2 =	vmul.f32 v3, v2;
	_ =	sdelay $0x1  }
0x10e: {  	s14 =	simm.s32 $0x10;
	[tilespmem:s12+$0x170] =	vst v2  }
0x10f: {  	s13 =	simm.s32 $0x80;
	v2 =	vld [tilespmem:s14+$0x4F60]  }
.LBB2_5:
0x110: {  	p0 =	sne.s32 s13, $0x1C0;
	v3 =	vld [tilespmem:s14+$0x4FE0];
	_ =	sdelay $0x6  }
0x111: {  	v2 =	vld.idx.msk [tilespmem:v2+s4+$0x0], $0xffff  }
0x112: {  	v3 =	vld.idx.msk [tilespmem:v3+s28+$0x0], $0xffff;
	_ =	sdelay $0x5  }
0x113: {  	v2 =	vadd.f32 v3, v2;
	_ =	sdelay $0x1  }
0x114: {  	v3 =	vmul.f32 $2.000000030e-01, v2;
	_ =	sdelay $0x1  }
0x115: {  	v2 =	vmax.f32 v2, v3  }
0x116: {  	v2 =	vmul.f32 $1.442695020e+00, v2;
	_ =	sdelay $0x1  }
0x117: {  	(erf) = vpow2.f32 v2;
	_ =	sdelay $0x5  }
0x118: {  	s11 =	sadd.s32 $0x300, s11  }
0x119: {  	v3 =	vld [tilespmem:s11+$0xFFFFFE80];
	_ =	sdelay $0x1  }
0x11a: {  	v2 =	vpop (erf)  }
0x11b: {  	v4 =	vbroadcast v2, $0x0;
	_ =	sdelay $0x1  }
0x11c: {  	v3 =	vmul.f32 v4, v3  }
0x11d: {  	s12 =	sadd.s32 $0x300, s12  }
0x11e: {  	[tilespmem:s12+$0xFFFFFE80] =	vst v3  }
0x11f: {  	v3 =	vld [tilespmem:s11+$0xFFFFFE90];
	_ =	sdelay $0x4  }
0x120: {  	v3 =	vmul.f32 v4, v3;
	_ =	sdelay $0x1  }
0x121: {  	[tilespmem:s12+$0xFFFFFE90] =	vst v3  }
0x122: {  	v3 =	vld [tilespmem:s11+$0xFFFFFEA0];
	_ =	sdelay $0x4  }
0x123: {  	v3 =	vadd.f32 v1, v3;
	_ =	sdelay $0x1  }
0x124: {  	v3 =	vmul.f32 v4, v3;
	_ =	sdelay $0x1  }
0x125: {  	[tilespmem:s12+$0xFFFFFEA0] =	vst v3  }
0x126: {  	v3 =	vld [tilespmem:s11+$0xFFFFFEB0];
	_ =	sdelay $0x2  }
0x127: {  	v4 =	vbroadcast v2, $0x1;
	_ =	sdelay $0x1  }
0x128: {  	v3 =	vmul.f32 v3, v4;
	_ =	sdelay $0x1  }
0x129: {  	[tilespmem:s12+$0xFFFFFEB0] =	vst v3  }
0x12a: {  	v3 =	vld [tilespmem:s11+$0xFFFFFEC0];
	_ =	sdelay $0x4  }
0x12b: {  	v3 =	vmul.f32 v3, v4;
	_ =	sdelay $0x1  }
0x12c: {  	[tilespmem:s12+$0xFFFFFEC0] =	vst v3  }
0x12d: {  	v3 =	vld [tilespmem:s11+$0xFFFFFED0];
	_ =	sdelay $0x4  }
0x12e: {  	v3 =	vadd.f32 v1, v3;
	_ =	sdelay $0x1  }
0x12f: {  	v3 =	vmul.f32 v3, v4;
	_ =	sdelay $0x1  }
0x130: {  	[tilespmem:s12+$0xFFFFFED0] =	vst v3  }
0x131: {  	v3 =	vld [tilespmem:s11+$0xFFFFFEE0];
	_ =	sdelay $0x2  }
0x132: {  	v4 =	vbroadcast v2, $0x2;
	_ =	sdelay $0x1  }
0x133: {  	v3 =	vmul.f32 v3, v4;
	_ =	sdelay $0x1  }
0x134: {  	[tilespmem:s12+$0xFFFFFEE0] =	vst v3  }
0x135: {  	v3 =	vld [tilespmem:s11+$0xFFFFFEF0];
	_ =	sdelay $0x4  }
0x136: {  	v3 =	vmul.f32 v3, v4;
	_ =	sdelay $0x1  }
0x137: {  	[tilespmem:s12+$0xFFFFFEF0] =	vst v3  }
0x138: {  	v3 =	vld [tilespmem:s11+$0xFFFFFF00];
	_ =	sdelay $0x4  }
0x139: {  	v3 =	vadd.f32 v1, v3;
	_ =	sdelay $0x1  }
0x13a: {  	v3 =	vmul.f32 v3, v4;
	_ =	sdelay $0x1  }
0x13b: {  	[tilespmem:s12+$0xFFFFFF00] =	vst v3  }
0x13c: {  	v3 =	vld [tilespmem:s11+$0xFFFFFF10];
	_ =	sdelay $0x2  }
0x13d: {  	v4 =	vbroadcast v2, $0x3;
	_ =	sdelay $0x1  }
0x13e: {  	v3 =	vmul.f32 v3, v4;
	_ =	sdelay $0x1  }
0x13f: {  	[tilespmem:s12+$0xFFFFFF10] =	vst v3  }
0x140: {  	v3 =	vld [tilespmem:s11+$0xFFFFFF20];
	_ =	sdelay $0x4  }
0x141: {  	v3 =	vmul.f32 v3, v4;
	_ =	sdelay $0x1  }
0x142: {  	[tilespmem:s12+$0xFFFFFF20] =	vst v3  }
0x143: {  	v3 =	vld [tilespmem:s11+$0xFFFFFF30];
	_ =	sdelay $0x4  }
0x144: {  	v3 =	vadd.f32 v1, v3;
	_ =	sdelay $0x1  }
0x145: {  	v3 =	vmul.f32 v3, v4;
	_ =	sdelay $0x1  }
0x146: {  	[tilespmem:s12+$0xFFFFFF30] =	vst v3  }
0x147: {  	v3 =	vld [tilespmem:s11+$0xFFFFFF40];
	_ =	sdelay $0x2  }
0x148: {  	v4 =	vbroadcast v2, $0x4;
	_ =	sdelay $0x1  }
0x149: {  	v3 =	vmul.f32 v3, v4;
	_ =	sdelay $0x1  }
0x14a: {  	[tilespmem:s12+$0xFFFFFF40] =	vst v3  }
0x14b: {  	v3 =	vld [tilespmem:s11+$0xFFFFFF50];
	_ =	sdelay $0x4  }
0x14c: {  	v3 =	vmul.f32 v3, v4;
	_ =	sdelay $0x1  }
0x14d: {  	[tilespmem:s12+$0xFFFFFF50] =	vst v3  }
0x14e: {  	v3 =	vld [tilespmem:s11+$0xFFFFFF60];
	_ =	sdelay $0x4  }
0x14f: {  	v3 =	vadd.f32 v1, v3;
	_ =	sdelay $0x1  }
0x150: {  	v3 =	vmul.f32 v3, v4;
	_ =	sdelay $0x1  }
0x151: {  	[tilespmem:s12+$0xFFFFFF60] =	vst v3  }
0x152: {  	v3 =	vld [tilespmem:s11+$0xFFFFFF70];
	_ =	sdelay $0x2  }
0x153: {  	v4 =	vbroadcast v2, $0x5;
	_ =	sdelay $0x1  }
0x154: {  	v3 =	vmul.f32 v3, v4;
	_ =	sdelay $0x1  }
0x155: {  	[tilespmem:s12+$0xFFFFFF70] =	vst v3  }
0x156: {  	v3 =	vld [tilespmem:s11+$0xFFFFFF80];
	_ =	sdelay $0x4  }
0x157: {  	v3 =	vmul.f32 v3, v4;
	_ =	sdelay $0x1  }
0x158: {  	[tilespmem:s12+$0xFFFFFF80] =	vst v3  }
0x159: {  	v3 =	vld [tilespmem:s11+$0xFFFFFF90];
	_ =	sdelay $0x4  }
0x15a: {  	v3 =	vadd.f32 v1, v3;
	_ =	sdelay $0x1  }
0x15b: {  	v3 =	vmul.f32 v3, v4;
	_ =	sdelay $0x1  }
0x15c: {  	[tilespmem:s12+$0xFFFFFF90] =	vst v3  }
0x15d: {  	v3 =	vld [tilespmem:s11+$0xFFFFFFA0];
	_ =	sdelay $0x2  }
0x15e: {  	v4 =	vbroadcast v2, $0x6;
	_ =	sdelay $0x1  }
0x15f: {  	v3 =	vmul.f32 v3, v4;
	_ =	sdelay $0x1  }
0x160: {  	[tilespmem:s12+$0xFFFFFFA0] =	vst v3  }
0x161: {  	v3 =	vld [tilespmem:s11+$0xFFFFFFB0];
	_ =	sdelay $0x4  }
0x162: {  	v3 =	vmul.f32 v3, v4;
	_ =	sdelay $0x1  }
0x163: {  	[tilespmem:s12+$0xFFFFFFB0] =	vst v3  }
0x164: {  	v3 =	vld [tilespmem:s11+$0xFFFFFFC0];
	_ =	sdelay $0x4  }
0x165: {  	v3 =	vadd.f32 v1, v3;
	_ =	sdelay $0x1  }
0x166: {  	v3 =	vmul.f32 v3, v4;
	_ =	sdelay $0x1  }
0x167: {  	[tilespmem:s12+$0xFFFFFFC0] =	vst v3  }
0x168: {  	v3 =	vld [tilespmem:s11+$0xFFFFFFD0];
	_ =	sdelay $0x2  }
0x169: {  	v4 =	vbroadcast v2, $0x7;
	_ =	sdelay $0x1  }
0x16a: {  	v3 =	vmul.f32 v3, v4;
	_ =	sdelay $0x1  }
0x16b: {  	[tilespmem:s12+$0xFFFFFFD0] =	vst v3  }
0x16c: {  	v3 =	vld [tilespmem:s11+$0xFFFFFFE0];
	_ =	sdelay $0x4  }
0x16d: {  	v3 =	vmul.f32 v3, v4;
	_ =	sdelay $0x1  }
0x16e: {  	[tilespmem:s12+$0xFFFFFFE0] =	vst v3  }
0x16f: {  	v3 =	vld [tilespmem:s11+$0xFFFFFFF0];
	_ =	sdelay $0x4  }
0x170: {  	v3 =	vadd.f32 v1, v3;
	_ =	sdelay $0x1  }
0x171: {  	v3 =	vmul.f32 v3, v4;
	_ =	sdelay $0x1  }
0x172: {  	[tilespmem:s12+$0xFFFFFFF0] =	vst v3  }
0x173: {  	v3 =	vld [tilespmem:s11+$0x0];
	_ =	sdelay $0x2  }
0x174: {  	v4 =	vbroadcast v2, $0x8;
	_ =	sdelay $0x1  }
0x175: {  	v3 =	vmul.f32 v3, v4;
	_ =	sdelay $0x1  }
0x176: {  	[tilespmem:s12+$0x0] =	vst v3  }
0x177: {  	v3 =	vld [tilespmem:s11+$0x10];
	_ =	sdelay $0x4  }
0x178: {  	v3 =	vmul.f32 v3, v4;
	_ =	sdelay $0x1  }
0x179: {  	[tilespmem:s12+$0x10] =	vst v3  }
0x17a: {  	v3 =	vld [tilespmem:s11+$0x20];
	_ =	sdelay $0x4  }
0x17b: {  	v3 =	vadd.f32 v1, v3;
	_ =	sdelay $0x1  }
0x17c: {  	v3 =	vmul.f32 v3, v4;
	_ =	sdelay $0x1  }
0x17d: {  	[tilespmem:s12+$0x20] =	vst v3  }
0x17e: {  	v3 =	vld [tilespmem:s11+$0x30];
	_ =	sdelay $0x2  }
0x17f: {  	v4 =	vbroadcast v2, $0x9;
	_ =	sdelay $0x1  }
0x180: {  	v3 =	vmul.f32 v3, v4;
	_ =	sdelay $0x1  }
0x181: {  	[tilespmem:s12+$0x30] =	vst v3  }
0x182: {  	v3 =	vld [tilespmem:s11+$0x40];
	_ =	sdelay $0x4  }
0x183: {  	v3 =	vmul.f32 v3, v4;
	_ =	sdelay $0x1  }
0x184: {  	[tilespmem:s12+$0x40] =	vst v3  }
0x185: {  	v3 =	vld [tilespmem:s11+$0x50];
	_ =	sdelay $0x4  }
0x186: {  	v3 =	vadd.f32 v1, v3;
	_ =	sdelay $0x1  }
0x187: {  	v3 =	vmul.f32 v3, v4;
	_ =	sdelay $0x1  }
0x188: {  	[tilespmem:s12+$0x50] =	vst v3  }
0x189: {  	v3 =	vld [tilespmem:s11+$0x60];
	_ =	sdelay $0x2  }
0x18a: {  	v4 =	vbroadcast v2, $0xA;
	_ =	sdelay $0x1  }
0x18b: {  	v3 =	vmul.f32 v3, v4;
	_ =	sdelay $0x1  }
0x18c: {  	[tilespmem:s12+$0x60] =	vst v3  }
0x18d: {  	v3 =	vld [tilespmem:s11+$0x70];
	_ =	sdelay $0x4  }
0x18e: {  	v3 =	vmul.f32 v3, v4;
	_ =	sdelay $0x1  }
0x18f: {  	[tilespmem:s12+$0x70] =	vst v3  }
0x190: {  	v3 =	vld [tilespmem:s11+$0x80];
	_ =	sdelay $0x4  }
0x191: {  	v3 =	vadd.f32 v1, v3;
	_ =	sdelay $0x1  }
0x192: {  	v3 =	vmul.f32 v3, v4;
	_ =	sdelay $0x1  }
0x193: {  	[tilespmem:s12+$0x80] =	vst v3  }
0x194: {  	v3 =	vld [tilespmem:s11+$0x90];
	_ =	sdelay $0x2  }
0x195: {  	v4 =	vbroadcast v2, $0xB;
	_ =	sdelay $0x1  }
0x196: {  	v3 =	vmul.f32 v3, v4;
	_ =	sdelay $0x1  }
0x197: {  	[tilespmem:s12+$0x90] =	vst v3  }
0x198: {  	v3 =	vld [tilespmem:s11+$0xA0];
	_ =	sdelay $0x4  }
0x199: {  	v3 =	vmul.f32 v3, v4;
	_ =	sdelay $0x1  }
0x19a: {  	[tilespmem:s12+$0xA0] =	vst v3  }
0x19b: {  	v3 =	vld [tilespmem:s11+$0xB0];
	_ =	sdelay $0x4  }
0x19c: {  	v3 =	vadd.f32 v1, v3;
	_ =	sdelay $0x1  }
0x19d: {  	v3 =	vmul.f32 v3, v4;
	_ =	sdelay $0x1  }
0x19e: {  	[tilespmem:s12+$0xB0] =	vst v3  }
0x19f: {  	v3 =	vld [tilespmem:s11+$0xC0];
	_ =	sdelay $0x2  }
0x1a0: {  	v4 =	vbroadcast v2, $0xC;
	_ =	sdelay $0x1  }
0x1a1: {  	v3 =	vmul.f32 v3, v4;
	_ =	sdelay $0x1  }
0x1a2: {  	[tilespmem:s12+$0xC0] =	vst v3  }
0x1a3: {  	v3 =	vld [tilespmem:s11+$0xD0];
	_ =	sdelay $0x4  }
0x1a4: {  	v3 =	vmul.f32 v3, v4;
	_ =	sdelay $0x1  }
0x1a5: {  	[tilespmem:s12+$0xD0] =	vst v3  }
0x1a6: {  	v3 =	vld [tilespmem:s11+$0xE0];
	_ =	sdelay $0x4  }
0x1a7: {  	v3 =	vadd.f32 v1, v3;
	_ =	sdelay $0x1  }
0x1a8: {  	v3 =	vmul.f32 v3, v4;
	_ =	sdelay $0x1  }
0x1a9: {  	[tilespmem:s12+$0xE0] =	vst v3  }
0x1aa: {  	v3 =	vld [tilespmem:s11+$0xF0];
	_ =	sdelay $0x2  }
0x1ab: {  	v4 =	vbroadcast v2, $0xD;
	_ =	sdelay $0x1  }
0x1ac: {  	v3 =	vmul.f32 v3, v4;
	_ =	sdelay $0x1  }
0x1ad: {  	[tilespmem:s12+$0xF0] =	vst v3  }
0x1ae: {  	v3 =	vld [tilespmem:s11+$0x100];
	_ =	sdelay $0x4  }
0x1af: {  	v3 =	vmul.f32 v3, v4;
	_ =	sdelay $0x1  }
0x1b0: {  	[tilespmem:s12+$0x100] =	vst v3  }
0x1b1: {  	v3 =	vld [tilespmem:s11+$0x110];
	_ =	sdelay $0x4  }
0x1b2: {  	v3 =	vadd.f32 v1, v3;
	_ =	sdelay $0x1  }
0x1b3: {  	v3 =	vmul.f32 v3, v4;
	_ =	sdelay $0x1  }
0x1b4: {  	[tilespmem:s12+$0x110] =	vst v3  }
0x1b5: {  	v3 =	vld [tilespmem:s11+$0x120];
	_ =	sdelay $0x2  }
0x1b6: {  	v4 =	vbroadcast v2, $0xE;
	_ =	sdelay $0x1  }
0x1b7: {  	v3 =	vmul.f32 v3, v4;
	_ =	sdelay $0x1  }
0x1b8: {  	[tilespmem:s12+$0x120] =	vst v3  }
0x1b9: {  	v3 =	vld [tilespmem:s11+$0x130];
	_ =	sdelay $0x4  }
0x1ba: {  	v3 =	vmul.f32 v3, v4;
	_ =	sdelay $0x1  }
0x1bb: {  	[tilespmem:s12+$0x130] =	vst v3  }
0x1bc: {  	v3 =	vld [tilespmem:s11+$0x140];
	_ =	sdelay $0x4  }
0x1bd: {  	v3 =	vadd.f32 v1, v3;
	_ =	sdelay $0x1  }
0x1be: {  	v3 =	vmul.f32 v3, v4;
	_ =	sdelay $0x1  }
0x1bf: {  	[tilespmem:s12+$0x140] =	vst v3  }
0x1c0: {  	v3 =	vld [tilespmem:s11+$0x150];
	_ =	sdelay $0x2  }
0x1c1: {  	v2 =	vbroadcast v2, $0xF;
	_ =	sdelay $0x1  }
0x1c2: {  	v3 =	vmul.f32 v3, v2;
	_ =	sdelay $0x1  }
0x1c3: {  	[tilespmem:s12+$0x150] =	vst v3  }
0x1c4: {  	v3 =	vld [tilespmem:s11+$0x160];
	_ =	sdelay $0x4  }
0x1c5: {  	v3 =	vmul.f32 v3, v2;
	_ =	sdelay $0x1  }
0x1c6: {  	[tilespmem:s12+$0x160] =	vst v3  }
0x1c7: {  	v3 =	vld [tilespmem:s11+$0x170];
	_ =	sdelay $0x4  }
0x1c8: {  	v3 =	vadd.f32 v1, v3  }
.Ltmp1:
0x1c9: {  	(pc) =	sbr.rel @p0 .LBB2_5-.Ltmp1, $3  }
0x1ca: {  	v2 =	vmul.f32 v3, v2;
	_ =	sdelay $0x1  }
0x1cb: {  	s14 =	sshra.s32 s13, $0x2;
	[tilespmem:s12+$0x170] =	vst v2  }
0x1cc: {  	s13 =	sadd.s32 $0x40, s13;
	v2 =	vld [tilespmem:s14+$0x4F60]  }
0x1cd: {  	_ = 	snop  }
0x1ce: {  	v3 =	vld [tilespmem:s14+$0x4FE0];
	_ =	sdelay $0x6  }
0x1cf: {  	v2 =	vld.idx.msk [tilespmem:v2+s4+$0x0], $0xffff  }
0x1d0: {  	v3 =	vld.idx.msk [tilespmem:v3+s28+$0x0], $0xffff;
	_ =	sdelay $0x4  }
0x1d1: {  	v2 =	vadd.f32 v3, v2;
	_ =	sdelay $0x1  }
0x1d2: {  	v3 =	vmul.f32 $2.000000030e-01, v2;
	_ =	sdelay $0x1  }
0x1d3: {  	v2 =	vmax.f32 v2, v3  }
0x1d4: {  	v2 =	vmul.f32 $1.442695020e+00, v2;
	_ =	sdelay $0x1  }
0x1d5: {  	(erf) = vpow2.f32 v2;
	_ =	sdelay $0x5  }
0x1d6: {  	s11 =	sadd.s32 $0x300, s11  }
0x1d7: {  	v3 =	vld [tilespmem:s11+$0xFFFFFE80];
	_ =	sdelay $0x1  }
0x1d8: {  	v2 =	vpop (erf)  }
0x1d9: {  	v4 =	vbroadcast v2, $0x0;
	_ =	sdelay $0x1  }
0x1da: {  	v3 =	vmul.f32 v4, v3  }
0x1db: {  	s12 =	sadd.s32 $0x300, s12  }
0x1dc: {  	[tilespmem:s12+$0xFFFFFE80] =	vst v3  }
0x1dd: {  	v3 =	vld [tilespmem:s11+$0xFFFFFE90];
	_ =	sdelay $0x4  }
0x1de: {  	v3 =	vmul.f32 v4, v3;
	_ =	sdelay $0x1  }
0x1df: {  	[tilespmem:s12+$0xFFFFFE90] =	vst v3  }
0x1e0: {  	v3 =	vld [tilespmem:s11+$0xFFFFFEA0];
	_ =	sdelay $0x4  }
0x1e1: {  	v3 =	vadd.f32 v1, v3;
	_ =	sdelay $0x1  }
0x1e2: {  	v3 =	vmul.f32 v4, v3;
	_ =	sdelay $0x1  }
0x1e3: {  	[tilespmem:s12+$0xFFFFFEA0] =	vst v3  }
0x1e4: {  	v3 =	vld [tilespmem:s11+$0xFFFFFEB0];
	_ =	sdelay $0x2  }
0x1e5: {  	v50 =	vbroadcast v2, $0x1;
	_ =	sdelay $0x1  }
0x1e6: {  	v3 =	vmul.f32 v3, v50;
	_ =	sdelay $0x1  }
0x1e7: {  	[tilespmem:s12+$0xFFFFFEB0] =	vst v3  }
0x1e8: {  	v3 =	vld [tilespmem:s11+$0xFFFFFEC0];
	_ =	sdelay $0x4  }
0x1e9: {  	v3 =	vmul.f32 v3, v50;
	_ =	sdelay $0x1  }
0x1ea: {  	[tilespmem:s12+$0xFFFFFEC0] =	vst v3  }
0x1eb: {  	v3 =	vld [tilespmem:s11+$0xFFFFFED0];
	_ =	sdelay $0x4  }
0x1ec: {  	v3 =	vadd.f32 v1, v3;
	_ =	sdelay $0x1  }
0x1ed: {  	v3 =	vmul.f32 v3, v50;
	_ =	sdelay $0x1  }
0x1ee: {  	[tilespmem:s12+$0xFFFFFED0] =	vst v3  }
0x1ef: {  	v3 =	vld [tilespmem:s11+$0xFFFFFEE0];
	_ =	sdelay $0x2  }
0x1f0: {  	v51 =	vbroadcast v2, $0x2;
	_ =	sdelay $0x1  }
0x1f1: {  	v3 =	vmul.f32 v3, v51;
	_ =	sdelay $0x1  }
0x1f2: {  	[tilespmem:s12+$0xFFFFFEE0] =	vst v3  }
0x1f3: {  	v3 =	vld [tilespmem:s11+$0xFFFFFEF0];
	_ =	sdelay $0x4  }
0x1f4: {  	v3 =	vmul.f32 v3, v51;
	_ =	sdelay $0x1  }
0x1f5: {  	[tilespmem:s12+$0xFFFFFEF0] =	vst v3  }
0x1f6: {  	v3 =	vld [tilespmem:s11+$0xFFFFFF00];
	_ =	sdelay $0x4  }
0x1f7: {  	v3 =	vadd.f32 v1, v3;
	_ =	sdelay $0x1  }
0x1f8: {  	v3 =	vmul.f32 v3, v51;
	_ =	sdelay $0x1  }
0x1f9: {  	[tilespmem:s12+$0xFFFFFF00] =	vst v3  }
0x1fa: {  	v3 =	vld [tilespmem:s11+$0xFFFFFF10];
	_ =	sdelay $0x2  }
0x1fb: {  	v52 =	vbroadcast v2, $0x3;
	_ =	sdelay $0x1  }
0x1fc: {  	v3 =	vmul.f32 v3, v52;
	_ =	sdelay $0x1  }
0x1fd: {  	[tilespmem:s12+$0xFFFFFF10] =	vst v3  }
0x1fe: {  	v3 =	vld [tilespmem:s11+$0xFFFFFF20];
	_ =	sdelay $0x4  }
0x1ff: {  	v3 =	vmul.f32 v3, v52;
	_ =	sdelay $0x1  }
0x200: {  	[tilespmem:s12+$0xFFFFFF20] =	vst v3  }
0x201: {  	v3 =	vld [tilespmem:s11+$0xFFFFFF30];
	_ =	sdelay $0x4  }
0x202: {  	v3 =	vadd.f32 v1, v3;
	_ =	sdelay $0x1  }
0x203: {  	v3 =	vmul.f32 v3, v52;
	_ =	sdelay $0x1  }
0x204: {  	[tilespmem:s12+$0xFFFFFF30] =	vst v3  }
0x205: {  	v3 =	vld [tilespmem:s11+$0xFFFFFF40];
	_ =	sdelay $0x2  }
0x206: {  	v53 =	vbroadcast v2, $0x4;
	_ =	sdelay $0x1  }
0x207: {  	v3 =	vmul.f32 v3, v53;
	_ =	sdelay $0x1  }
0x208: {  	[tilespmem:s12+$0xFFFFFF40] =	vst v3  }
0x209: {  	v3 =	vld [tilespmem:s11+$0xFFFFFF50];
	_ =	sdelay $0x4  }
0x20a: {  	v3 =	vmul.f32 v3, v53;
	_ =	sdelay $0x1  }
0x20b: {  	[tilespmem:s12+$0xFFFFFF50] =	vst v3  }
0x20c: {  	v3 =	vld [tilespmem:s11+$0xFFFFFF60];
	_ =	sdelay $0x4  }
0x20d: {  	v3 =	vadd.f32 v1, v3;
	_ =	sdelay $0x1  }
0x20e: {  	v3 =	vmul.f32 v3, v53;
	_ =	sdelay $0x1  }
0x20f: {  	[tilespmem:s12+$0xFFFFFF60] =	vst v3  }
0x210: {  	v3 =	vld [tilespmem:s11+$0xFFFFFF70];
	_ =	sdelay $0x2  }
0x211: {  	v54 =	vbroadcast v2, $0x5;
	_ =	sdelay $0x1  }
0x212: {  	v3 =	vmul.f32 v3, v54;
	_ =	sdelay $0x1  }
0x213: {  	[tilespmem:s12+$0xFFFFFF70] =	vst v3  }
0x214: {  	v3 =	vld [tilespmem:s11+$0xFFFFFF80];
	_ =	sdelay $0x4  }
0x215: {  	v3 =	vmul.f32 v3, v54;
	_ =	sdelay $0x1  }
0x216: {  	[tilespmem:s12+$0xFFFFFF80] =	vst v3  }
0x217: {  	v3 =	vld [tilespmem:s11+$0xFFFFFF90];
	_ =	sdelay $0x4  }
0x218: {  	v3 =	vadd.f32 v1, v3;
	_ =	sdelay $0x1  }
0x219: {  	v3 =	vmul.f32 v3, v54;
	_ =	sdelay $0x1  }
0x21a: {  	[tilespmem:s12+$0xFFFFFF90] =	vst v3  }
0x21b: {  	v3 =	vld [tilespmem:s11+$0xFFFFFFA0];
	_ =	sdelay $0x2  }
0x21c: {  	v55 =	vbroadcast v2, $0x6;
	_ =	sdelay $0x1  }
0x21d: {  	v3 =	vmul.f32 v3, v55;
	_ =	sdelay $0x1  }
0x21e: {  	[tilespmem:s12+$0xFFFFFFA0] =	vst v3  }
0x21f: {  	v3 =	vld [tilespmem:s11+$0xFFFFFFB0];
	_ =	sdelay $0x4  }
0x220: {  	v3 =	vmul.f32 v3, v55;
	_ =	sdelay $0x1  }
0x221: {  	[tilespmem:s12+$0xFFFFFFB0] =	vst v3  }
0x222: {  	v3 =	vld [tilespmem:s11+$0xFFFFFFC0];
	_ =	sdelay $0x4  }
0x223: {  	v3 =	vadd.f32 v1, v3;
	_ =	sdelay $0x1  }
0x224: {  	v3 =	vmul.f32 v3, v55;
	_ =	sdelay $0x1  }
0x225: {  	[tilespmem:s12+$0xFFFFFFC0] =	vst v3  }
0x226: {  	v3 =	vld [tilespmem:s11+$0xFFFFFFD0];
	_ =	sdelay $0x2  }
0x227: {  	v56 =	vbroadcast v2, $0x7;
	_ =	sdelay $0x1  }
0x228: {  	v3 =	vmul.f32 v3, v56;
	_ =	sdelay $0x1  }
0x229: {  	[tilespmem:s12+$0xFFFFFFD0] =	vst v3  }
0x22a: {  	v3 =	vld [tilespmem:s11+$0xFFFFFFE0];
	_ =	sdelay $0x4  }
0x22b: {  	v3 =	vmul.f32 v3, v56;
	_ =	sdelay $0x1  }
0x22c: {  	[tilespmem:s12+$0xFFFFFFE0] =	vst v3  }
0x22d: {  	v3 =	vld [tilespmem:s11+$0xFFFFFFF0];
	_ =	sdelay $0x4  }
0x22e: {  	v3 =	vadd.f32 v1, v3;
	_ =	sdelay $0x1  }
0x22f: {  	v3 =	vmul.f32 v3, v56;
	_ =	sdelay $0x1  }
0x230: {  	[tilespmem:s12+$0xFFFFFFF0] =	vst v3  }
0x231: {  	v3 =	vld [tilespmem:s11+$0x0];
	_ =	sdelay $0x2  }
0x232: {  	v57 =	vbroadcast v2, $0x8;
	_ =	sdelay $0x1  }
0x233: {  	v3 =	vmul.f32 v3, v57;
	_ =	sdelay $0x1  }
0x234: {  	[tilespmem:s12+$0x0] =	vst v3  }
0x235: {  	v3 =	vld [tilespmem:s11+$0x10];
	_ =	sdelay $0x4  }
0x236: {  	v3 =	vmul.f32 v3, v57;
	_ =	sdelay $0x1  }
0x237: {  	[tilespmem:s12+$0x10] =	vst v3  }
0x238: {  	v3 =	vld [tilespmem:s11+$0x20];
	_ =	sdelay $0x4  }
0x239: {  	v3 =	vadd.f32 v1, v3;
	_ =	sdelay $0x1  }
0x23a: {  	v3 =	vmul.f32 v3, v57;
	_ =	sdelay $0x1  }
0x23b: {  	[tilespmem:s12+$0x20] =	vst v3  }
0x23c: {  	v3 =	vld [tilespmem:s11+$0x30];
	_ =	sdelay $0x2  }
0x23d: {  	v58 =	vbroadcast v2, $0x9;
	_ =	sdelay $0x1  }
0x23e: {  	v3 =	vmul.f32 v3, v58;
	_ =	sdelay $0x1  }
0x23f: {  	[tilespmem:s12+$0x30] =	vst v3  }
0x240: {  	v3 =	vld [tilespmem:s11+$0x40];
	_ =	sdelay $0x4  }
0x241: {  	v3 =	vmul.f32 v3, v58;
	_ =	sdelay $0x1  }
0x242: {  	[tilespmem:s12+$0x40] =	vst v3  }
0x243: {  	v3 =	vld [tilespmem:s11+$0x50];
	_ =	sdelay $0x4  }
0x244: {  	v3 =	vadd.f32 v1, v3;
	_ =	sdelay $0x1  }
0x245: {  	v3 =	vmul.f32 v3, v58;
	_ =	sdelay $0x1  }
0x246: {  	[tilespmem:s12+$0x50] =	vst v3  }
0x247: {  	v3 =	vld [tilespmem:s11+$0x60];
	_ =	sdelay $0x2  }
0x248: {  	v59 =	vbroadcast v2, $0xA;
	_ =	sdelay $0x1  }
0x249: {  	v3 =	vmul.f32 v3, v59;
	_ =	sdelay $0x1  }
0x24a: {  	[tilespmem:s12+$0x60] =	vst v3  }
0x24b: {  	v3 =	vld [tilespmem:s11+$0x70];
	_ =	sdelay $0x4  }
0x24c: {  	v3 =	vmul.f32 v3, v59;
	_ =	sdelay $0x1  }
0x24d: {  	[tilespmem:s12+$0x70] =	vst v3  }
0x24e: {  	v3 =	vld [tilespmem:s11+$0x80];
	_ =	sdelay $0x4  }
0x24f: {  	v3 =	vadd.f32 v1, v3;
	_ =	sdelay $0x1  }
0x250: {  	v3 =	vmul.f32 v3, v59;
	_ =	sdelay $0x1  }
0x251: {  	[tilespmem:s12+$0x80] =	vst v3  }
0x252: {  	v3 =	vld [tilespmem:s11+$0x90];
	_ =	sdelay $0x2  }
0x253: {  	v60 =	vbroadcast v2, $0xB;
	_ =	sdelay $0x1  }
0x254: {  	v3 =	vmul.f32 v3, v60;
	_ =	sdelay $0x1  }
0x255: {  	[tilespmem:s12+$0x90] =	vst v3  }
0x256: {  	v3 =	vld [tilespmem:s11+$0xA0];
	_ =	sdelay $0x4  }
0x257: {  	v3 =	vmul.f32 v3, v60;
	_ =	sdelay $0x1  }
0x258: {  	[tilespmem:s12+$0xA0] =	vst v3  }
0x259: {  	v3 =	vld [tilespmem:s11+$0xB0];
	_ =	sdelay $0x4  }
0x25a: {  	v3 =	vadd.f32 v1, v3;
	_ =	sdelay $0x1  }
0x25b: {  	v3 =	vmul.f32 v3, v60;
	_ =	sdelay $0x1  }
0x25c: {  	[tilespmem:s12+$0xB0] =	vst v3  }
0x25d: {  	v3 =	vld [tilespmem:s11+$0xC0];
	_ =	sdelay $0x2  }
0x25e: {  	v61 =	vbroadcast v2, $0xC;
	_ =	sdelay $0x1  }
0x25f: {  	v3 =	vmul.f32 v3, v61;
	_ =	sdelay $0x1  }
0x260: {  	[tilespmem:s12+$0xC0] =	vst v3  }
0x261: {  	v3 =	vld [tilespmem:s11+$0xD0];
	_ =	sdelay $0x4  }
0x262: {  	v3 =	vmul.f32 v3, v61;
	_ =	sdelay $0x1  }
0x263: {  	[tilespmem:s12+$0xD0] =	vst v3  }
0x264: {  	v3 =	vld [tilespmem:s11+$0xE0];
	_ =	sdelay $0x4  }
0x265: {  	v3 =	vadd.f32 v1, v3;
	_ =	sdelay $0x1  }
0x266: {  	v3 =	vmul.f32 v3, v61;
	_ =	sdelay $0x1  }
0x267: {  	[tilespmem:s12+$0xE0] =	vst v3  }
0x268: {  	v3 =	vld [tilespmem:s11+$0xF0];
	_ =	sdelay $0x2  }
0x269: {  	v62 =	vbroadcast v2, $0xD;
	_ =	sdelay $0x1  }
0x26a: {  	v3 =	vmul.f32 v3, v62;
	_ =	sdelay $0x1  }
0x26b: {  	[tilespmem:s12+$0xF0] =	vst v3  }
0x26c: {  	v3 =	vld [tilespmem:s11+$0x100];
	_ =	sdelay $0x4  }
0x26d: {  	v3 =	vmul.f32 v3, v62;
	_ =	sdelay $0x1  }
0x26e: {  	[tilespmem:s12+$0x100] =	vst v3  }
0x26f: {  	v3 =	vld [tilespmem:s11+$0x110];
	_ =	sdelay $0x4  }
0x270: {  	v3 =	vadd.f32 v1, v3;
	_ =	sdelay $0x1  }
0x271: {  	v3 =	vmul.f32 v3, v62;
	_ =	sdelay $0x1  }
0x272: {  	[tilespmem:s12+$0x110] =	vst v3  }
0x273: {  	v3 =	vld [tilespmem:s11+$0x120];
	_ =	sdelay $0x2  }
0x274: {  	v63 =	vbroadcast v2, $0xE;
	_ =	sdelay $0x1  }
0x275: {  	v3 =	vmul.f32 v3, v63;
	_ =	sdelay $0x1  }
0x276: {  	[tilespmem:s12+$0x120] =	vst v3  }
0x277: {  	v3 =	vld [tilespmem:s11+$0x130];
	_ =	sdelay $0x4  }
0x278: {  	v3 =	vmul.f32 v3, v63;
	_ =	sdelay $0x1  }
0x279: {  	[tilespmem:s12+$0x130] =	vst v3  }
0x27a: {  	v3 =	vld [tilespmem:s11+$0x140];
	_ =	sdelay $0x4  }
0x27b: {  	v3 =	vadd.f32 v1, v3;
	_ =	sdelay $0x1  }
0x27c: {  	v3 =	vmul.f32 v3, v63;
	_ =	sdelay $0x1  }
0x27d: {  	[tilespmem:s12+$0x140] =	vst v3  }
0x27e: {  	v3 =	vld [tilespmem:s11+$0x150];
	_ =	sdelay $0x2  }
0x27f: {  	v2 =	vbroadcast v2, $0xF;
	_ =	sdelay $0x1  }
0x280: {  	v3 =	vmul.f32 v3, v2;
	_ =	sdelay $0x1  }
0x281: {  	[tilespmem:s12+$0x150] =	vst v3  }
0x282: {  	v3 =	vld [tilespmem:s11+$0x160];
	_ =	sdelay $0x4  }
0x283: {  	v3 =	vmul.f32 v3, v2;
	_ =	sdelay $0x1  }
0x284: {  	[tilespmem:s12+$0x160] =	vst v3  }
0x285: {  	v3 =	vld [tilespmem:s11+$0x170];
	_ =	sdelay $0x4  }
0x286: {  	v3 =	vadd.f32 v1, v3;
	_ =	sdelay $0x1  }
0x287: {  	s10 =	sadd.s32 $0x1, s10;
	v2 =	vmul.f32 v3, v2  }
0x288: {  	p0 =	sne.s32 s10, $0x51  }
.Ltmp2:
0x289: {  	[tilespmem:s12+$0x170] =	vst v2;
	(pc) =	sbr.rel @p0 .LBB2_4-.Ltmp2, $4  }
0x28a: {  	[spmem:s2] =	stream.indirect.scatter.add.f32 [tilespmem:s29], [sflag:$0x1], $0x30, s31, s0, $0xb8;
	[tilespmem:$0xF770] =	vst v63  }
0x28b: {  	_ =	swait.ge [sflag:s26], $0x1800  }
0x28c: {  	[sflag:s26] =	ssyncset.done $0x0  }
0x28d: {  	[sflag:s26] =	ssyncadd.s32 $0xFFFFE800  }
0x28e: {  	s8 =	stileid.u32  }
0x28f: {  	[bflag:$0x0] =	sbarrier.arrive $0xFFFF;
	s8 =	sshll.u32 s8, $0x6  }
0x290: {  	s10 =	rddreg [dreg:$0x6];
	s8 =	sor.u32 $0x1C01, s8  }
0x291: {  	[hbm:s10], [sflag:s8] =	dma.local [spmem:s21], $0x2FA  }
0x292: {  	_ =	swait.ge [sflag:s26], $0x2FA  }
0x293: {  	[sflag:s26] =	ssyncset.done $0x0  }
0x294: {  	s13 =	rddreg [dreg:$0xa];
	[sflag:s26] =	ssyncadd.s32 $0xFFFFFD06  }
0x295: {  	[hbm:s13], [sflag:s8] =	dma.local [spmem:s22], $0x2FA  }
0x296: {  	_ =	swait.ge [sflag:s26], $0x2FA  }
0x297: {  	[sflag:s26] =	ssyncset.done $0x0  }
0x298: {  	[sflag:s26] =	ssyncadd.s32 $0xFFFFFD06  }
0x299: {  	[hbm:s15], [sflag:s8] =	dma.local [spmem:s23], $0x2FA  }
0x29a: {  	_ =	swait.ge [sflag:s26], $0x2FA  }
0x29b: {  	[sflag:s26] =	ssyncset.done $0x0  }
0x29c: {  	[sflag:s26] =	ssyncadd.s32 $0xFFFFFD06  }
0x29d: {  	[hbm:s16], [sflag:s8] =	dma.local [spmem:s24], $0x2FA  }
0x29e: {  	_ =	swait.ge [sflag:s26], $0x2FA  }
0x29f: {  	[sflag:s26] =	ssyncset.done $0x0  }
0x2a0: {  	[sflag:s26] =	ssyncadd.s32 $0xFFFFFD06  }
0x2a1: {  	[hbm:s17], [sflag:s8] =	dma.local [spmem:s25], $0x2FA  }
0x2a2: {  	_ =	swait.ge [sflag:s26], $0x2FA  }
0x2a3: {  	s7 =	sadd.s32 $0x1, s7;
	s14 =	rddreg [dreg:$0x7]  }
0x2a4: {  	p0 =	sne.s32 s7, s14  }
.Ltmp3:
0x2a5: {  	_ = 	snop;
	(pc) =	sbr.rel @p0 .LBB2_1-.Ltmp3, $3  }
0x2a6: {  	_ =	sdelay $0x1  }
0x2a7: {  	[sflag:s26] =	ssyncset.done $0x0  }
0x2a8: {  	[sflag:s26] =	ssyncadd.s32 $0xFFFFFD06  }
0x2a9: {  	_ =	sfence.sel $0x180000  }
0x2aa: {  	[bflag:$0x0] =	sbarrier.arrive $0xFFFF  }
0x2ab: {  	_ =	strace $0x9000004A  }
0x2ac: {  	s0 =	stileid.u32;
	[bflag:$0x2] =	sbarrier.arrive $0xFFFF  }
0x2ad: {  	p0 =	sne.s32 s0, $0x0;
	s0 =	rddreg [dreg:$0x3]  }
0x2ae: {  	s0 =	sadd.s32 @!p0 $0x100000, s0  }
0x2af: {  	[sflag:s0] =	ssyncadd.tile.s32 @!p0 $0x1;
	_ =	shalt  }
.Lfunc_end2:
_tile_overlayer_lowered:
.L_overlay_start_2:
0x2b0: {  	(tag) =	ssettag $0x2  }
0x2b1: {  	s0 =	rddreg [dreg:$0x0];
	s2 =	stileid.u32  }
0x2b2: {  	s1 =	rddreg [dreg:$0x1];
	p0 =	sne.s32 s2, $0x0  }
0x2b3: {  	s3 =	rddreg [dreg:$0x2];
	[bflag:$0x3] =	sbarrier.arrive $0xFFFF;
	s2 =	simm.s32 @!p0 $0x1C01  }
0x2b4: {  	[timem:s3], [sflag:s2] =	dma.local @!p0 [hbm:s0], s1  }
0x2b5: {  	s0 =	simm.s32 @!p0 $0x1  }
0x2b6: {  	_ =	swait.ge @!p0 [sflag:s0], s1  }
0x2b7: {  	s1 =	ssub.s32 @!p0 $0x0, s1;
	[sflag:s0] =	ssyncset.done @!p0 $0x0  }
0x2b8: {  	[sflag:s0] =	ssyncadd.s32 @!p0 s1  }
0x2b9: {  	[bflag:$0x3] =	sbarrier.arrive $0xFFFF  }
0x2ba: {  	_ =	shalt  }

// kernel: kernel.7.cloned.1.call-start
scs
__scs_entry_jumppad:
0x0: {  	(pc) =	sbr.rel $0x88, $3  }
0x1: {  	(tag) =	ssettag $0x0;
	lr =	simm.s32 $0x1  }
0x2: {  	[smem:$0x3F97] =	sst lr;
	_ =	strace $0xD0000000  }
0x3: {  	_ = 	snop  }
0x4: {  	_ = 	snop  }
0x5: {  	_ = 	snop  }
0x6: {  	_ = 	snop  }
0x7: {  	_ = 	snop  }
__scs_overlays_trampoline_lowered:
0x8: {  	[smem:$0x3FA6] =	sst s0  }
0x9: {  	[smem:$0x3FA7] =	sst s1  }
0xa: {  	[smem:$0x3FA8] =	sst s2  }
0xb: {  	[smem:$0x3FA9] =	sst s3  }
0xc: {  	[smem:$0x3FAA] =	sst s4  }
0xd: {  	[smem:$0x3FAB] =	sst s5  }
0xe: {  	[smem:$0x3FAC] =	sst s6  }
0xf: {  	[smem:$0x3FAD] =	sst s7  }
0x10: {  	[smem:$0x3FAE] =	sst s8  }
0x11: {  	[smem:$0x3FAF] =	sst s9;
	s0 =	simm.s32 @!p0 $0x0  }
0x12: {  	s1 =	sld [smem:$0x3F95];
	s0 =	simm.s32 @p0 $0x1  }
0x13: {  	[smem:$0x3FB0] =	sst s0;
	s0 =	simm.s32 @!p1 $0x0  }
0x14: {  	s2 =	sld [smem:$0x3F94];
	s0 =	simm.s32 @p1 $0x1  }
0x15: {  	[smem:$0x3FB1] =	sst s0;
	s0 =	simm.s32 @!p2 $0x0  }
0x16: {  	s3 =	sld [smem:$0x3FDB];
	s0 =	simm.s32 @p2 $0x1  }
0x17: {  	s4 =	simm.s32 $0x1BF5;
	[smem:$0x3FB3] =	sst s0  }
0x18: {  	s0 =	sld [smem:$0x3F96];
	_ =	swait.ge [sflag:s4], $0x0  }
0x19: {  	s7 =	sld [smem:$0x3F97]  }
0x1a: {  	s8 =	sadd.s32 $0xFFFFE003, lr  }
0x1b: {  	s9 =	sadd.s32 $0xFFFFFEF7, lr;
	s5 =	simm.s32 $0xFFFFFFFF;
	p2 =	slt.u32 s8, $0xFFFFF086  }
0x1c: {  	p1 =	slt.u32 s9, $0xF7A;
	s5 =	simm.s32 @!p2 $0x0  }
0x1d: {  	s5 =	simm.s32 @p1 $0x1;
	p0 =	seq.s32 s7, s2  }
0x1e: {  	s7 =	smul.u32 @!p0 $0xF7A, s2;
	p2 =	seq.s32 @!p0 s5, $0x0  }
0x1f: {  	s9 =	smul.u32 $0xF7A, s1;
	s8 =	simm.s32 @!p0 $0x1BF5;
	p2 =	por !p2, p0  }
0x20: {  	[sflag:s8] =	ssyncset.s32 @!p0 $0xFFFFF086;
	s6 =	sadd.s32 @!p0 s3, s7;
	s7 =	simm.s32 @!p0 $0x108  }
0x21: {  	s3 =	sadd.s32 s3, s9;
	s6 =	sadd.s32 @!p0 $0x88, s6;
	s7 =	simm.s32 @p2 $0x1082  }
0x22: {  	[simem:s7], [sflag:s8] =	dma.local @!p0 [hbm:s6], $0xF7A  }
0x23: {  	s9 =	sor.u32 $0xD0000000, s2;
	s6 =	simm.s32 $0x108;
	_ =	swait.ge @!p0 [sflag:s8], $0x0  }
0x24: {  	s3 =	sadd.s32 $0x88, s3;
	s6 =	simm.s32 @!p1 $0x1082;
	[sflag:s4] =	ssyncset.s32 $0xFFFFF086  }
0x25: {  	[simem:s6], [sflag:s4] =	dma.local [hbm:s3], $0xF7A  }
0x26: {  	[smem:$0x3F97] =	sst s1;
	(tag) =	ssettag s2;
	_ =	strace s9  }
0x27: {  	s1 =	sld [smem:$0x3FA7]  }
0x28: {  	s2 =	sld [smem:$0x3FA8]  }
0x29: {  	s4 =	sld [smem:$0x3FAA]  }
0x2a: {  	p0 =	seq.s32 s5, $0x0;
	s5 =	sld [smem:$0x3FAB]  }
0x2b: {  	s6 =	sld [smem:$0x3FAC]  }
0x2c: {  	s7 =	sld [smem:$0x3FAD]  }
0x2d: {  	s3 =	simm.s32 $0x108;
	s8 =	sld [smem:$0x3FAE]  }
0x2e: {  	s3 =	simm.s32 @!p0 $0x1082;
	s9 =	sld [smem:$0x3FAF]  }
0x2f: {  	lr =	sadd.s32 s0, s3;
	s0 =	sld [smem:$0x3FA6]  }
0x30: {  	s3 =	sld [smem:$0x3FA9]  }
0x31: {  	[smem:$0x3FB2] =	sst s10  }
0x32: {  	s10 =	sld [smem:$0x3FB0];
	_ =	sdelay $0x3  }
0x33: {  	p0 =	seq.s32 s10, $0x1;
	s10 =	sld [smem:$0x3FB2];
	_ =	sdelay $0x3  }
0x34: {  	[smem:$0x3FB2] =	sst s10  }
0x35: {  	s10 =	sld [smem:$0x3FB1];
	_ =	sdelay $0x3  }
0x36: {  	p1 =	seq.s32 s10, $0x1;
	s10 =	sld [smem:$0x3FB2];
	_ =	sdelay $0x3  }
0x37: {  	[smem:$0x3FB2] =	sst s10  }
0x38: {  	s10 =	sld [smem:$0x3FB3]  }
0x39: {  	_ = 	snop;
	(pc) =	sbr.ind lr, $3  }
0x3a: {  	_ = 	snop  }
0x3b: {  	_ = 	snop  }
0x3c: {  	p2 =	seq.s32 s10, $0x1;
	s10 =	sld [smem:$0x3FB2]  }
0x3d: {  	_ =	shalt  }
0x3e: {  	_ =	shalt  }
0x3f: {  	_ =	shalt  }
0x40: {  	_ =	shalt  }
0x41: {  	_ =	shalt  }
0x42: {  	_ =	shalt  }
0x43: {  	_ =	shalt  }
0x44: {  	_ =	shalt  }
0x45: {  	_ =	shalt  }
0x46: {  	_ =	shalt  }
0x47: {  	_ =	shalt  }
0x48: {  	_ =	shalt  }
0x49: {  	_ =	shalt  }
0x4a: {  	_ =	shalt  }
0x4b: {  	_ =	shalt  }
0x4c: {  	_ =	shalt  }
0x4d: {  	_ =	shalt  }
0x4e: {  	_ =	shalt  }
0x4f: {  	_ =	shalt  }
0x50: {  	_ =	shalt  }
0x51: {  	_ =	shalt  }
0x52: {  	_ =	shalt  }
0x53: {  	_ =	shalt  }
0x54: {  	_ =	shalt  }
0x55: {  	_ =	shalt  }
0x56: {  	_ =	shalt  }
0x57: {  	_ =	shalt  }
0x58: {  	_ =	shalt  }
0x59: {  	_ =	shalt  }
0x5a: {  	_ =	shalt  }
0x5b: {  	_ =	shalt  }
0x5c: {  	_ =	shalt  }
0x5d: {  	_ =	shalt  }
0x5e: {  	_ =	shalt  }
0x5f: {  	_ =	shalt  }
0x60: {  	_ =	shalt  }
0x61: {  	_ =	shalt  }
0x62: {  	_ =	shalt  }
0x63: {  	_ =	shalt  }
0x64: {  	_ =	shalt  }
0x65: {  	_ =	shalt  }
0x66: {  	_ =	shalt  }
0x67: {  	_ =	shalt  }
0x68: {  	_ =	shalt  }
0x69: {  	_ =	shalt  }
0x6a: {  	_ =	shalt  }
0x6b: {  	_ =	shalt  }
0x6c: {  	_ =	shalt  }
0x6d: {  	_ =	shalt  }
0x6e: {  	_ =	shalt  }
0x6f: {  	_ =	shalt  }
0x70: {  	_ =	shalt  }
0x71: {  	_ =	shalt  }
0x72: {  	_ =	shalt  }
0x73: {  	_ =	shalt  }
0x74: {  	_ =	shalt  }
0x75: {  	_ =	shalt  }
0x76: {  	_ =	shalt  }
0x77: {  	_ =	shalt  }
0x78: {  	_ =	shalt  }
0x79: {  	_ =	shalt  }
0x7a: {  	_ =	shalt  }
0x7b: {  	_ =	shalt  }
0x7c: {  	_ =	shalt  }
0x7d: {  	_ =	shalt  }
0x7e: {  	_ =	shalt  }
0x7f: {  	_ =	shalt  }
0x80: {  	_ =	shalt  }
0x81: {  	_ =	shalt  }
0x82: {  	_ =	shalt  }
0x83: {  	_ =	shalt  }
0x84: {  	_ =	shalt  }
0x85: {  	_ =	shalt  }
0x86: {  	_ =	shalt  }
0x87: {  	_ =	shalt  }
.Lfunc_end0:
.L_simem_size_0:
called_computation_lowered:
.L_overlay_start_0:
0x88: {  	s2 =	sld [smem:$0x3FD9]  }
0x89: {  	s3 =	sld [smem:$0x3FFE];
	_ =	sdelay $0x1  }
0x8a: {  	s1 =	srdreg.scid  }
0x8b: {  	s0 =	sand.u32 $0x1, s1  }
0x8c: {  	s17 =	sshll.u32 s0, $0xA;
	s2 =	sadd.s32 s3, s2  }
0x8d: {  	s2 =	sadd.s32 s2, s17  }
0x8e: {  	[smem:$0x3FBE] =	sst s2  }
0x8f: {  	_ = 	snop  }
0x90: {  	s2 =	sld [smem:$0x3FD0];
	(tm) =	ssettm $0x1  }
0x91: {  	s18 =	sld [smem:$0x3FFB];
	_ =	sdelay $0x3  }
0x92: {  	_ =	strace s18  }
0x93: {  	s3 =	sld [smem:$0x3FFC];
	_ =	sdelay $0x3  }
0x94: {  	_ =	strace s3  }
0x95: {  	s3 =	sld [smem:$0x3FFD];
	_ =	sdelay $0x3  }
0x96: {  	_ =	strace s3  }
0x97: {  	_ =	strace $0x8FFFFFFF  }
0x98: {  	s19 =	sld [smem:$0x3FDB];
	_ =	sdelay $0x1  }
0x99: {  	s4 =	simm.s32 $_scs_section_size  }
0x9a: {  	s5 =	simm.s32 $_size__tile_overlayer_lowered;
	s6 =	simm.s32 $_tile_overlayer_lowered  }
0x9b: {  	s22 =	simm.s32 $0x1BFF;
	s21 =	sshll.u32 s6, $0x1;
	s3 =	sadd.s32 s4, s19  }
0x9c: {  	s7 =	simm.s32 $0x0;
	s20 =	sshll.u32 s5, $0x1;
	s5 =	sadd.s32 s21, s3  }
0x9d: {  	[timem:s7], [sflag:s22] =	dma.local [hbm:s5], s20  }
0x9e: {  	_ =	swait.ge [sflag:s22], s20  }
0x9f: {  	s4 =	ssub.s32 $0x0, s20;
	[sflag:s22] =	ssyncset.done $0x0  }
0xa0: {  	[sflag:s22] =	ssyncadd.s32 s4;
	_ =	sdelay $0x1  }
0xa1: {  	s23 =	simm.s32 $0x1B8B  }
0xa2: {  	_ =	swait.ge [sflag:s23], $0x1  }
0xa3: {  	[sflag:s23] =	ssyncset.done $0x0  }
0xa4: {  	s25 =	simm.s32 $0x1B8E;
	s24 =	sld [smem:$0x3FFE];
	[sflag:s23] =	ssyncadd.s32 $0xFFFFFFFF  }
0xa5: {  	s26 =	simm.s32 $execute0_lowered;
	[smem:$0x3FD2] =	sst s25  }
0xa6: {  	s5 =	sshll.u32 s26, $0x1;
	_ =	strace $0x80000046;
	[dreg:$0x1] =	wrdreg $0xFFFFFFFF  }
0xa7: {  	s28 =	simm.s32 $_size_execute0_lowered;
	s3 =	sadd.s32 s3, s5;
	[dreg:$0x0] =	wrdreg $0x0  }
0xa8: {  	s5 =	sshll.u32 s28, $0x1;
	[dreg:$0x2] =	wrdreg s3  }
0xa9: {  	[dreg:$0x3] =	wrdreg s5  }
0xaa: {  	[dreg:$0x4] =	wrdreg $0xC0  }
0xab: {  	_ =	task [dreg:s7], $0x5FFFF  }
0xac: {  	[dreg:$0x1] =	wrdreg $0xFFFFFFFF  }
0xad: {  	[dreg:$0x0] =	wrdreg $0x60  }
0xae: {  	[dreg:$0x2] =	wrdreg s2  }
0xaf: {  	[dreg:$0x3] =	wrdreg s24  }
0xb0: {  	[dreg:$0x4] =	wrdreg $0x99000  }
0xb1: {  	[dreg:$0x5] =	wrdreg $0x9  }
0xb2: {  	_ =	task.clear_ibuf [dreg:s7], $0x6FFFF;
	_ =	strace $0x90000046  }
0xb3: {  	s29 =	simm.s32 $0x9;
	_ =	strace $0x80000048  }
0xb4: {  	_ =	swait.ge [sflag:s29], $0x1  }
0xb5: {  	[sflag:s29] =	ssyncadd.s32 $0xFFFFFFFF  }
0xb6: {  	_ =	strace $0x90000048  }
0xb7: {  	_ =	sfence  }
0xb8: {  	s30 =	sld [smem:$0x0];
	_ =	sdelay $0x2  }
0xb9: {  	s31 =	sshll.u32 s1, $0xD;
	s1 =	sshrl.u32 s1, $0x2  }
0xba: {  	s3 =	sand.u32 $0x4000, s31;
	s1 =	sadd.s32 s1, s30  }
0xbb: {  	s0 =	sor.u32 s3, s0;
	s1 =	sshll.u32 s1, $0x11  }
0xbc: {  	s0 =	sor.u32 s1, s0  }
0xbd: {  	s0 =	sadd.s32 $0x8F2B, s0  }
0xbe: {  	[sflag:s0] =	ssyncadd.remote.s32 $0x1  }
0xbf: {  	_ =	sfence.sel $0xFFFF  }
0xc0: {  	[dreg:$0x0] =	wrdreg $0xFFFFFFFF;
	(pc) =	sbr.abs _section_cstart, $3  }
0xc1: {  	[dreg:$0x1] =	wrdreg $0xFFFFFFFF  }
0xc2: {  	_ =	task.clear_ibuf [dreg:s7], $0x2FFFF;
	_ =	strace $0x9FFFFFFF  }
0xc3: {  	(tm) =	ssettm $0x7FFFFFFF  }
tec
execute0_lowered:
.L_overlay_start_1:
0x0: {  	(tag) =	ssettag $0x1  }
0x1: {  	s1 =	rddreg [dreg:$0x0]  }
0x2: {  	s0 =	rddreg [dreg:$0x1]  }
0x3: {  	s2 =	rddreg [dreg:$0x2]  }
0x4: {  	s3 =	srdreg.scid;
	s4 =	simm.s32 $0x0;
	s14 =	stileid.u32  }
0x5: {  	s28 =	simm.s32 $0x1;
	s29 =	simm.s32 $0x80;
	s30 =	simm.s32 $0x100  }
0x6: {  	s31 =	simm.s32 $0x900;
	s3 =	sand.u32 $0x1, s3;
	[smem:$0x7FF] =	sst s4  }
0x7: {  	s10 =	smul.u32 $0x5, s14;
	s6 =	sadd.s32 $0x2DA00, s0;
	s8 =	sadd.s32 $0x28A00, s0  }
0x8: {  	s9 =	sadd.s32 $0xE00, s0;
	s12 =	smul.u32 $0x16530, s14;
	s5 =	sshll.u32 s3, $0x4  }
0x9: {  	_ =	strace $0x80000047;
	s11 =	smul.u32 $0x165300, s3;
	s3 =	ssub.s32 $0x2, s3  }
0xa: {  	s7 =	sor.u32 s14, s5;
	s5 =	sadd.s32 $0x32A00, s0;
	s14 =	smul.u32 $0x594C0, s14  }
0xb: {  	s0 =	sadd.s32 $0x3CC00, s0;
	s10 =	sadd.s32 $0x1, s10;
	s7 =	smul.u32 $0x51, s7  }
0xc: {  	s13 =	sshrl.u32 s3, $0x1;
	s21 =	sadd.s32 $0xD650, s12;
	s15 =	smul.u32 $0x11DC0, s10  }
0xd: {  	s3 =	ssub.s32 s3, s13;
	s26 =	sadd.s32 s11, s12;
	s10 =	smul.u32 $0x4770, s10  }
0xe: {  	s24 =	sadd.s32 s11, s21;
	s13 =	sshrl.u32 s26, $0x3;
	s16 =	sshrl.u32 s14, $0x2  }
0xf: {  	s3 =	smax.u32 s3, $0x1;
	s18 =	sadd.s32 $0x23B80, s14;
	s25 =	sadd.s32 $0x35940, s14  }
0x10: {  	s26 =	sadd.s32 $0x47700, s14;
	s13 =	sadd.s32 s0, s13;
	[dreg:$0x5] =	wrdreg s3  }
0x11: {  	s16 =	sadd.s32 s16, s2;
	s17 =	sshrl.u32 s15, $0x2;
	s19 =	sadd.s32 s11, s10  }
0x12: {  	s20 =	sshrl.u32 s18, $0x2;
	s14 =	sshrl.u32 s26, $0x2;
	[dreg:$0x4] =	wrdreg s13  }
0x13: {  	[dreg:$0x6] =	wrdreg s16;
	s3 =	sadd.s32 s17, s2;
	s22 =	sshrl.u32 s19, $0x3  }
0x14: {  	s16 =	sshrl.u32 s24, $0x3;
	s18 =	sadd.s32 s20, s2;
	s20 =	sadd.s32 s14, s2  }
0x15: {  	[dreg:$0x7] =	wrdreg s3;
	s13 =	sadd.s32 s0, s22;
	s22 =	sadd.s32 $0x11DC0, s12  }
0x16: {  	s16 =	sadd.s32 s0, s16;
	[dreg:$0x8] =	wrdreg s13;
	s13 =	sadd.s32 $0x8EE0, s12  }
0x17: {  	s26 =	sadd.s32 s22, s2;
	s23 =	sadd.s32 s11, s13;
	s11 =	sadd.s32 s11, s22  }
0x18: {  	s24 =	sadd.s32 s13, s2;
	s15 =	sshrl.u32 s23, $0x3;
	s11 =	sshrl.u32 s11, $0x3  }
0x19: {  	s23 =	sadd.s32 s10, s2;
	s15 =	sadd.s32 s0, s15;
	s17 =	sadd.s32 s0, s11  }
0x1a: {  	s0 =	sshrl.u32 s25, $0x2;
	s25 =	sadd.s32 s21, s2;
	s22 =	sshrl.u32 s23, $0x3  }
0x1b: {  	s23 =	sshrl.u32 s24, $0x3;
	[dreg:$0x9] =	wrdreg s15;
	s19 =	sadd.s32 s0, s2  }
0x1c: {  	s15 =	sadd.s32 s12, s2;
	s24 =	sshrl.u32 s25, $0x3;
	s25 =	sshrl.u32 s26, $0x3  }
0x1d: {  	v0 =	vimm.f32 $0.0e+00;
	s26 =	simm.s32 $0x5100;
	s0 =	simm.s32 $0x1100;
	s21 =	sshrl.u32 s15, $0x3  }
.LBB2_1:
0x1e: {  	s3 =	simm.s32 $0x0;
	s10 =	simm.s32 $0x240  }
.LBB2_2:
0x1f: {  	p0 =	sne.s32 s10, $0x11DC0;
	[tilespmem:s3+$0x5180] =	vst v0  }
0x20: {  	[tilespmem:s3+$0x5100] =	vst v0  }
0x21: {  	[tilespmem:s3+$0x5110] =	vst v0  }
0x22: {  	[tilespmem:s3+$0x5120] =	vst v0  }
.Ltmp0:
0x23: {  	[tilespmem:s3+$0x5130] =	vst v0;
	(pc) =	sbr.rel @p0 .LBB2_2-.Ltmp0, $4  }
0x24: {  	[tilespmem:s3+$0x5140] =	vst v0  }
0x25: {  	[tilespmem:s3+$0x5150] =	vst v0  }
0x26: {  	[tilespmem:s3+$0x5160] =	vst v0  }
0x27: {  	[tilespmem:s3+$0x5170] =	vst v0;
	s3 =	sshra.s32 s10, $0x2;
	s10 =	sadd.s32 $0x240, s10  }
0x28: {  	[tilespmem:s3+$0x5180] =	vst v0  }
0x29: {  	[tilespmem:s3+$0x5100] =	vst v0  }
0x2a: {  	[tilespmem:s3+$0x5110] =	vst v0  }
0x2b: {  	[tilespmem:s3+$0x5120] =	vst v0  }
0x2c: {  	[tilespmem:s3+$0x5130] =	vst v0  }
0x2d: {  	[tilespmem:s3+$0x5140] =	vst v0  }
0x2e: {  	[tilespmem:s3+$0x5150] =	vst v0  }
0x2f: {  	[tilespmem:s3+$0x5160] =	vst v0  }
0x30: {  	[tilespmem:s3+$0x5170] =	vst v0;
	s14 =	rddreg [dreg:$0x6]  }
0x31: {  	[spmem:s14] =	stream.linear.scatter [tilespmem:s26], [sflag:$0x1], $0x4770, $0x38;
	[tilespmem:$0x1FE30] =	vst v63  }
0x32: {  	_ =	swait.ge [sflag:s28], $0x4770  }
0x33: {  	[sflag:s28] =	ssyncset.done $0x0  }
0x34: {  	s15 =	rddreg [dreg:$0x7];
	[sflag:s28] =	ssyncadd.s32 $0xFFFFB890  }
0x35: {  	[spmem:s15] =	stream.linear.scatter [tilespmem:s26], [sflag:$0x1], $0x4770, $0x38;
	[tilespmem:$0x1FE30] =	vst v63  }
0x36: {  	_ =	swait.ge [sflag:s28], $0x4770  }
0x37: {  	[sflag:s28] =	ssyncset.done $0x0  }
0x38: {  	[sflag:s28] =	ssyncadd.s32 $0xFFFFB890  }
0x39: {  	[spmem:s18] =	stream.linear.scatter [tilespmem:s26], [sflag:$0x1], $0x4770, $0x38;
	[tilespmem:$0x1FE30] =	vst v63  }
0x3a: {  	_ =	swait.ge [sflag:s28], $0x4770  }
0x3b: {  	[sflag:s28] =	ssyncset.done $0x0  }
0x3c: {  	[sflag:s28] =	ssyncadd.s32 $0xFFFFB890  }
0x3d: {  	[spmem:s19] =	stream.linear.scatter [tilespmem:s26], [sflag:$0x1], $0x4770, $0x38;
	[tilespmem:$0x1FE30] =	vst v63  }
0x3e: {  	_ =	swait.ge [sflag:s28], $0x4770  }
0x3f: {  	[sflag:s28] =	ssyncset.done $0x0  }
0x40: {  	[sflag:s28] =	ssyncadd.s32 $0xFFFFB890  }
0x41: {  	[spmem:s20] =	stream.linear.scatter [tilespmem:s26], [sflag:$0x1], $0x4770, $0x38;
	[tilespmem:$0x1FE30] =	vst v63  }
0x42: {  	_ =	swait.ge [sflag:s28], $0x4770  }
0x43: {  	[sflag:s28] =	ssyncset.done $0x0  }
0x44: {  	[sflag:s28] =	ssyncadd.s32 $0xFFFFB890  }
0x45: {  	s3 =	simm.s32 $0x0;
	s10 =	simm.s32 $0x0;
	[bflag:$0x0] =	sbarrier.arrive $0xFFFF  }
.LBB2_4:
0x46: {  	s11 =	sadd.s32 s7, s10  }
0x47: {  	s11 =	sshll.u32 s11, $0x4  }
0x48: {  	s12 =	sadd.s32 s1, s11  }
0x49: {  	[tilespmem:s3], [sflag:$0x1] =	stream.linear.gather [hbm4b:s12+s3], $0x80, $0x38;
	[tilespmem:$0x1FE30] =	vst v63  }
0x4a: {  	_ =	swait.ge [sflag:s28], $0x80  }
0x4b: {  	[sflag:s28] =	ssyncset.done $0x0  }
0x4c: {  	s11 =	sadd.s32 s5, s11;
	[sflag:s28] =	ssyncadd.s32 $0xFFFFFF80  }
0x4d: {  	[tilespmem:s29], [sflag:$0x1] =	stream.linear.gather [hbm4b:s11+s3], $0x80, $0x38;
	[tilespmem:$0x1FE30] =	vst v63  }
0x4e: {  	_ =	swait.ge [sflag:s28], $0x80  }
0x4f: {  	[sflag:s28] =	ssyncset.done $0x0  }
0x50: {  	[sflag:s28] =	ssyncadd.s32 $0xFFFFFF80  }
0x51: {  	[tilespmem:s30], [sflag:$0x1] =	stream.indirect.gather [hbm4b:s6+s29], $0x10, s3, s29, $0xb8;
	[tilespmem:$0x1FE30] =	vst v63  }
0x52: {  	_ =	swait.ge [sflag:s28], $0x800  }
0x53: {  	[sflag:s28] =	ssyncset.done $0x0  }
0x54: {  	[sflag:s28] =	ssyncadd.s32 $0xFFFFF800  }
0x55: {  	[tilespmem:s31], [sflag:$0x1] =	stream.indirect.gather [hbm4b:s8+s29], $0x10, s29, s29, $0xb8;
	[tilespmem:$0x1FE30] =	vst v63  }
0x56: {  	_ =	swait.ge [sflag:s28], $0x800  }
0x57: {  	[sflag:s28] =	ssyncset.done $0x0  }
0x58: {  	[sflag:s28] =	ssyncadd.s32 $0xFFFFF800  }
0x59: {  	[tilespmem:s0], [sflag:$0x1] =	stream.indirect.gather [hbm4b:s9+s29], $0x80, s3, s29, $0xb8;
	[tilespmem:$0x1FE30] =	vst v63  }
0x5a: {  	_ =	swait.ge [sflag:s28], $0x4000  }
0x5b: {  	[sflag:s28] =	ssyncset.done $0x0  }
0x5c: {  	s15 =	simm.s32 $0x0;
	[sflag:s28] =	ssyncadd.s32 $0xFFFFC000  }
0x5d: {  	v1 =	vld [tilespmem:s15+$0x100]  }
0x5e: {  	v2 =	vld [tilespmem:s15+$0x900];
	_ =	sdelay $0x4  }
0x5f: {  	v1 =	vadd.f32 v2, v1;
	_ =	sdelay $0x1  }
0x60: {  	v2 =	vmul.f32 $2.000000030e-01, v1;
	_ =	sdelay $0x1  }
0x61: {  	v1 =	vmax.f32 v1, v2  }
0x62: {  	v1 =	vmul.f32 $1.442695020e+00, v1;
	_ =	sdelay $0x1  }
0x63: {  	(erf) = vpow2.f32 v1;
	_ =	sdelay $0x8  }
0x64: {  	s11 =	simm.s32 $0x5140;
	v1 =	vpop (erf)  }
0x65: {  	s12 =	simm.s32 $0x1140;
	[tilespmem:s11+$0x40] =	vst v1  }
0x66: {  	v2 =	vld [tilespmem:s12+$0xFFFFFFC0];
	_ =	sdelay $0x2  }
0x67: {  	v3 =	vbroadcast v1, $0x0;
	_ =	sdelay $0x1  }
0x68: {  	v2 =	vmul.f32 v3, v2;
	_ =	sdelay $0x1  }
0x69: {  	[tilespmem:s11+$0xFFFFFFC0] =	vst v2  }
0x6a: {  	v2 =	vld [tilespmem:s12+$0xFFFFFFD0];
	_ =	sdelay $0x2  }
0x6b: {  	v3 =	vbroadcast v1, $0x1;
	_ =	sdelay $0x1  }
0x6c: {  	v2 =	vmul.f32 v3, v2;
	_ =	sdelay $0x1  }
0x6d: {  	[tilespmem:s11+$0xFFFFFFD0] =	vst v2  }
0x6e: {  	v2 =	vld [tilespmem:s12+$0xFFFFFFE0];
	_ =	sdelay $0x2  }
0x6f: {  	v3 =	vbroadcast v1, $0x2;
	_ =	sdelay $0x1  }
0x70: {  	v2 =	vmul.f32 v3, v2;
	_ =	sdelay $0x1  }
0x71: {  	[tilespmem:s11+$0xFFFFFFE0] =	vst v2  }
0x72: {  	v2 =	vld [tilespmem:s12+$0xFFFFFFF0];
	_ =	sdelay $0x2  }
0x73: {  	v3 =	vbroadcast v1, $0x3;
	_ =	sdelay $0x1  }
0x74: {  	v2 =	vmul.f32 v2, v3;
	_ =	sdelay $0x1  }
0x75: {  	[tilespmem:s11+$0xFFFFFFF0] =	vst v2  }
0x76: {  	v2 =	vld [tilespmem:s12+$0x0];
	_ =	sdelay $0x2  }
0x77: {  	v3 =	vbroadcast v1, $0x4;
	_ =	sdelay $0x1  }
0x78: {  	v2 =	vmul.f32 v2, v3;
	_ =	sdelay $0x1  }
0x79: {  	[tilespmem:s11+$0x0] =	vst v2  }
0x7a: {  	v2 =	vld [tilespmem:s12+$0x10];
	_ =	sdelay $0x2  }
0x7b: {  	v3 =	vbroadcast v1, $0x5;
	_ =	sdelay $0x1  }
0x7c: {  	v2 =	vmul.f32 v2, v3;
	_ =	sdelay $0x1  }
0x7d: {  	[tilespmem:s11+$0x10] =	vst v2  }
0x7e: {  	v2 =	vld [tilespmem:s12+$0x20];
	_ =	sdelay $0x2  }
0x7f: {  	v3 =	vbroadcast v1, $0x6;
	_ =	sdelay $0x1  }
0x80: {  	v2 =	vmul.f32 v2, v3;
	_ =	sdelay $0x1  }
0x81: {  	[tilespmem:s11+$0x20] =	vst v2  }
0x82: {  	v2 =	vld [tilespmem:s12+$0x30];
	_ =	sdelay $0x2  }
0x83: {  	v1 =	vbroadcast v1, $0x7;
	_ =	sdelay $0x1  }
0x84: {  	s13 =	simm.s32 $0x40;
	s14 =	simm.s32 $0x5140;
	v1 =	vmul.f32 v2, v1  }
.LBB2_5:
0x85: {  	p0 =	sne.s32 s13, $0x1FC0;
	s12 =	sadd.s32 $0x80, s12;
	s11 =	sadd.s32 $0x90, s11  }
0x86: {  	s15 =	sshra.s32 s13, $0x2;
	s13 =	sadd.s32 $0x40, s13;
	[tilespmem:s14+$0x30] =	vst v1;
	s14 =	smov.u32 s11  }
0x87: {  	v1 =	vld [tilespmem:s15+$0x100]  }
0x88: {  	v2 =	vld [tilespmem:s15+$0x900];
	_ =	sdelay $0x4  }
0x89: {  	v1 =	vadd.f32 v2, v1;
	_ =	sdelay $0x1  }
0x8a: {  	v2 =	vmul.f32 $2.000000030e-01, v1;
	_ =	sdelay $0x1  }
0x8b: {  	v1 =	vmax.f32 v1, v2  }
0x8c: {  	v1 =	vmul.f32 $1.442695020e+00, v1;
	_ =	sdelay $0x1  }
0x8d: {  	(erf) = vpow2.f32 v1;
	_ =	sdelay $0x8  }
0x8e: {  	v1 =	vpop (erf)  }
0x8f: {  	[tilespmem:s11+$0x40] =	vst v1  }
0x90: {  	v2 =	vld [tilespmem:s12+$0xFFFFFFC0];
	_ =	sdelay $0x1  }
0x91: {  	v3 =	vbroadcast v1, $0x0;
	_ =	sdelay $0x2  }
0x92: {  	v2 =	vmul.f32 v3, v2;
	_ =	sdelay $0x1  }
0x93: {  	[tilespmem:s11+$0xFFFFFFC0] =	vst v2  }
0x94: {  	v2 =	vld [tilespmem:s12+$0xFFFFFFD0];
	_ =	sdelay $0x1  }
0x95: {  	v3 =	vbroadcast v1, $0x1;
	_ =	sdelay $0x2  }
0x96: {  	v2 =	vmul.f32 v3, v2;
	_ =	sdelay $0x1  }
0x97: {  	[tilespmem:s11+$0xFFFFFFD0] =	vst v2  }
0x98: {  	v2 =	vld [tilespmem:s12+$0xFFFFFFE0];
	_ =	sdelay $0x1  }
0x99: {  	v3 =	vbroadcast v1, $0x2;
	_ =	sdelay $0x2  }
0x9a: {  	v2 =	vmul.f32 v3, v2;
	_ =	sdelay $0x1  }
0x9b: {  	[tilespmem:s11+$0xFFFFFFE0] =	vst v2  }
0x9c: {  	v2 =	vld [tilespmem:s12+$0xFFFFFFF0];
	_ =	sdelay $0x1  }
0x9d: {  	v3 =	vbroadcast v1, $0x3;
	_ =	sdelay $0x2  }
0x9e: {  	v2 =	vmul.f32 v2, v3;
	_ =	sdelay $0x1  }
0x9f: {  	[tilespmem:s11+$0xFFFFFFF0] =	vst v2  }
0xa0: {  	v2 =	vld [tilespmem:s12+$0x0];
	_ =	sdelay $0x1  }
0xa1: {  	v3 =	vbroadcast v1, $0x4;
	_ =	sdelay $0x2  }
0xa2: {  	v2 =	vmul.f32 v2, v3;
	_ =	sdelay $0x1  }
0xa3: {  	[tilespmem:s11+$0x0] =	vst v2  }
0xa4: {  	v2 =	vld [tilespmem:s12+$0x10];
	_ =	sdelay $0x1  }
0xa5: {  	v3 =	vbroadcast v1, $0x5;
	_ =	sdelay $0x2  }
0xa6: {  	v2 =	vmul.f32 v2, v3;
	_ =	sdelay $0x1  }
0xa7: {  	[tilespmem:s11+$0x10] =	vst v2  }
0xa8: {  	v2 =	vld [tilespmem:s12+$0x20];
	_ =	sdelay $0x1  }
0xa9: {  	v3 =	vbroadcast v1, $0x6;
	_ =	sdelay $0x2  }
0xaa: {  	v2 =	vmul.f32 v2, v3;
	_ =	sdelay $0x1  }
0xab: {  	[tilespmem:s11+$0x20] =	vst v2  }
0xac: {  	v2 =	vld [tilespmem:s12+$0x30]  }
.Ltmp1:
0xad: {  	(pc) =	sbr.rel @p0 .LBB2_5-.Ltmp1, $2  }
0xae: {  	v1 =	vbroadcast v1, $0x7;
	_ =	sdelay $0x2  }
0xaf: {  	v1 =	vmul.f32 v2, v1  }
0xb0: {  	s10 =	sadd.s32 $0x1, s10  }
0xb1: {  	p0 =	sne.s32 s10, $0x51  }
.Ltmp2:
0xb2: {  	[tilespmem:s14+$0x30] =	vst v1;
	(pc) =	sbr.rel @p0 .LBB2_4-.Ltmp2, $4  }
0xb3: {  	[spmem:s2] =	stream.indirect.scatter.add.f32 [tilespmem:s26], [sflag:$0x1], $0x90, s29, s29, $0xb8;
	[tilespmem:$0x1FE30] =	vst v63  }
0xb4: {  	_ =	swait.ge [sflag:s28], $0x4800  }
0xb5: {  	[sflag:s28] =	ssyncset.done $0x0  }
0xb6: {  	[sflag:s28] =	ssyncadd.s32 $0xFFFFB800  }
0xb7: {  	s3 =	stileid.u32  }
0xb8: {  	[bflag:$0x0] =	sbarrier.arrive $0xFFFF;
	s3 =	sshll.u32 s3, $0x6  }
0xb9: {  	s10 =	rddreg [dreg:$0x4];
	s3 =	sor.u32 $0x1C01, s3  }
0xba: {  	[hbm:s10], [sflag:s3] =	dma.local [spmem:s21], $0x8EE  }
0xbb: {  	_ =	swait.ge [sflag:s28], $0x8EE  }
0xbc: {  	[sflag:s28] =	ssyncset.done $0x0  }
0xbd: {  	s13 =	rddreg [dreg:$0x8];
	[sflag:s28] =	ssyncadd.s32 $0xFFFFF712  }
0xbe: {  	[hbm:s13], [sflag:s3] =	dma.local [spmem:s22], $0x8EE  }
0xbf: {  	_ =	swait.ge [sflag:s28], $0x8EE  }
0xc0: {  	[sflag:s28] =	ssyncset.done $0x0  }
0xc1: {  	s14 =	rddreg [dreg:$0x9];
	[sflag:s28] =	ssyncadd.s32 $0xFFFFF712  }
0xc2: {  	[hbm:s14], [sflag:s3] =	dma.local [spmem:s23], $0x8EE  }
0xc3: {  	_ =	swait.ge [sflag:s28], $0x8EE  }
0xc4: {  	[sflag:s28] =	ssyncset.done $0x0  }
0xc5: {  	[sflag:s28] =	ssyncadd.s32 $0xFFFFF712  }
0xc6: {  	[hbm:s16], [sflag:s3] =	dma.local [spmem:s24], $0x8EE  }
0xc7: {  	_ =	swait.ge [sflag:s28], $0x8EE  }
0xc8: {  	[sflag:s28] =	ssyncset.done $0x0  }
0xc9: {  	[sflag:s28] =	ssyncadd.s32 $0xFFFFF712  }
0xca: {  	[hbm:s17], [sflag:s3] =	dma.local [spmem:s25], $0x8EE  }
0xcb: {  	_ =	swait.ge [sflag:s28], $0x8EE  }
0xcc: {  	s4 =	sadd.s32 $0x1, s4;
	s15 =	rddreg [dreg:$0x5]  }
0xcd: {  	p0 =	sne.s32 s4, s15  }
.Ltmp3:
0xce: {  	_ = 	snop;
	(pc) =	sbr.rel @p0 .LBB2_1-.Ltmp3, $3  }
0xcf: {  	_ =	sdelay $0x1  }
0xd0: {  	[sflag:s28] =	ssyncset.done $0x0  }
0xd1: {  	[sflag:s28] =	ssyncadd.s32 $0xFFFFF712  }
0xd2: {  	_ =	sfence.sel $0x180000  }
0xd3: {  	[bflag:$0x0] =	sbarrier.arrive $0xFFFF  }
0xd4: {  	_ =	strace $0x90000047  }
0xd5: {  	s0 =	stileid.u32;
	[bflag:$0x2] =	sbarrier.arrive $0xFFFF  }
0xd6: {  	p0 =	sne.s32 s0, $0x0;
	s0 =	rddreg [dreg:$0x3]  }
0xd7: {  	s0 =	sadd.s32 @!p0 $0x100000, s0  }
0xd8: {  	[sflag:s0] =	ssyncadd.tile.s32 @!p0 $0x1;
	_ =	shalt  }
.Lfunc_end2:
_tile_overlayer_lowered:
.L_overlay_start_2:
0xd9: {  	(tag) =	ssettag $0x2  }
0xda: {  	s0 =	rddreg [dreg:$0x0];
	s2 =	stileid.u32  }
0xdb: {  	s1 =	rddreg [dreg:$0x1];
	p0 =	sne.s32 s2, $0x0  }
0xdc: {  	s3 =	rddreg [dreg:$0x2];
	[bflag:$0x3] =	sbarrier.arrive $0xFFFF;
	s2 =	simm.s32 @!p0 $0x1C01  }
0xdd: {  	[timem:s3], [sflag:s2] =	dma.local @!p0 [hbm:s0], s1  }
0xde: {  	s0 =	simm.s32 @!p0 $0x1  }
0xdf: {  	_ =	swait.ge @!p0 [sflag:s0], s1  }
0xe0: {  	s1 =	ssub.s32 @!p0 $0x0, s1;
	[sflag:s0] =	ssyncset.done @!p0 $0x0  }
0xe1: {  	[sflag:s0] =	ssyncadd.s32 @!p0 s1  }
0xe2: {  	[bflag:$0x3] =	sbarrier.arrive $0xFFFF  }
0xe3: {  	_ =	shalt  }

</sc_bundles>
